<compile_context>
chip_gen: v7x
topology: tpu7x:2x2x1
jax: 0.10.2.dev20260603
libtpu: 0.0.44.dev20260713+nightly
codegen_flags: <defaults>
</compile_context>

<pallas_src>
import functools

import jax
import jax.numpy as jnp
from jax import lax
from jax.experimental import pallas as pl
from jax.experimental.pallas import tpu as pltpu
from jax.experimental.pallas import tpu_sc as plsc

_B, _C, _H, _W = 4, 384, 32, 32
_E = 8
_FF = 768
_N = _B * _H * _W
_PAIRS = 2 * _N
_BLK = 256
_NBLK = (_PAIRS + _E * _BLK) // _BLK
_P = _NBLK * _BLK

_NW = 32
_GCH = 64



def _router_body(x_ref, wg_ref, pos0_ref, pos1_ref, w0_ref, w1_ref, be_ref):
    x = x_ref[...]
    logits = jnp.dot(x, wg_ref[...], preferred_element_type=jnp.float32)
    z = logits - jnp.max(logits, axis=1, keepdims=True)
    ez = jnp.exp(z)
    probs = ez / jnp.sum(ez, axis=1, keepdims=True)

    lane = lax.broadcasted_iota(jnp.int32, probs.shape, 1)
    m1 = jnp.max(probs, axis=1, keepdims=True)
    i1 = jnp.min(jnp.where(probs == m1, lane, _E), axis=1, keepdims=True)
    p2 = jnp.where(lane == i1, -1e30, probs)
    m2 = jnp.max(p2, axis=1, keepdims=True)
    i2 = jnp.min(jnp.where(p2 == m2, lane, _E), axis=1, keepdims=True)
    s = m1 + m2
    w0_ref[...] = (m1 / s)[:, 0]
    w1_ref[...] = (m2 / s)[:, 0]

    c = (lane == i1).astype(jnp.float32) + (lane == i2).astype(jnp.float32)

    cb_rows = 128
    row = lax.broadcasted_iota(jnp.int32, (cb_rows, cb_rows), 0)
    col = lax.broadcasted_iota(jnp.int32, (cb_rows, cb_rows), 1)
    lstrict = (row > col).astype(jnp.float32)
    carry = jnp.zeros((1, _E), jnp.float32)
    cum_blocks = []
    for b in range(_N // cb_rows):
        cb = c[b * cb_rows:(b + 1) * cb_rows]
        cum_blocks.append(
            jnp.dot(lstrict, cb, preferred_element_type=jnp.float32) + carry)
        carry = carry + jnp.sum(cb, axis=0, keepdims=True)
    cum = jnp.concatenate(cum_blocks, axis=0)
    counts = carry

    pad = jnp.ceil(counts / _BLK) * _BLK
    r8 = lax.broadcasted_iota(jnp.int32, (_E, _E), 0)
    c8 = lax.broadcasted_iota(jnp.int32, (_E, _E), 1)
    up = (r8 < c8).astype(jnp.float32)
    off = jnp.dot(pad, up, preferred_element_type=jnp.float32)
    off_incl = off + pad
    total = jnp.sum(pad)

    tgt = off + cum
    pos0_ref[...] = jnp.sum(jnp.where(lane == i1, tgt, 0.0), axis=1).astype(jnp.int32)
    pos1_ref[...] = jnp.sum(jnp.where(lane == i2, tgt, 0.0), axis=1).astype(jnp.int32)

    bstart = (lax.broadcasted_iota(jnp.int32, (_NBLK, _E), 0) * _BLK).astype(jnp.float32)
    becount = jnp.sum((off_incl <= bstart).astype(jnp.float32), axis=1)
    be = jnp.minimum(becount, float(_E - 1))
    live = bstart[:, 0] < total
    be_ref[...] = jnp.where(live, be, -1.0).astype(jnp.int32)


def _router(t, Wg):
    return pl.pallas_call(
        _router_body,
        out_shape=[
            jax.ShapeDtypeStruct((_N,), jnp.int32),
            jax.ShapeDtypeStruct((_N,), jnp.int32),
            jax.ShapeDtypeStruct((_N,), jnp.float32),
            jax.ShapeDtypeStruct((_N,), jnp.float32),
            jax.ShapeDtypeStruct((_NBLK,), jnp.int32),
        ],
    )(t, Wg)



def _dispatch_body(t_hbm, pos0_hbm, pos1_hbm, w0_hbm, w1_hbm, xs_out, ws_out,
                   rowid_sp, zb_v, ia0, ia1, ib0, ib1, ta_v, tb_v,
                   wa0, wa1, wb0, wb1, idxa, idxb, idxc, buf_a, buf_b,
                   sem, sem_o):
    cid = lax.axis_index("c")
    sid = lax.axis_index("s")
    wid = sid * 2 + cid
    nsc = 16

    zseg = _P // nsc

    def zinit(i, _):
        zb_v[pl.ds(i * 16, 16)] = jnp.bitwise_and(
            lax.iota(jnp.int32, 16) + (sid * zseg + i * 16), _N - 1)
        return 0
    lax.fori_loop(0, zseg // 16, zinit, 0)
    pltpu.sync_copy(zb_v, rowid_sp.at[pl.ds(sid * zseg, zseg)])
    plsc.subcore_barrier()

    tseg = _N // nsc
    tb0 = sid * tseg
    pltpu.sync_copy(pos0_hbm.at[pl.ds(tb0, 128)], ia0)
    pltpu.sync_copy(pos0_hbm.at[pl.ds(tb0 + 128, 128)], ia1)
    pltpu.sync_copy(pos1_hbm.at[pl.ds(tb0, 128)], ib0)
    pltpu.sync_copy(pos1_hbm.at[pl.ds(tb0 + 128, 128)], ib1)

    def tinit(i, _):
        ta_v[pl.ds(i * 16, 16)] = lax.iota(jnp.int32, 16) + (tb0 + i * 16)
        tb_v[pl.ds(i * 16, 16)] = lax.iota(jnp.int32, 16) + (tb0 + 128 + i * 16)
        return 0
    lax.fori_loop(0, 8, tinit, 0)
    s1 = pltpu.async_copy(ta_v, rowid_sp.at[ia0], sem)
    s2 = pltpu.async_copy(tb_v, rowid_sp.at[ia1], sem)
    s3 = pltpu.async_copy(ta_v, rowid_sp.at[ib0], sem)
    s4 = pltpu.async_copy(tb_v, rowid_sp.at[ib1], sem)
    s1.wait()
    s2.wait()
    s3.wait()
    s4.wait()

    @pl.when(cid == 0)
    def _():
        pltpu.sync_copy(w0_hbm.at[pl.ds(tb0, 128)], wa0)
        pltpu.sync_copy(w0_hbm.at[pl.ds(tb0 + 128, 128)], wa1)
        pltpu.sync_copy(w1_hbm.at[pl.ds(tb0, 128)], wb0)
        pltpu.sync_copy(w1_hbm.at[pl.ds(tb0 + 128, 128)], wb1)
        q1 = pltpu.async_copy(wa0, ws_out.at[ia0], sem_o)
        q2 = pltpu.async_copy(wa1, ws_out.at[ia1], sem_o)
        q3 = pltpu.async_copy(wb0, ws_out.at[ib0], sem_o)
        q4 = pltpu.async_copy(wb1, ws_out.at[ib1], sem_o)
        q1.wait()
        q2.wait()
        q3.wait()
        q4.wait()
    plsc.subcore_barrier()

    base = wid * (_P // _NW)
    pltpu.sync_copy(rowid_sp.at[pl.ds(base, 128)], idxa)
    pltpu.sync_copy(rowid_sp.at[pl.ds(base + 128, 128)], idxb)
    pltpu.sync_copy(rowid_sp.at[pl.ds(base + 256, 64)], idxc)
    g1 = pltpu.async_copy(t_hbm.at[idxa], buf_a, sem)
    g2 = pltpu.async_copy(t_hbm.at[idxb], buf_b, sem)
    g1.wait()
    o1 = pltpu.async_copy(buf_a, xs_out.at[pl.ds(base, 128)], sem_o)
    g2.wait()
    o2 = pltpu.async_copy(buf_b, xs_out.at[pl.ds(base + 128, 128)], sem_o)
    o1.wait()
    g3 = pltpu.async_copy(t_hbm.at[idxc], buf_a.at[pl.ds(0, 64)], sem)
    g3.wait()
    o3 = pltpu.async_copy(buf_a.at[pl.ds(0, 64)],
                          xs_out.at[pl.ds(base + 256, 64)], sem_o)
    o2.wait()
    o3.wait()


def _sc_dispatch(t, pos0, pos1, w0, w1):
    mesh = plsc.VectorSubcoreMesh(core_axis_name="c", subcore_axis_name="s")
    return pl.kernel(
        _dispatch_body,
        mesh=mesh,
        out_type=[
            jax.ShapeDtypeStruct((_P, _C), jnp.float32),
            jax.ShapeDtypeStruct((_P,), jnp.float32),
        ],
        scratch_types=[
            pltpu.VMEM_SHARED((_P,), jnp.int32),
            pltpu.VMEM((_P // 16,), jnp.int32),
            pltpu.VMEM((128,), jnp.int32),
            pltpu.VMEM((128,), jnp.int32),
            pltpu.VMEM((128,), jnp.int32),
            pltpu.VMEM((128,), jnp.int32),
            pltpu.VMEM((128,), jnp.int32),
            pltpu.VMEM((128,), jnp.int32),
            pltpu.VMEM((128,), jnp.float32),
            pltpu.VMEM((128,), jnp.float32),
            pltpu.VMEM((128,), jnp.float32),
            pltpu.VMEM((128,), jnp.float32),
            pltpu.VMEM((128,), jnp.int32),
            pltpu.VMEM((128,), jnp.int32),
            pltpu.VMEM((64,), jnp.int32),
            pltpu.VMEM((128, _C), jnp.float32),
            pltpu.VMEM((128, _C), jnp.float32),
            pltpu.SemaphoreType.DMA,
            pltpu.SemaphoreType.DMA,
        ],
    )(t, pos0, pos1, w0, w1)



def _grouped_body(be_ref, x_ref, wg_ref, wu_ref, wd_ref, w_ref, o_ref):
    b = pl.program_id(0)

    @pl.when(be_ref[b] >= 0)
    def _():
        e = jnp.maximum(be_ref[b], 0)
        x = x_ref[...]
        g = jnp.dot(x, wg_ref[pl.ds(e, 1)][0],
                    preferred_element_type=jnp.float32)
        u = jnp.dot(x, wu_ref[pl.ds(e, 1)][0],
                    preferred_element_type=jnp.float32)
        h = g * jax.nn.sigmoid(g) * u
        o = jnp.dot(h, wd_ref[pl.ds(e, 1)][0],
                    preferred_element_type=jnp.float32)
        o_ref[...] = o * w_ref[...]


def _grouped(be, xs, W_gate, W_up, W_down, ws2d):
    grid_spec = pltpu.PrefetchScalarGridSpec(
        num_scalar_prefetch=1,
        grid=(_NBLK,),
        in_specs=[
            pl.BlockSpec((_BLK, _C), lambda b, be: (b, 0)),
            pl.BlockSpec((_E, _C, _FF), lambda b, be: (0, 0, 0)),
            pl.BlockSpec((_E, _C, _FF), lambda b, be: (0, 0, 0)),
            pl.BlockSpec((_E, _FF, _C), lambda b, be: (0, 0, 0)),
            pl.BlockSpec((_BLK, 1), lambda b, be: (b, 0)),
        ],
        out_specs=pl.BlockSpec((_BLK, _C), lambda b, be: (b, 0)),
    )
    return pl.pallas_call(
        _grouped_body,
        grid_spec=grid_spec,
        out_shape=jax.ShapeDtypeStruct((_P, _C), jnp.float32),
    )(be, xs, W_gate, W_up, W_down, ws2d)



def _combine_body(ys_hbm, pos0_hbm, pos1_hbm, ya_out, yb_out,
                  idx0_v, idx1_v, buf_a, buf_b, sem, sem_o):
    cid = lax.axis_index("c")
    sid = lax.axis_index("s")
    wid = sid * 2 + cid
    per = _N // _NW
    start = wid * per
    pltpu.sync_copy(pos0_hbm.at[pl.ds(start, per)], idx0_v)
    pltpu.sync_copy(pos1_hbm.at[pl.ds(start, per)], idx1_v)
    g1 = pltpu.async_copy(ys_hbm.at[idx0_v], buf_a, sem)
    g2 = pltpu.async_copy(ys_hbm.at[idx1_v], buf_b, sem)
    g1.wait()
    o1 = pltpu.async_copy(buf_a, ya_out.at[pl.ds(start, per)], sem_o)
    g2.wait()
    o2 = pltpu.async_copy(buf_b, yb_out.at[pl.ds(start, per)], sem_o)
    o1.wait()
    o2.wait()


def _sc_combine(ys, pos0, pos1):
    mesh = plsc.VectorSubcoreMesh(core_axis_name="c", subcore_axis_name="s")
    return pl.kernel(
        _combine_body,
        mesh=mesh,
        out_type=[
            jax.ShapeDtypeStruct((_N, _C), jnp.float32),
            jax.ShapeDtypeStruct((_N, _C), jnp.float32),
        ],
        scratch_types=[
            pltpu.VMEM((_N // _NW,), jnp.int32),
            pltpu.VMEM((_N // _NW,), jnp.int32),
            pltpu.VMEM((_N // _NW, _C), jnp.float32),
            pltpu.VMEM((_N // _NW, _C), jnp.float32),
            pltpu.SemaphoreType.DMA,
            pltpu.SemaphoreType.DMA,
        ],
    )(ys, pos0, pos1)



_STB = 512

def _shared_body(x_ref, wsg_ref, wsu_ref, wsd_ref, ya_ref, yb_ref, o_ref):
    x = x_ref[...]
    g = jnp.dot(x, wsg_ref[...], preferred_element_type=jnp.float32)
    u = jnp.dot(x, wsu_ref[...], preferred_element_type=jnp.float32)
    h = g * jax.nn.sigmoid(g) * u
    o = jnp.dot(h, wsd_ref[...], preferred_element_type=jnp.float32)
    o_ref[...] = o + ya_ref[...] + yb_ref[...]


def _shared(t, Ws_gate, Ws_up, Ws_down, ya, yb):
    return pl.pallas_call(
        _shared_body,
        grid=(_N // _STB,),
        in_specs=[
            pl.BlockSpec((_STB, _C), lambda i: (i, 0)),
            pl.BlockSpec((_C, _FF), lambda i: (0, 0)),
            pl.BlockSpec((_C, _FF), lambda i: (0, 0)),
            pl.BlockSpec((_FF, _C), lambda i: (0, 0)),
            pl.BlockSpec((_STB, _C), lambda i: (i, 0)),
            pl.BlockSpec((_STB, _C), lambda i: (i, 0)),
        ],
        out_specs=pl.BlockSpec((_STB, _C), lambda i: (i, 0)),
        out_shape=jax.ShapeDtypeStruct((_N, _C), jnp.float32),
    )(t, Ws_gate, Ws_up, Ws_down, ya, yb)



def kernel(x, Wg, W_gate, W_up, W_down, Ws_gate, Ws_up, Ws_down):
    b, c, h, w = x.shape
    t = jnp.transpose(x, (0, 2, 3, 1)).reshape(b * h * w, c)
    pos0, pos1, w0, w1, be = _router(t, Wg)
    xs, ws = _sc_dispatch(t, pos0, pos1, w0, w1)
    ys = _grouped(be, xs, W_gate, W_up, W_down, ws.reshape(_P, 1))
    ya, yb = _sc_combine(ys, pos0, pos1)
    y = _shared(t, Ws_gate, Ws_up, Ws_down, ya, yb)
    return jnp.transpose(y.reshape(b, h, w, c), (0, 3, 1, 2))

# --- scband reference (transcript-rebuilt; emitter-appended) ---
"""Pipeline reference for scband-mo-e2-dblock-2800318677415 (READ-ONLY COPY).

The authoritative reference and input builder live on the scoring server;
editing this copy changes nothing except your own understanding.
"""

import jax, jax.numpy as jnp
import numpy as np

B, C, H, W = 4, 384, 32, 32
E = 8           # n_routed_experts
TOP_K = 2       # num_experts_per_tok
FF = 768        # moe_intermediate_size
FFS = 768       # shared expert intermediate = moe_intermediate_size * n_shared_experts (1)


def setup_inputs(seed: int = 0) -> dict:
    key = jax.random.key(seed)
    ks = jax.random.split(key, 9)
    s = 0.02
    inp = {}
    inp["x"] = jax.random.normal(ks[0], (B, C, H, W), dtype=jnp.float32)
    # router gate (DeepSeek MoEGate: linear, no bias)
    inp["Wg"] = jax.random.normal(ks[1], (C, E), dtype=jnp.float32) * s
    # routed experts: DeepseekMLP per expert (gate_proj, up_proj, down_proj, SiLU)
    inp["W_gate"] = jax.random.normal(ks[2], (E, C, FF), dtype=jnp.float32) * s
    inp["W_up"] = jax.random.normal(ks[3], (E, C, FF), dtype=jnp.float32) * s
    inp["W_down"] = jax.random.normal(ks[4], (E, FF, C), dtype=jnp.float32) * s
    # shared expert MLP
    inp["Ws_gate"] = jax.random.normal(ks[5], (C, FFS), dtype=jnp.float32) * s
    inp["Ws_up"] = jax.random.normal(ks[6], (C, FFS), dtype=jnp.float32) * s
    inp["Ws_down"] = jax.random.normal(ks[7], (FFS, C), dtype=jnp.float32) * s
    return inp


def reference(x, Wg, W_gate, W_up, W_down, Ws_gate, Ws_up, Ws_down):
    b, c, h, w = x.shape
    # rearrange 'b c h w -> b (h w) c' then flatten tokens
    t = jnp.transpose(x, (0, 2, 3, 1)).reshape(b * h * w, c)
    n = t.shape[0]
    # --- DeepSeek token-choice routing ---
    logits = t @ Wg                                  # [N, E]
    probs = jax.nn.softmax(logits, axis=-1)
    topw, topi = jax.lax.top_k(probs, TOP_K)         # [N, k]
    topw = topw / jnp.sum(topw, axis=-1, keepdims=True)  # norm_topk_prob
    combine = jnp.zeros((n, E), dtype=probs.dtype).at[
        jnp.arange(n)[:, None], topi
    ].add(topw)                                      # [N, E] dense combine weights
    # --- routed experts (dense equivalent of scatter/gather dispatch) ---
    g = jnp.einsum('nd,edf->enf', t, W_gate)
    u = jnp.einsum('nd,edf->enf', t, W_up)
    hact = jax.nn.silu(g) * u
    outs = jnp.einsum('enf,efd->end', hact, W_down)  # [E, N, C]
    y_moe = jnp.einsum('end,ne->nd', outs, combine)  # [N, C]
    # --- shared expert ---
    y_sh = (jax.nn.silu(t @ Ws_gate) * (t @ Ws_up)) @ Ws_down
    y = y_moe + y_sh
    # rearrange 'b (h w) c -> b c h w'
    return jnp.transpose(y.reshape(b, h, w, c), (0, 3, 1, 2))

if __name__ == "__main__":
    import jax
    _d = setup_inputs()
    print(jax.jit(kernel)(*tuple(_d.values())))

</pallas_src>

<mosaic_0001>
#map = affine_map<(d0, d1) -> (0, 0)>
#map1 = affine_map<(d0, d1) -> (0)>
module attributes {stable_mosaic.version = 14 : i64} {
  func.func @_combine_body(%arg0: i32, %arg1: i32, %arg2: memref<10240x384xf32, #tpu.memory_space<hbm>>, %arg3: memref<4096xi32, #tpu.memory_space<hbm>>, %arg4: memref<4096xi32, #tpu.memory_space<hbm>>, %arg5: memref<4096x384xf32, #tpu.memory_space<hbm>>, %arg6: memref<4096x384xf32, #tpu.memory_space<hbm>>, %arg7: memref<128xi32, #tpu.memory_space<vmem>>, %arg8: memref<128xi32, #tpu.memory_space<vmem>>, %arg9: memref<128x384xf32, #tpu.memory_space<vmem>>, %arg10: memref<128x384xf32, #tpu.memory_space<vmem>>, %arg11: memref<!tpu.dma_semaphore, #tpu.memory_space<semaphore_mem>>, %arg12: memref<!tpu.dma_semaphore, #tpu.memory_space<semaphore_mem>>) attributes {dimension_semantics = [#tpu.dimension_semantics<core_parallel>, #tpu.dimension_semantics<subcore_parallel>], iteration_bounds = array<i64: 2, 16>, scalar_prefetch = 0 : i64, scratch_operands = 6 : i64, tpu.core_type = #tpu.core_type<sc_vector_subcore>, window_params = [{transform_indices = #map}, {transform_indices = #map1}, {transform_indices = #map1}, {transform_indices = #map}, {transform_indices = #map}]} {
    %mul3A = arith.constant 2 : i32
    %mul3A_0 = arith.muli %arg1, %mul3A : i32
    %add3A = arith.addi %mul3A_0, %arg0 : i32
    %mul3A_1 = arith.constant 128 : i32
    %mul3A_2 = arith.muli %add3A, %mul3A_1 : i32
    "tpu.region"() ({
      %run_scoped3A = tpu.sem_alloc : memref<!tpu.dma_semaphore, #tpu.memory_space<semaphore_mem>>
      %dma_start3A_29 = tpu.memref_slice %arg3[%mul3A_2] : memref<4096xi32, #tpu.memory_space<hbm>> -> memref<128xi32, #tpu.memory_space<hbm>>
      %dma_start3A_30 = tpu.memref_slice %arg3[%mul3A_2] : memref<4096xi32, #tpu.memory_space<hbm>> -> memref<128xi32, #tpu.memory_space<hbm>>
      tpu.enqueue_dma source(%dma_start3A_30 : memref<128xi32, #tpu.memory_space<hbm>>) target(%arg7 : memref<128xi32, #tpu.memory_space<vmem>>) target_semaphore(%run_scoped3A : memref<!tpu.dma_semaphore, #tpu.memory_space<semaphore_mem>>)
      %dma_wait3A_31 = tpu.memref_slice %arg3[%mul3A_2] : memref<4096xi32, #tpu.memory_space<hbm>> -> memref<128xi32, #tpu.memory_space<hbm>>
      %dma_wait3A_32 = tpu.memref_slice %arg3[%mul3A_2] : memref<4096xi32, #tpu.memory_space<hbm>> -> memref<128xi32, #tpu.memory_space<hbm>>
      tpu.wait_dma2 semaphore(%run_scoped3A : memref<!tpu.dma_semaphore, #tpu.memory_space<semaphore_mem>>) src(%dma_wait3A_32 : memref<128xi32, #tpu.memory_space<hbm>>) dst(%arg7 : memref<128xi32, #tpu.memory_space<vmem>>)
      tpu.yield
    }) : () -> ()
    "tpu.region"() ({
      %run_scoped3A = tpu.sem_alloc : memref<!tpu.dma_semaphore, #tpu.memory_space<semaphore_mem>>
      %dma_start3A_29 = tpu.memref_slice %arg4[%mul3A_2] : memref<4096xi32, #tpu.memory_space<hbm>> -> memref<128xi32, #tpu.memory_space<hbm>>
      %dma_start3A_30 = tpu.memref_slice %arg4[%mul3A_2] : memref<4096xi32, #tpu.memory_space<hbm>> -> memref<128xi32, #tpu.memory_space<hbm>>
      tpu.enqueue_dma source(%dma_start3A_30 : memref<128xi32, #tpu.memory_space<hbm>>) target(%arg8 : memref<128xi32, #tpu.memory_space<vmem>>) target_semaphore(%run_scoped3A : memref<!tpu.dma_semaphore, #tpu.memory_space<semaphore_mem>>)
      %dma_wait3A_31 = tpu.memref_slice %arg4[%mul3A_2] : memref<4096xi32, #tpu.memory_space<hbm>> -> memref<128xi32, #tpu.memory_space<hbm>>
      %dma_wait3A_32 = tpu.memref_slice %arg4[%mul3A_2] : memref<4096xi32, #tpu.memory_space<hbm>> -> memref<128xi32, #tpu.memory_space<hbm>>
      tpu.wait_dma2 semaphore(%run_scoped3A : memref<!tpu.dma_semaphore, #tpu.memory_space<semaphore_mem>>) src(%dma_wait3A_32 : memref<128xi32, #tpu.memory_space<hbm>>) dst(%arg8 : memref<128xi32, #tpu.memory_space<vmem>>)
      tpu.yield
    }) : () -> ()
    %dma_start3A = arith.constant 0 : i32
    %dma_start3A_3 = arith.constant 0 : i32
    %dma_start3A_4 = tpu.memref_slice %arg2[%dma_start3A, %dma_start3A_3] : memref<10240x384xf32, #tpu.memory_space<hbm>> -> memref<10240x384xf32, #tpu.memory_space<hbm>>
    tpu.enqueue_indirect_dma source(%dma_start3A_4 : memref<10240x384xf32, #tpu.memory_space<hbm>>) target(%arg9 : memref<128x384xf32, #tpu.memory_space<vmem>>) offsets(%arg7 : memref<128xi32, #tpu.memory_space<vmem>>) semaphore(%arg11 : memref<!tpu.dma_semaphore, #tpu.memory_space<semaphore_mem>>)
    %dma_start3A_5 = arith.constant 0 : i32
    %dma_start3A_6 = arith.constant 0 : i32
    %dma_start3A_7 = tpu.memref_slice %arg2[%dma_start3A_5, %dma_start3A_6] : memref<10240x384xf32, #tpu.memory_space<hbm>> -> memref<10240x384xf32, #tpu.memory_space<hbm>>
    tpu.enqueue_indirect_dma source(%dma_start3A_7 : memref<10240x384xf32, #tpu.memory_space<hbm>>) target(%arg10 : memref<128x384xf32, #tpu.memory_space<vmem>>) offsets(%arg8 : memref<128xi32, #tpu.memory_space<vmem>>) semaphore(%arg11 : memref<!tpu.dma_semaphore, #tpu.memory_space<semaphore_mem>>)
    %dma_wait3A = arith.constant 0 : i32
    %dma_wait3A_8 = arith.constant 0 : i32
    %dma_wait3A_9 = tpu.memref_slice %arg2[%dma_wait3A, %dma_wait3A_8] : memref<10240x384xf32, #tpu.memory_space<hbm>> -> memref<10240x384xf32, #tpu.memory_space<hbm>>
    tpu.wait_indirect_dma semaphore(%arg11 : memref<!tpu.dma_semaphore, #tpu.memory_space<semaphore_mem>>) src(%dma_wait3A_9 : memref<10240x384xf32, #tpu.memory_space<hbm>>) dst(%arg9 : memref<128x384xf32, #tpu.memory_space<vmem>>)
    %dma_start3A_10 = arith.constant 0 : i32
    %dma_start3A_11 = tpu.memref_slice %arg5[%mul3A_2, %dma_start3A_10] : memref<4096x384xf32, #tpu.memory_space<hbm>> -> memref<128x384xf32, #tpu.memory_space<hbm>>
    %dma_start3A_12 = arith.constant 0 : i32
    %dma_start3A_13 = tpu.memref_slice %arg5[%mul3A_2, %dma_start3A_12] : memref<4096x384xf32, #tpu.memory_space<hbm>> -> memref<128x384xf32, #tpu.memory_space<hbm>>
    tpu.enqueue_dma source(%arg9 : memref<128x384xf32, #tpu.memory_space<vmem>>) target(%dma_start3A_13 : memref<128x384xf32, #tpu.memory_space<hbm>>) target_semaphore(%arg12 : memref<!tpu.dma_semaphore, #tpu.memory_space<semaphore_mem>>)
    %dma_wait3A_14 = arith.constant 0 : i32
    %dma_wait3A_15 = arith.constant 0 : i32
    %dma_wait3A_16 = tpu.memref_slice %arg2[%dma_wait3A_14, %dma_wait3A_15] : memref<10240x384xf32, #tpu.memory_space<hbm>> -> memref<10240x384xf32, #tpu.memory_space<hbm>>
    tpu.wait_indirect_dma semaphore(%arg11 : memref<!tpu.dma_semaphore, #tpu.memory_space<semaphore_mem>>) src(%dma_wait3A_16 : memref<10240x384xf32, #tpu.memory_space<hbm>>) dst(%arg10 : memref<128x384xf32, #tpu.memory_space<vmem>>)
    %dma_start3A_17 = arith.constant 0 : i32
    %dma_start3A_18 = tpu.memref_slice %arg6[%mul3A_2, %dma_start3A_17] : memref<4096x384xf32, #tpu.memory_space<hbm>> -> memref<128x384xf32, #tpu.memory_space<hbm>>
    %dma_start3A_19 = arith.constant 0 : i32
    %dma_start3A_20 = tpu.memref_slice %arg6[%mul3A_2, %dma_start3A_19] : memref<4096x384xf32, #tpu.memory_space<hbm>> -> memref<128x384xf32, #tpu.memory_space<hbm>>
    tpu.enqueue_dma source(%arg10 : memref<128x384xf32, #tpu.memory_space<vmem>>) target(%dma_start3A_20 : memref<128x384xf32, #tpu.memory_space<hbm>>) target_semaphore(%arg12 : memref<!tpu.dma_semaphore, #tpu.memory_space<semaphore_mem>>)
    %dma_wait3A_21 = arith.constant 0 : i32
    %dma_wait3A_22 = tpu.memref_slice %arg5[%mul3A_2, %dma_wait3A_21] : memref<4096x384xf32, #tpu.memory_space<hbm>> -> memref<128x384xf32, #tpu.memory_space<hbm>>
    %dma_wait3A_23 = arith.constant 0 : i32
    %dma_wait3A_24 = tpu.memref_slice %arg5[%mul3A_2, %dma_wait3A_23] : memref<4096x384xf32, #tpu.memory_space<hbm>> -> memref<128x384xf32, #tpu.memory_space<hbm>>
    tpu.wait_dma2 semaphore(%arg12 : memref<!tpu.dma_semaphore, #tpu.memory_space<semaphore_mem>>) src(%arg9 : memref<128x384xf32, #tpu.memory_space<vmem>>) dst(%dma_wait3A_24 : memref<128x384xf32, #tpu.memory_space<hbm>>)
    %dma_wait3A_25 = arith.constant 0 : i32
    %dma_wait3A_26 = tpu.memref_slice %arg6[%mul3A_2, %dma_wait3A_25] : memref<4096x384xf32, #tpu.memory_space<hbm>> -> memref<128x384xf32, #tpu.memory_space<hbm>>
    %dma_wait3A_27 = arith.constant 0 : i32
    %dma_wait3A_28 = tpu.memref_slice %arg6[%mul3A_2, %dma_wait3A_27] : memref<4096x384xf32, #tpu.memory_space<hbm>> -> memref<128x384xf32, #tpu.memory_space<hbm>>
    tpu.wait_dma2 semaphore(%arg12 : memref<!tpu.dma_semaphore, #tpu.memory_space<semaphore_mem>>) src(%arg10 : memref<128x384xf32, #tpu.memory_space<vmem>>) dst(%dma_wait3A_28 : memref<128x384xf32, #tpu.memory_space<hbm>>)
    return
  }
}

#map = affine_map<(d0, d1) -> (0, 0)>
#map1 = affine_map<(d0, d1) -> (0)>
module attributes {stable_mosaic.version = 14 : i64} {
  func.func @_dispatch_body(%arg0: i32, %arg1: i32, %arg2: memref<4096x384xf32, #tpu.memory_space<hbm>>, %arg3: memref<4096xi32, #tpu.memory_space<hbm>>, %arg4: memref<4096xi32, #tpu.memory_space<hbm>>, %arg5: memref<4096xf32, #tpu.memory_space<hbm>>, %arg6: memref<4096xf32, #tpu.memory_space<hbm>>, %arg7: memref<10240x384xf32, #tpu.memory_space<hbm>>, %arg8: memref<10240xf32, #tpu.memory_space<hbm>>, %arg9: memref<10240xi32, #tpu.memory_space<vmem_shared>>, %arg10: memref<640xi32, #tpu.memory_space<vmem>>, %arg11: memref<128xi32, #tpu.memory_space<vmem>>, %arg12: memref<128xi32, #tpu.memory_space<vmem>>, %arg13: memref<128xi32, #tpu.memory_space<vmem>>, %arg14: memref<128xi32, #tpu.memory_space<vmem>>, %arg15: memref<128xi32, #tpu.memory_space<vmem>>, %arg16: memref<128xi32, #tpu.memory_space<vmem>>, %arg17: memref<128xf32, #tpu.memory_space<vmem>>, %arg18: memref<128xf32, #tpu.memory_space<vmem>>, %arg19: memref<128xf32, #tpu.memory_space<vmem>>, %arg20: memref<128xf32, #tpu.memory_space<vmem>>, %arg21: memref<128xi32, #tpu.memory_space<vmem>>, %arg22: memref<128xi32, #tpu.memory_space<vmem>>, %arg23: memref<64xi32, #tpu.memory_space<vmem>>, %arg24: memref<128x384xf32, #tpu.memory_space<vmem>>, %arg25: memref<128x384xf32, #tpu.memory_space<vmem>>, %arg26: memref<!tpu.dma_semaphore, #tpu.memory_space<semaphore_mem>>, %arg27: memref<!tpu.dma_semaphore, #tpu.memory_space<semaphore_mem>>) attributes {dimension_semantics = [#tpu.dimension_semantics<core_parallel>, #tpu.dimension_semantics<subcore_parallel>], iteration_bounds = array<i64: 2, 16>, scalar_prefetch = 0 : i64, scratch_operands = 19 : i64, tpu.core_type = #tpu.core_type<sc_vector_subcore>, window_params = [{transform_indices = #map}, {transform_indices = #map1}, {transform_indices = #map1}, {transform_indices = #map1}, {transform_indices = #map1}, {transform_indices = #map}, {transform_indices = #map1}]} {
    %mul3A = arith.constant 2 : i32
    %mul3A_0 = arith.muli %arg1, %mul3A : i32
    %add3A = arith.addi %mul3A_0, %arg0 : i32
    %scan3A = arith.constant 0 : i32
    %scan3A_1 = arith.constant 0 : i32
    %scan3A_2 = arith.constant 40 : i32
    %scan3A_3 = arith.addi %scan3A_1, %scan3A_2 : i32
    %scan3A_4 = arith.constant 1 : i32
    %scan3A_5 = scf.for %scan3A_109 = %scan3A_1 to %scan3A_3 step %scan3A_4 iter_args(%scan3A_110 = %scan3A) -> (i32)  : i32 {
      %iota3A = tpu.iota {dimensions = array<i32: 0>} : vector<16xi32>
      %mul3A_111 = arith.constant 640 : i32
      %mul3A_112 = arith.muli %arg1, %mul3A_111 : i32
      %mul3A_113 = arith.constant 16 : i32
      %mul3A_114 = arith.muli %scan3A_109, %mul3A_113 : i32
      %add3A_115 = arith.addi %mul3A_112, %mul3A_114 : i32
      %add3A_116 = vector.broadcast %add3A_115 : i32 to vector<16xi32>
      %add3A_117 = arith.addi %iota3A, %add3A_116 : vector<16xi32>
      %and3A = arith.constant 4095 : i32
      %and3A_118 = vector.broadcast %and3A : i32 to vector<16xi32>
      %and3A_119 = arith.andi %add3A_117, %and3A_118 : vector<16xi32>
      %mul3A_120 = arith.constant 16 : i32
      %mul3A_121 = arith.muli %scan3A_109, %mul3A_120 : i32
      %swap3A = arith.index_cast %mul3A_121 : i32 to index
      %swap3A_122 = tpu.vector_load %arg10[%swap3A] {strides = array<i32>} : memref<640xi32, #tpu.memory_space<vmem>>, vector<16xi32>,
      %swap3A_123 = vector.shape_cast %swap3A_122 : vector<16xi32> to vector<16xi32>
      %swap3A_124 = vector.shape_cast %and3A_119 : vector<16xi32> to vector<16xi32>
      tpu.vector_store %arg10[%swap3A], %swap3A_124 {strides = array<i32>} : memref<640xi32, #tpu.memory_space<vmem>>, vector<16xi32>,
      %scan3A_125 = arith.constant 0 : i32
      scf.yield %scan3A_125 : i32
    }
    %scan3A_6 = arith.constant 40 : i32
    %mul3A_7 = arith.constant 640 : i32
    %mul3A_8 = arith.muli %arg1, %mul3A_7 : i32
    "tpu.region"() ({
      %run_scoped3A = tpu.sem_alloc : memref<!tpu.dma_semaphore, #tpu.memory_space<semaphore_mem>>
      %dma_start3A_109 = tpu.memref_slice %arg9[%mul3A_8] : memref<10240xi32, #tpu.memory_space<vmem_shared>> -> memref<640xi32, #tpu.memory_space<vmem_shared>>
      %dma_start3A_110 = tpu.memref_slice %arg9[%mul3A_8] : memref<10240xi32, #tpu.memory_space<vmem_shared>> -> memref<640xi32, #tpu.memory_space<vmem_shared>>
      tpu.enqueue_dma source(%arg10 : memref<640xi32, #tpu.memory_space<vmem>>) target(%dma_start3A_110 : memref<640xi32, #tpu.memory_space<vmem_shared>>) target_semaphore(%run_scoped3A : memref<!tpu.dma_semaphore, #tpu.memory_space<semaphore_mem>>)
      %dma_wait3A_111 = tpu.memref_slice %arg9[%mul3A_8] : memref<10240xi32, #tpu.memory_space<vmem_shared>> -> memref<640xi32, #tpu.memory_space<vmem_shared>>
      %dma_wait3A_112 = tpu.memref_slice %arg9[%mul3A_8] : memref<10240xi32, #tpu.memory_space<vmem_shared>> -> memref<640xi32, #tpu.memory_space<vmem_shared>>
      tpu.wait_dma2 semaphore(%run_scoped3A : memref<!tpu.dma_semaphore, #tpu.memory_space<semaphore_mem>>) src(%arg10 : memref<640xi32, #tpu.memory_space<vmem>>) dst(%dma_wait3A_112 : memref<640xi32, #tpu.memory_space<vmem_shared>>)
      tpu.yield
    }) : () -> ()
    %barrier3A = arith.constant 0 : index
    tpu.barrier barrier_id(%barrier3A)
    %mul3A_9 = arith.constant 256 : i32
    %mul3A_10 = arith.muli %arg1, %mul3A_9 : i32
    "tpu.region"() ({
      %run_scoped3A = tpu.sem_alloc : memref<!tpu.dma_semaphore, #tpu.memory_space<semaphore_mem>>
      %dma_start3A_109 = tpu.memref_slice %arg3[%mul3A_10] : memref<4096xi32, #tpu.memory_space<hbm>> -> memref<128xi32, #tpu.memory_space<hbm>>
      %dma_start3A_110 = tpu.memref_slice %arg3[%mul3A_10] : memref<4096xi32, #tpu.memory_space<hbm>> -> memref<128xi32, #tpu.memory_space<hbm>>
      tpu.enqueue_dma source(%dma_start3A_110 : memref<128xi32, #tpu.memory_space<hbm>>) target(%arg11 : memref<128xi32, #tpu.memory_space<vmem>>) target_semaphore(%run_scoped3A : memref<!tpu.dma_semaphore, #tpu.memory_space<semaphore_mem>>)
      %dma_wait3A_111 = tpu.memref_slice %arg3[%mul3A_10] : memref<4096xi32, #tpu.memory_space<hbm>> -> memref<128xi32, #tpu.memory_space<hbm>>
      %dma_wait3A_112 = tpu.memref_slice %arg3[%mul3A_10] : memref<4096xi32, #tpu.memory_space<hbm>> -> memref<128xi32, #tpu.memory_space<hbm>>
      tpu.wait_dma2 semaphore(%run_scoped3A : memref<!tpu.dma_semaphore, #tpu.memory_space<semaphore_mem>>) src(%dma_wait3A_112 : memref<128xi32, #tpu.memory_space<hbm>>) dst(%arg11 : memref<128xi32, #tpu.memory_space<vmem>>)
      tpu.yield
    }) : () -> ()
    %add3A_11 = arith.constant 128 : i32
    %add3A_12 = arith.addi %mul3A_10, %add3A_11 : i32
    "tpu.region"() ({
      %run_scoped3A = tpu.sem_alloc : memref<!tpu.dma_semaphore, #tpu.memory_space<semaphore_mem>>
      %dma_start3A_109 = tpu.memref_slice %arg3[%add3A_12] : memref<4096xi32, #tpu.memory_space<hbm>> -> memref<128xi32, #tpu.memory_space<hbm>>
      %dma_start3A_110 = tpu.memref_slice %arg3[%add3A_12] : memref<4096xi32, #tpu.memory_space<hbm>> -> memref<128xi32, #tpu.memory_space<hbm>>
      tpu.enqueue_dma source(%dma_start3A_110 : memref<128xi32, #tpu.memory_space<hbm>>) target(%arg12 : memref<128xi32, #tpu.memory_space<vmem>>) target_semaphore(%run_scoped3A : memref<!tpu.dma_semaphore, #tpu.memory_space<semaphore_mem>>)
      %dma_wait3A_111 = tpu.memref_slice %arg3[%add3A_12] : memref<4096xi32, #tpu.memory_space<hbm>> -> memref<128xi32, #tpu.memory_space<hbm>>
      %dma_wait3A_112 = tpu.memref_slice %arg3[%add3A_12] : memref<4096xi32, #tpu.memory_space<hbm>> -> memref<128xi32, #tpu.memory_space<hbm>>
      tpu.wait_dma2 semaphore(%run_scoped3A : memref<!tpu.dma_semaphore, #tpu.memory_space<semaphore_mem>>) src(%dma_wait3A_112 : memref<128xi32, #tpu.memory_space<hbm>>) dst(%arg12 : memref<128xi32, #tpu.memory_space<vmem>>)
      tpu.yield
    }) : () -> ()
    "tpu.region"() ({
      %run_scoped3A = tpu.sem_alloc : memref<!tpu.dma_semaphore, #tpu.memory_space<semaphore_mem>>
      %dma_start3A_109 = tpu.memref_slice %arg4[%mul3A_10] : memref<4096xi32, #tpu.memory_space<hbm>> -> memref<128xi32, #tpu.memory_space<hbm>>
      %dma_start3A_110 = tpu.memref_slice %arg4[%mul3A_10] : memref<4096xi32, #tpu.memory_space<hbm>> -> memref<128xi32, #tpu.memory_space<hbm>>
      tpu.enqueue_dma source(%dma_start3A_110 : memref<128xi32, #tpu.memory_space<hbm>>) target(%arg13 : memref<128xi32, #tpu.memory_space<vmem>>) target_semaphore(%run_scoped3A : memref<!tpu.dma_semaphore, #tpu.memory_space<semaphore_mem>>)
      %dma_wait3A_111 = tpu.memref_slice %arg4[%mul3A_10] : memref<4096xi32, #tpu.memory_space<hbm>> -> memref<128xi32, #tpu.memory_space<hbm>>
      %dma_wait3A_112 = tpu.memref_slice %arg4[%mul3A_10] : memref<4096xi32, #tpu.memory_space<hbm>> -> memref<128xi32, #tpu.memory_space<hbm>>
      tpu.wait_dma2 semaphore(%run_scoped3A : memref<!tpu.dma_semaphore, #tpu.memory_space<semaphore_mem>>) src(%dma_wait3A_112 : memref<128xi32, #tpu.memory_space<hbm>>) dst(%arg13 : memref<128xi32, #tpu.memory_space<vmem>>)
      tpu.yield
    }) : () -> ()
    %add3A_13 = arith.constant 128 : i32
    %add3A_14 = arith.addi %mul3A_10, %add3A_13 : i32
    "tpu.region"() ({
      %run_scoped3A = tpu.sem_alloc : memref<!tpu.dma_semaphore, #tpu.memory_space<semaphore_mem>>
      %dma_start3A_109 = tpu.memref_slice %arg4[%add3A_14] : memref<4096xi32, #tpu.memory_space<hbm>> -> memref<128xi32, #tpu.memory_space<hbm>>
      %dma_start3A_110 = tpu.memref_slice %arg4[%add3A_14] : memref<4096xi32, #tpu.memory_space<hbm>> -> memref<128xi32, #tpu.memory_space<hbm>>
      tpu.enqueue_dma source(%dma_start3A_110 : memref<128xi32, #tpu.memory_space<hbm>>) target(%arg14 : memref<128xi32, #tpu.memory_space<vmem>>) target_semaphore(%run_scoped3A : memref<!tpu.dma_semaphore, #tpu.memory_space<semaphore_mem>>)
      %dma_wait3A_111 = tpu.memref_slice %arg4[%add3A_14] : memref<4096xi32, #tpu.memory_space<hbm>> -> memref<128xi32, #tpu.memory_space<hbm>>
      %dma_wait3A_112 = tpu.memref_slice %arg4[%add3A_14] : memref<4096xi32, #tpu.memory_space<hbm>> -> memref<128xi32, #tpu.memory_space<hbm>>
      tpu.wait_dma2 semaphore(%run_scoped3A : memref<!tpu.dma_semaphore, #tpu.memory_space<semaphore_mem>>) src(%dma_wait3A_112 : memref<128xi32, #tpu.memory_space<hbm>>) dst(%arg14 : memref<128xi32, #tpu.memory_space<vmem>>)
      tpu.yield
    }) : () -> ()
    %scan3A_15 = arith.constant 0 : i32
    %scan3A_16 = arith.constant 0 : i32
    %scan3A_17 = arith.constant 8 : i32
    %scan3A_18 = arith.addi %scan3A_16, %scan3A_17 : i32
    %scan3A_19 = arith.constant 1 : i32
    %scan3A_20 = scf.for %scan3A_109 = %scan3A_16 to %scan3A_18 step %scan3A_19 iter_args(%scan3A_110 = %scan3A_15) -> (i32)  : i32 {
      %iota3A = tpu.iota {dimensions = array<i32: 0>} : vector<16xi32>
      %mul3A_111 = arith.constant 16 : i32
      %mul3A_112 = arith.muli %scan3A_109, %mul3A_111 : i32
      %add3A_113 = arith.addi %mul3A_10, %mul3A_112 : i32
      %add3A_114 = vector.broadcast %add3A_113 : i32 to vector<16xi32>
      %add3A_115 = arith.addi %iota3A, %add3A_114 : vector<16xi32>
      %mul3A_116 = arith.constant 16 : i32
      %mul3A_117 = arith.muli %scan3A_109, %mul3A_116 : i32
      %swap3A = arith.index_cast %mul3A_117 : i32 to index
      %swap3A_118 = tpu.vector_load %arg15[%swap3A] {strides = array<i32>} : memref<128xi32, #tpu.memory_space<vmem>>, vector<16xi32>,
      %swap3A_119 = vector.shape_cast %swap3A_118 : vector<16xi32> to vector<16xi32>
      %swap3A_120 = vector.shape_cast %add3A_115 : vector<16xi32> to vector<16xi32>
      tpu.vector_store %arg15[%swap3A], %swap3A_120 {strides = array<i32>} : memref<128xi32, #tpu.memory_space<vmem>>, vector<16xi32>,
      %iota3A_121 = tpu.iota {dimensions = array<i32: 0>} : vector<16xi32>
      %add3A_122 = arith.constant 128 : i32
      %add3A_123 = arith.addi %mul3A_10, %add3A_122 : i32
      %mul3A_124 = arith.constant 16 : i32
      %mul3A_125 = arith.muli %scan3A_109, %mul3A_124 : i32
      %add3A_126 = arith.addi %add3A_123, %mul3A_125 : i32
      %add3A_127 = vector.broadcast %add3A_126 : i32 to vector<16xi32>
      %add3A_128 = arith.addi %iota3A_121, %add3A_127 : vector<16xi32>
      %mul3A_129 = arith.constant 16 : i32
      %mul3A_130 = arith.muli %scan3A_109, %mul3A_129 : i32
      %swap3A_131 = arith.index_cast %mul3A_130 : i32 to index
      %swap3A_132 = tpu.vector_load %arg16[%swap3A_131] {strides = array<i32>} : memref<128xi32, #tpu.memory_space<vmem>>, vector<16xi32>,
      %swap3A_133 = vector.shape_cast %swap3A_132 : vector<16xi32> to vector<16xi32>
      %swap3A_134 = vector.shape_cast %add3A_128 : vector<16xi32> to vector<16xi32>
      tpu.vector_store %arg16[%swap3A_131], %swap3A_134 {strides = array<i32>} : memref<128xi32, #tpu.memory_space<vmem>>, vector<16xi32>,
      %scan3A_135 = arith.constant 0 : i32
      scf.yield %scan3A_135 : i32
    }
    %scan3A_21 = arith.constant 8 : i32
    %dma_start3A = arith.constant 0 : i32
    %dma_start3A_22 = tpu.memref_slice %arg9[%dma_start3A] : memref<10240xi32, #tpu.memory_space<vmem_shared>> -> memref<10240xi32, #tpu.memory_space<vmem_shared>>
    tpu.enqueue_indirect_dma source(%arg15 : memref<128xi32, #tpu.memory_space<vmem>>) target(%dma_start3A_22 : memref<10240xi32, #tpu.memory_space<vmem_shared>>) offsets(%arg11 : memref<128xi32, #tpu.memory_space<vmem>>) semaphore(%arg26 : memref<!tpu.dma_semaphore, #tpu.memory_space<semaphore_mem>>)
    %dma_start3A_23 = arith.constant 0 : i32
    %dma_start3A_24 = tpu.memref_slice %arg9[%dma_start3A_23] : memref<10240xi32, #tpu.memory_space<vmem_shared>> -> memref<10240xi32, #tpu.memory_space<vmem_shared>>
    tpu.enqueue_indirect_dma source(%arg16 : memref<128xi32, #tpu.memory_space<vmem>>) target(%dma_start3A_24 : memref<10240xi32, #tpu.memory_space<vmem_shared>>) offsets(%arg12 : memref<128xi32, #tpu.memory_space<vmem>>) semaphore(%arg26 : memref<!tpu.dma_semaphore, #tpu.memory_space<semaphore_mem>>)
    %dma_start3A_25 = arith.constant 0 : i32
    %dma_start3A_26 = tpu.memref_slice %arg9[%dma_start3A_25] : memref<10240xi32, #tpu.memory_space<vmem_shared>> -> memref<10240xi32, #tpu.memory_space<vmem_shared>>
    tpu.enqueue_indirect_dma source(%arg15 : memref<128xi32, #tpu.memory_space<vmem>>) target(%dma_start3A_26 : memref<10240xi32, #tpu.memory_space<vmem_shared>>) offsets(%arg13 : memref<128xi32, #tpu.memory_space<vmem>>) semaphore(%arg26 : memref<!tpu.dma_semaphore, #tpu.memory_space<semaphore_mem>>)
    %dma_start3A_27 = arith.constant 0 : i32
    %dma_start3A_28 = tpu.memref_slice %arg9[%dma_start3A_27] : memref<10240xi32, #tpu.memory_space<vmem_shared>> -> memref<10240xi32, #tpu.memory_space<vmem_shared>>
    tpu.enqueue_indirect_dma source(%arg16 : memref<128xi32, #tpu.memory_space<vmem>>) target(%dma_start3A_28 : memref<10240xi32, #tpu.memory_space<vmem_shared>>) offsets(%arg14 : memref<128xi32, #tpu.memory_space<vmem>>) semaphore(%arg26 : memref<!tpu.dma_semaphore, #tpu.memory_space<semaphore_mem>>)
    %dma_wait3A = arith.constant 0 : i32
    %dma_wait3A_29 = tpu.memref_slice %arg9[%dma_wait3A] : memref<10240xi32, #tpu.memory_space<vmem_shared>> -> memref<10240xi32, #tpu.memory_space<vmem_shared>>
    tpu.wait_indirect_dma semaphore(%arg26 : memref<!tpu.dma_semaphore, #tpu.memory_space<semaphore_mem>>) src(%arg15 : memref<128xi32, #tpu.memory_space<vmem>>) dst(%dma_wait3A_29 : memref<10240xi32, #tpu.memory_space<vmem_shared>>)
    %dma_wait3A_30 = arith.constant 0 : i32
    %dma_wait3A_31 = tpu.memref_slice %arg9[%dma_wait3A_30] : memref<10240xi32, #tpu.memory_space<vmem_shared>> -> memref<10240xi32, #tpu.memory_space<vmem_shared>>
    tpu.wait_indirect_dma semaphore(%arg26 : memref<!tpu.dma_semaphore, #tpu.memory_space<semaphore_mem>>) src(%arg16 : memref<128xi32, #tpu.memory_space<vmem>>) dst(%dma_wait3A_31 : memref<10240xi32, #tpu.memory_space<vmem_shared>>)
    %dma_wait3A_32 = arith.constant 0 : i32
    %dma_wait3A_33 = tpu.memref_slice %arg9[%dma_wait3A_32] : memref<10240xi32, #tpu.memory_space<vmem_shared>> -> memref<10240xi32, #tpu.memory_space<vmem_shared>>
    tpu.wait_indirect_dma semaphore(%arg26 : memref<!tpu.dma_semaphore, #tpu.memory_space<semaphore_mem>>) src(%arg15 : memref<128xi32, #tpu.memory_space<vmem>>) dst(%dma_wait3A_33 : memref<10240xi32, #tpu.memory_space<vmem_shared>>)
    %dma_wait3A_34 = arith.constant 0 : i32
    %dma_wait3A_35 = tpu.memref_slice %arg9[%dma_wait3A_34] : memref<10240xi32, #tpu.memory_space<vmem_shared>> -> memref<10240xi32, #tpu.memory_space<vmem_shared>>
    tpu.wait_indirect_dma semaphore(%arg26 : memref<!tpu.dma_semaphore, #tpu.memory_space<semaphore_mem>>) src(%arg16 : memref<128xi32, #tpu.memory_space<vmem>>) dst(%dma_wait3A_35 : memref<10240xi32, #tpu.memory_space<vmem_shared>>)
    %eq3A = arith.constant 0 : i32
    %eq3A_36 = arith.cmpi eq, %arg0, %eq3A : i32
    %convert_element_type3A = arith.extui %eq3A_36 : i1 to i32
    %cond3A = arith.constant 0 : i32
    %cond3A_37 = arith.cmpi ne, %convert_element_type3A, %cond3A : i32
    scf.if %cond3A_37 {
      "tpu.region"() ({
        %run_scoped3A = tpu.sem_alloc : memref<!tpu.dma_semaphore, #tpu.memory_space<semaphore_mem>>
        %dma_start3A_129 = tpu.memref_slice %arg5[%mul3A_10] : memref<4096xf32, #tpu.memory_space<hbm>> -> memref<128xf32, #tpu.memory_space<hbm>>
        %dma_start3A_130 = tpu.memref_slice %arg5[%mul3A_10] : memref<4096xf32, #tpu.memory_space<hbm>> -> memref<128xf32, #tpu.memory_space<hbm>>
        tpu.enqueue_dma source(%dma_start3A_130 : memref<128xf32, #tpu.memory_space<hbm>>) target(%arg17 : memref<128xf32, #tpu.memory_space<vmem>>) target_semaphore(%run_scoped3A : memref<!tpu.dma_semaphore, #tpu.memory_space<semaphore_mem>>)
        %dma_wait3A_131 = tpu.memref_slice %arg5[%mul3A_10] : memref<4096xf32, #tpu.memory_space<hbm>> -> memref<128xf32, #tpu.memory_space<hbm>>
        %dma_wait3A_132 = tpu.memref_slice %arg5[%mul3A_10] : memref<4096xf32, #tpu.memory_space<hbm>> -> memref<128xf32, #tpu.memory_space<hbm>>
        tpu.wait_dma2 semaphore(%run_scoped3A : memref<!tpu.dma_semaphore, #tpu.memory_space<semaphore_mem>>) src(%dma_wait3A_132 : memref<128xf32, #tpu.memory_space<hbm>>) dst(%arg17 : memref<128xf32, #tpu.memory_space<vmem>>)
        tpu.yield
      }) : () -> ()
      %add3A_109 = arith.constant 128 : i32
      %add3A_110 = arith.addi %mul3A_10, %add3A_109 : i32
      "tpu.region"() ({
        %run_scoped3A = tpu.sem_alloc : memref<!tpu.dma_semaphore, #tpu.memory_space<semaphore_mem>>
        %dma_start3A_129 = tpu.memref_slice %arg5[%add3A_110] : memref<4096xf32, #tpu.memory_space<hbm>> -> memref<128xf32, #tpu.memory_space<hbm>>
        %dma_start3A_130 = tpu.memref_slice %arg5[%add3A_110] : memref<4096xf32, #tpu.memory_space<hbm>> -> memref<128xf32, #tpu.memory_space<hbm>>
        tpu.enqueue_dma source(%dma_start3A_130 : memref<128xf32, #tpu.memory_space<hbm>>) target(%arg18 : memref<128xf32, #tpu.memory_space<vmem>>) target_semaphore(%run_scoped3A : memref<!tpu.dma_semaphore, #tpu.memory_space<semaphore_mem>>)
        %dma_wait3A_131 = tpu.memref_slice %arg5[%add3A_110] : memref<4096xf32, #tpu.memory_space<hbm>> -> memref<128xf32, #tpu.memory_space<hbm>>
        %dma_wait3A_132 = tpu.memref_slice %arg5[%add3A_110] : memref<4096xf32, #tpu.memory_space<hbm>> -> memref<128xf32, #tpu.memory_space<hbm>>
        tpu.wait_dma2 semaphore(%run_scoped3A : memref<!tpu.dma_semaphore, #tpu.memory_space<semaphore_mem>>) src(%dma_wait3A_132 : memref<128xf32, #tpu.memory_space<hbm>>) dst(%arg18 : memref<128xf32, #tpu.memory_space<vmem>>)
        tpu.yield
      }) : () -> ()
      "tpu.region"() ({
        %run_scoped3A = tpu.sem_alloc : memref<!tpu.dma_semaphore, #tpu.memory_space<semaphore_mem>>
        %dma_start3A_129 = tpu.memref_slice %arg6[%mul3A_10] : memref<4096xf32, #tpu.memory_space<hbm>> -> memref<128xf32, #tpu.memory_space<hbm>>
        %dma_start3A_130 = tpu.memref_slice %arg6[%mul3A_10] : memref<4096xf32, #tpu.memory_space<hbm>> -> memref<128xf32, #tpu.memory_space<hbm>>
        tpu.enqueue_dma source(%dma_start3A_130 : memref<128xf32, #tpu.memory_space<hbm>>) target(%arg19 : memref<128xf32, #tpu.memory_space<vmem>>) target_semaphore(%run_scoped3A : memref<!tpu.dma_semaphore, #tpu.memory_space<semaphore_mem>>)
        %dma_wait3A_131 = tpu.memref_slice %arg6[%mul3A_10] : memref<4096xf32, #tpu.memory_space<hbm>> -> memref<128xf32, #tpu.memory_space<hbm>>
        %dma_wait3A_132 = tpu.memref_slice %arg6[%mul3A_10] : memref<4096xf32, #tpu.memory_space<hbm>> -> memref<128xf32, #tpu.memory_space<hbm>>
        tpu.wait_dma2 semaphore(%run_scoped3A : memref<!tpu.dma_semaphore, #tpu.memory_space<semaphore_mem>>) src(%dma_wait3A_132 : memref<128xf32, #tpu.memory_space<hbm>>) dst(%arg19 : memref<128xf32, #tpu.memory_space<vmem>>)
        tpu.yield
      }) : () -> ()
      %add3A_111 = arith.constant 128 : i32
      %add3A_112 = arith.addi %mul3A_10, %add3A_111 : i32
      "tpu.region"() ({
        %run_scoped3A = tpu.sem_alloc : memref<!tpu.dma_semaphore, #tpu.memory_space<semaphore_mem>>
        %dma_start3A_129 = tpu.memref_slice %arg6[%add3A_112] : memref<4096xf32, #tpu.memory_space<hbm>> -> memref<128xf32, #tpu.memory_space<hbm>>
        %dma_start3A_130 = tpu.memref_slice %arg6[%add3A_112] : memref<4096xf32, #tpu.memory_space<hbm>> -> memref<128xf32, #tpu.memory_space<hbm>>
        tpu.enqueue_dma source(%dma_start3A_130 : memref<128xf32, #tpu.memory_space<hbm>>) target(%arg20 : memref<128xf32, #tpu.memory_space<vmem>>) target_semaphore(%run_scoped3A : memref<!tpu.dma_semaphore, #tpu.memory_space<semaphore_mem>>)
        %dma_wait3A_131 = tpu.memref_slice %arg6[%add3A_112] : memref<4096xf32, #tpu.memory_space<hbm>> -> memref<128xf32, #tpu.memory_space<hbm>>
        %dma_wait3A_132 = tpu.memref_slice %arg6[%add3A_112] : memref<4096xf32, #tpu.memory_space<hbm>> -> memref<128xf32, #tpu.memory_space<hbm>>
        tpu.wait_dma2 semaphore(%run_scoped3A : memref<!tpu.dma_semaphore, #tpu.memory_space<semaphore_mem>>) src(%dma_wait3A_132 : memref<128xf32, #tpu.memory_space<hbm>>) dst(%arg20 : memref<128xf32, #tpu.memory_space<vmem>>)
        tpu.yield
      }) : () -> ()
      %dma_start3A_113 = arith.constant 0 : i32
      %dma_start3A_114 = tpu.memref_slice %arg8[%dma_start3A_113] : memref<10240xf32, #tpu.memory_space<hbm>> -> memref<10240xf32, #tpu.memory_space<hbm>>
      tpu.enqueue_indirect_dma source(%arg17 : memref<128xf32, #tpu.memory_space<vmem>>) target(%dma_start3A_114 : memref<10240xf32, #tpu.memory_space<hbm>>) offsets(%arg11 : memref<128xi32, #tpu.memory_space<vmem>>) semaphore(%arg27 : memref<!tpu.dma_semaphore, #tpu.memory_space<semaphore_mem>>)
      %dma_start3A_115 = arith.constant 0 : i32
      %dma_start3A_116 = tpu.memref_slice %arg8[%dma_start3A_115] : memref<10240xf32, #tpu.memory_space<hbm>> -> memref<10240xf32, #tpu.memory_space<hbm>>
      tpu.enqueue_indirect_dma source(%arg18 : memref<128xf32, #tpu.memory_space<vmem>>) target(%dma_start3A_116 : memref<10240xf32, #tpu.memory_space<hbm>>) offsets(%arg12 : memref<128xi32, #tpu.memory_space<vmem>>) semaphore(%arg27 : memref<!tpu.dma_semaphore, #tpu.memory_space<semaphore_mem>>)
      %dma_start3A_117 = arith.constant 0 : i32
      %dma_start3A_118 = tpu.memref_slice %arg8[%dma_start3A_117] : memref<10240xf32, #tpu.memory_space<hbm>> -> memref<10240xf32, #tpu.memory_space<hbm>>
      tpu.enqueue_indirect_dma source(%arg19 : memref<128xf32, #tpu.memory_space<vmem>>) target(%dma_start3A_118 : memref<10240xf32, #tpu.memory_space<hbm>>) offsets(%arg13 : memref<128xi32, #tpu.memory_space<vmem>>) semaphore(%arg27 : memref<!tpu.dma_semaphore, #tpu.memory_space<semaphore_mem>>)
      %dma_start3A_119 = arith.constant 0 : i32
      %dma_start3A_120 = tpu.memref_slice %arg8[%dma_start3A_119] : memref<10240xf32, #tpu.memory_space<hbm>> -> memref<10240xf32, #tpu.memory_space<hbm>>
      tpu.enqueue_indirect_dma source(%arg20 : memref<128xf32, #tpu.memory_space<vmem>>) target(%dma_start3A_120 : memref<10240xf32, #tpu.memory_space<hbm>>) offsets(%arg14 : memref<128xi32, #tpu.memory_space<vmem>>) semaphore(%arg27 : memref<!tpu.dma_semaphore, #tpu.memory_space<semaphore_mem>>)
      %dma_wait3A_121 = arith.constant 0 : i32
      %dma_wait3A_122 = tpu.memref_slice %arg8[%dma_wait3A_121] : memref<10240xf32, #tpu.memory_space<hbm>> -> memref<10240xf32, #tpu.memory_space<hbm>>
      tpu.wait_indirect_dma semaphore(%arg27 : memref<!tpu.dma_semaphore, #tpu.memory_space<semaphore_mem>>) src(%arg17 : memref<128xf32, #tpu.memory_space<vmem>>) dst(%dma_wait3A_122 : memref<10240xf32, #tpu.memory_space<hbm>>)
      %dma_wait3A_123 = arith.constant 0 : i32
      %dma_wait3A_124 = tpu.memref_slice %arg8[%dma_wait3A_123] : memref<10240xf32, #tpu.memory_space<hbm>> -> memref<10240xf32, #tpu.memory_space<hbm>>
      tpu.wait_indirect_dma semaphore(%arg27 : memref<!tpu.dma_semaphore, #tpu.memory_space<semaphore_mem>>) src(%arg18 : memref<128xf32, #tpu.memory_space<vmem>>) dst(%dma_wait3A_124 : memref<10240xf32, #tpu.memory_space<hbm>>)
      %dma_wait3A_125 = arith.constant 0 : i32
      %dma_wait3A_126 = tpu.memref_slice %arg8[%dma_wait3A_125] : memref<10240xf32, #tpu.memory_space<hbm>> -> memref<10240xf32, #tpu.memory_space<hbm>>
      tpu.wait_indirect_dma semaphore(%arg27 : memref<!tpu.dma_semaphore, #tpu.memory_space<semaphore_mem>>) src(%arg19 : memref<128xf32, #tpu.memory_space<vmem>>) dst(%dma_wait3A_126 : memref<10240xf32, #tpu.memory_space<hbm>>)
      %dma_wait3A_127 = arith.constant 0 : i32
      %dma_wait3A_128 = tpu.memref_slice %arg8[%dma_wait3A_127] : memref<10240xf32, #tpu.memory_space<hbm>> -> memref<10240xf32, #tpu.memory_space<hbm>>
      tpu.wait_indirect_dma semaphore(%arg27 : memref<!tpu.dma_semaphore, #tpu.memory_space<semaphore_mem>>) src(%arg20 : memref<128xf32, #tpu.memory_space<vmem>>) dst(%dma_wait3A_128 : memref<10240xf32, #tpu.memory_space<hbm>>)
    } else {
    }
    %barrier3A_38 = arith.constant 0 : index
    tpu.barrier barrier_id(%barrier3A_38)
    %mul3A_39 = arith.constant 320 : i32
    %mul3A_40 = arith.muli %add3A, %mul3A_39 : i32
    "tpu.region"() ({
      %run_scoped3A = tpu.sem_alloc : memref<!tpu.dma_semaphore, #tpu.memory_space<semaphore_mem>>
      %dma_start3A_109 = tpu.memref_slice %arg9[%mul3A_40] : memref<10240xi32, #tpu.memory_space<vmem_shared>> -> memref<128xi32, #tpu.memory_space<vmem_shared>>
      %dma_start3A_110 = tpu.memref_slice %arg9[%mul3A_40] : memref<10240xi32, #tpu.memory_space<vmem_shared>> -> memref<128xi32, #tpu.memory_space<vmem_shared>>
      tpu.enqueue_dma source(%dma_start3A_110 : memref<128xi32, #tpu.memory_space<vmem_shared>>) target(%arg21 : memref<128xi32, #tpu.memory_space<vmem>>) target_semaphore(%run_scoped3A : memref<!tpu.dma_semaphore, #tpu.memory_space<semaphore_mem>>)
      %dma_wait3A_111 = tpu.memref_slice %arg9[%mul3A_40] : memref<10240xi32, #tpu.memory_space<vmem_shared>> -> memref<128xi32, #tpu.memory_space<vmem_shared>>
      %dma_wait3A_112 = tpu.memref_slice %arg9[%mul3A_40] : memref<10240xi32, #tpu.memory_space<vmem_shared>> -> memref<128xi32, #tpu.memory_space<vmem_shared>>
      tpu.wait_dma2 semaphore(%run_scoped3A : memref<!tpu.dma_semaphore, #tpu.memory_space<semaphore_mem>>) src(%dma_wait3A_112 : memref<128xi32, #tpu.memory_space<vmem_shared>>) dst(%arg21 : memref<128xi32, #tpu.memory_space<vmem>>)
      tpu.yield
    }) : () -> ()
    %add3A_41 = arith.constant 128 : i32
    %add3A_42 = arith.addi %mul3A_40, %add3A_41 : i32
    "tpu.region"() ({
      %run_scoped3A = tpu.sem_alloc : memref<!tpu.dma_semaphore, #tpu.memory_space<semaphore_mem>>
      %dma_start3A_109 = tpu.memref_slice %arg9[%add3A_42] : memref<10240xi32, #tpu.memory_space<vmem_shared>> -> memref<128xi32, #tpu.memory_space<vmem_shared>>
      %dma_start3A_110 = tpu.memref_slice %arg9[%add3A_42] : memref<10240xi32, #tpu.memory_space<vmem_shared>> -> memref<128xi32, #tpu.memory_space<vmem_shared>>
      tpu.enqueue_dma source(%dma_start3A_110 : memref<128xi32, #tpu.memory_space<vmem_shared>>) target(%arg22 : memref<128xi32, #tpu.memory_space<vmem>>) target_semaphore(%run_scoped3A : memref<!tpu.dma_semaphore, #tpu.memory_space<semaphore_mem>>)
      %dma_wait3A_111 = tpu.memref_slice %arg9[%add3A_42] : memref<10240xi32, #tpu.memory_space<vmem_shared>> -> memref<128xi32, #tpu.memory_space<vmem_shared>>
      %dma_wait3A_112 = tpu.memref_slice %arg9[%add3A_42] : memref<10240xi32, #tpu.memory_space<vmem_shared>> -> memref<128xi32, #tpu.memory_space<vmem_shared>>
      tpu.wait_dma2 semaphore(%run_scoped3A : memref<!tpu.dma_semaphore, #tpu.memory_space<semaphore_mem>>) src(%dma_wait3A_112 : memref<128xi32, #tpu.memory_space<vmem_shared>>) dst(%arg22 : memref<128xi32, #tpu.memory_space<vmem>>)
      tpu.yield
    }) : () -> ()
    %add3A_43 = arith.constant 256 : i32
    %add3A_44 = arith.addi %mul3A_40, %add3A_43 : i32
    "tpu.region"() ({
      %run_scoped3A = tpu.sem_alloc : memref<!tpu.dma_semaphore, #tpu.memory_space<semaphore_mem>>
      %dma_start3A_109 = tpu.memref_slice %arg9[%add3A_44] : memref<10240xi32, #tpu.memory_space<vmem_shared>> -> memref<64xi32, #tpu.memory_space<vmem_shared>>
      %dma_start3A_110 = tpu.memref_slice %arg9[%add3A_44] : memref<10240xi32, #tpu.memory_space<vmem_shared>> -> memref<64xi32, #tpu.memory_space<vmem_shared>>
      tpu.enqueue_dma source(%dma_start3A_110 : memref<64xi32, #tpu.memory_space<vmem_shared>>) target(%arg23 : memref<64xi32, #tpu.memory_space<vmem>>) target_semaphore(%run_scoped3A : memref<!tpu.dma_semaphore, #tpu.memory_space<semaphore_mem>>)
      %dma_wait3A_111 = tpu.memref_slice %arg9[%add3A_44] : memref<10240xi32, #tpu.memory_space<vmem_shared>> -> memref<64xi32, #tpu.memory_space<vmem_shared>>
      %dma_wait3A_112 = tpu.memref_slice %arg9[%add3A_44] : memref<10240xi32, #tpu.memory_space<vmem_shared>> -> memref<64xi32, #tpu.memory_space<vmem_shared>>
      tpu.wait_dma2 semaphore(%run_scoped3A : memref<!tpu.dma_semaphore, #tpu.memory_space<semaphore_mem>>) src(%dma_wait3A_112 : memref<64xi32, #tpu.memory_space<vmem_shared>>) dst(%arg23 : memref<64xi32, #tpu.memory_space<vmem>>)
      tpu.yield
    }) : () -> ()
    %dma_start3A_45 = arith.constant 0 : i32
    %dma_start3A_46 = arith.constant 0 : i32
    %dma_start3A_47 = tpu.memref_slice %arg2[%dma_start3A_45, %dma_start3A_46] : memref<4096x384xf32, #tpu.memory_space<hbm>> -> memref<4096x384xf32, #tpu.memory_space<hbm>>
    tpu.enqueue_indirect_dma source(%dma_start3A_47 : memref<4096x384xf32, #tpu.memory_space<hbm>>) target(%arg24 : memref<128x384xf32, #tpu.memory_space<vmem>>) offsets(%arg21 : memref<128xi32, #tpu.memory_space<vmem>>) semaphore(%arg26 : memref<!tpu.dma_semaphore, #tpu.memory_space<semaphore_mem>>)
    %dma_start3A_48 = arith.constant 0 : i32
    %dma_start3A_49 = arith.constant 0 : i32
    %dma_start3A_50 = tpu.memref_slice %arg2[%dma_start3A_48, %dma_start3A_49] : memref<4096x384xf32, #tpu.memory_space<hbm>> -> memref<4096x384xf32, #tpu.memory_space<hbm>>
    tpu.enqueue_indirect_dma source(%dma_start3A_50 : memref<4096x384xf32, #tpu.memory_space<hbm>>) target(%arg25 : memref<128x384xf32, #tpu.memory_space<vmem>>) offsets(%arg22 : memref<128xi32, #tpu.memory_space<vmem>>) semaphore(%arg26 : memref<!tpu.dma_semaphore, #tpu.memory_space<semaphore_mem>>)
    %dma_wait3A_51 = arith.constant 0 : i32
    %dma_wait3A_52 = arith.constant 0 : i32
    %dma_wait3A_53 = tpu.memref_slice %arg2[%dma_wait3A_51, %dma_wait3A_52] : memref<4096x384xf32, #tpu.memory_space<hbm>> -> memref<4096x384xf32, #tpu.memory_space<hbm>>
    tpu.wait_indirect_dma semaphore(%arg26 : memref<!tpu.dma_semaphore, #tpu.memory_space<semaphore_mem>>) src(%dma_wait3A_53 : memref<4096x384xf32, #tpu.memory_space<hbm>>) dst(%arg24 : memref<128x384xf32, #tpu.memory_space<vmem>>)
    %dma_start3A_54 = arith.constant 0 : i32
    %dma_start3A_55 = tpu.memref_slice %arg7[%mul3A_40, %dma_start3A_54] : memref<10240x384xf32, #tpu.memory_space<hbm>> -> memref<128x384xf32, #tpu.memory_space<hbm>>
    %dma_start3A_56 = arith.constant 0 : i32
    %dma_start3A_57 = tpu.memref_slice %arg7[%mul3A_40, %dma_start3A_56] : memref<10240x384xf32, #tpu.memory_space<hbm>> -> memref<128x384xf32, #tpu.memory_space<hbm>>
    tpu.enqueue_dma source(%arg24 : memref<128x384xf32, #tpu.memory_space<vmem>>) target(%dma_start3A_57 : memref<128x384xf32, #tpu.memory_space<hbm>>) target_semaphore(%arg27 : memref<!tpu.dma_semaphore, #tpu.memory_space<semaphore_mem>>)
    %dma_wait3A_58 = arith.constant 0 : i32
    %dma_wait3A_59 = arith.constant 0 : i32
    %dma_wait3A_60 = tpu.memref_slice %arg2[%dma_wait3A_58, %dma_wait3A_59] : memref<4096x384xf32, #tpu.memory_space<hbm>> -> memref<4096x384xf32, #tpu.memory_space<hbm>>
    tpu.wait_indirect_dma semaphore(%arg26 : memref<!tpu.dma_semaphore, #tpu.memory_space<semaphore_mem>>) src(%dma_wait3A_60 : memref<4096x384xf32, #tpu.memory_space<hbm>>) dst(%arg25 : memref<128x384xf32, #tpu.memory_space<vmem>>)
    %add3A_61 = arith.constant 128 : i32
    %add3A_62 = arith.addi %mul3A_40, %add3A_61 : i32
    %dma_start3A_63 = arith.constant 0 : i32
    %dma_start3A_64 = tpu.memref_slice %arg7[%add3A_62, %dma_start3A_63] : memref<10240x384xf32, #tpu.memory_space<hbm>> -> memref<128x384xf32, #tpu.memory_space<hbm>>
    %dma_start3A_65 = arith.constant 0 : i32
    %dma_start3A_66 = tpu.memref_slice %arg7[%add3A_62, %dma_start3A_65] : memref<10240x384xf32, #tpu.memory_space<hbm>> -> memref<128x384xf32, #tpu.memory_space<hbm>>
    tpu.enqueue_dma source(%arg25 : memref<128x384xf32, #tpu.memory_space<vmem>>) target(%dma_start3A_66 : memref<128x384xf32, #tpu.memory_space<hbm>>) target_semaphore(%arg27 : memref<!tpu.dma_semaphore, #tpu.memory_space<semaphore_mem>>)
    %dma_wait3A_67 = arith.constant 0 : i32
    %dma_wait3A_68 = tpu.memref_slice %arg7[%mul3A_40, %dma_wait3A_67] : memref<10240x384xf32, #tpu.memory_space<hbm>> -> memref<128x384xf32, #tpu.memory_space<hbm>>
    %dma_wait3A_69 = arith.constant 0 : i32
    %dma_wait3A_70 = tpu.memref_slice %arg7[%mul3A_40, %dma_wait3A_69] : memref<10240x384xf32, #tpu.memory_space<hbm>> -> memref<128x384xf32, #tpu.memory_space<hbm>>
    tpu.wait_dma2 semaphore(%arg27 : memref<!tpu.dma_semaphore, #tpu.memory_space<semaphore_mem>>) src(%arg24 : memref<128x384xf32, #tpu.memory_space<vmem>>) dst(%dma_wait3A_70 : memref<128x384xf32, #tpu.memory_space<hbm>>)
    %dma_start3A_71 = arith.constant 0 : i32
    %dma_start3A_72 = arith.constant 0 : i32
    %dma_start3A_73 = tpu.memref_slice %arg24[%dma_start3A_71, %dma_start3A_72] : memref<128x384xf32, #tpu.memory_space<vmem>> -> memref<64x384xf32, #tpu.memory_space<vmem>>
    %dma_start3A_74 = arith.constant 0 : i32
    %dma_start3A_75 = arith.constant 0 : i32
    %dma_start3A_76 = tpu.memref_slice %arg2[%dma_start3A_74, %dma_start3A_75] : memref<4096x384xf32, #tpu.memory_space<hbm>> -> memref<4096x384xf32, #tpu.memory_space<hbm>>
    tpu.enqueue_indirect_dma source(%dma_start3A_76 : memref<4096x384xf32, #tpu.memory_space<hbm>>) target(%dma_start3A_73 : memref<64x384xf32, #tpu.memory_space<vmem>>) offsets(%arg23 : memref<64xi32, #tpu.memory_space<vmem>>) semaphore(%arg26 : memref<!tpu.dma_semaphore, #tpu.memory_space<semaphore_mem>>)
    %dma_wait3A_77 = arith.constant 0 : i32
    %dma_wait3A_78 = arith.constant 0 : i32
    %dma_wait3A_79 = tpu.memref_slice %arg24[%dma_wait3A_77, %dma_wait3A_78] : memref<128x384xf32, #tpu.memory_space<vmem>> -> memref<64x384xf32, #tpu.memory_space<vmem>>
    %dma_wait3A_80 = arith.constant 0 : i32
    %dma_wait3A_81 = arith.constant 0 : i32
    %dma_wait3A_82 = tpu.memref_slice %arg2[%dma_wait3A_80, %dma_wait3A_81] : memref<4096x384xf32, #tpu.memory_space<hbm>> -> memref<4096x384xf32, #tpu.memory_space<hbm>>
    tpu.wait_indirect_dma semaphore(%arg26 : memref<!tpu.dma_semaphore, #tpu.memory_space<semaphore_mem>>) src(%dma_wait3A_82 : memref<4096x384xf32, #tpu.memory_space<hbm>>) dst(%dma_wait3A_79 : memref<64x384xf32, #tpu.memory_space<vmem>>)
    %add3A_83 = arith.constant 256 : i32
    %add3A_84 = arith.addi %mul3A_40, %add3A_83 : i32
    %dma_start3A_85 = arith.constant 0 : i32
    %dma_start3A_86 = arith.constant 0 : i32
    %dma_start3A_87 = tpu.memref_slice %arg24[%dma_start3A_85, %dma_start3A_86] : memref<128x384xf32, #tpu.memory_space<vmem>> -> memref<64x384xf32, #tpu.memory_space<vmem>>
    %dma_start3A_88 = arith.constant 0 : i32
    %dma_start3A_89 = tpu.memref_slice %arg7[%add3A_84, %dma_start3A_88] : memref<10240x384xf32, #tpu.memory_space<hbm>> -> memref<64x384xf32, #tpu.memory_space<hbm>>
    %dma_start3A_90 = arith.constant 0 : i32
    %dma_start3A_91 = tpu.memref_slice %arg7[%add3A_84, %dma_start3A_90] : memref<10240x384xf32, #tpu.memory_space<hbm>> -> memref<64x384xf32, #tpu.memory_space<hbm>>
    %dma_start3A_92 = arith.constant 0 : i32
    %dma_start3A_93 = arith.constant 0 : i32
    %dma_start3A_94 = tpu.memref_slice %arg24[%dma_start3A_92, %dma_start3A_93] : memref<128x384xf32, #tpu.memory_space<vmem>> -> memref<64x384xf32, #tpu.memory_space<vmem>>
    tpu.enqueue_dma source(%dma_start3A_94 : memref<64x384xf32, #tpu.memory_space<vmem>>) target(%dma_start3A_91 : memref<64x384xf32, #tpu.memory_space<hbm>>) target_semaphore(%arg27 : memref<!tpu.dma_semaphore, #tpu.memory_space<semaphore_mem>>)
    %dma_wait3A_95 = arith.constant 0 : i32
    %dma_wait3A_96 = tpu.memref_slice %arg7[%add3A_62, %dma_wait3A_95] : memref<10240x384xf32, #tpu.memory_space<hbm>> -> memref<128x384xf32, #tpu.memory_space<hbm>>
    %dma_wait3A_97 = arith.constant 0 : i32
    %dma_wait3A_98 = tpu.memref_slice %arg7[%add3A_62, %dma_wait3A_97] : memref<10240x384xf32, #tpu.memory_space<hbm>> -> memref<128x384xf32, #tpu.memory_space<hbm>>
    tpu.wait_dma2 semaphore(%arg27 : memref<!tpu.dma_semaphore, #tpu.memory_space<semaphore_mem>>) src(%arg25 : memref<128x384xf32, #tpu.memory_space<vmem>>) dst(%dma_wait3A_98 : memref<128x384xf32, #tpu.memory_space<hbm>>)
    %dma_wait3A_99 = arith.constant 0 : i32
    %dma_wait3A_100 = arith.constant 0 : i32
    %dma_wait3A_101 = tpu.memref_slice %arg24[%dma_wait3A_99, %dma_wait3A_100] : memref<128x384xf32, #tpu.memory_space<vmem>> -> memref<64x384xf32, #tpu.memory_space<vmem>>
    %dma_wait3A_102 = arith.constant 0 : i32
    %dma_wait3A_103 = tpu.memref_slice %arg7[%add3A_84, %dma_wait3A_102] : memref<10240x384xf32, #tpu.memory_space<hbm>> -> memref<64x384xf32, #tpu.memory_space<hbm>>
    %dma_wait3A_104 = arith.constant 0 : i32
    %dma_wait3A_105 = tpu.memref_slice %arg7[%add3A_84, %dma_wait3A_104] : memref<10240x384xf32, #tpu.memory_space<hbm>> -> memref<64x384xf32, #tpu.memory_space<hbm>>
    %dma_wait3A_106 = arith.constant 0 : i32
    %dma_wait3A_107 = arith.constant 0 : i32
    %dma_wait3A_108 = tpu.memref_slice %arg24[%dma_wait3A_106, %dma_wait3A_107] : memref<128x384xf32, #tpu.memory_space<vmem>> -> memref<64x384xf32, #tpu.memory_space<vmem>>
    tpu.wait_dma2 semaphore(%arg27 : memref<!tpu.dma_semaphore, #tpu.memory_space<semaphore_mem>>) src(%dma_wait3A_108 : memref<64x384xf32, #tpu.memory_space<vmem>>) dst(%dma_wait3A_105 : memref<64x384xf32, #tpu.memory_space<hbm>>)
    return
  }
}

module attributes {stable_mosaic.version = 14 : i64} {
  func.func @_grouped_body(%arg0: i32, %arg1: memref<40xi32, #tpu.memory_space<smem>>, %arg2: memref<256x384xf32, #tpu.memory_space<vmem>>, %arg3: memref<8x384x768xf32, #tpu.memory_space<vmem>>, %arg4: memref<8x384x768xf32, #tpu.memory_space<vmem>>, %arg5: memref<8x768x384xf32, #tpu.memory_space<vmem>>, %arg6: memref<256x1xf32, #tpu.memory_space<vmem>>, %arg7: memref<256x384xf32, #tpu.memory_space<vmem>>) attributes {dimension_semantics = [#tpu.dimension_semantics<arbitrary>], iteration_bounds = array<i64: 40>, scalar_prefetch = 1 : i64, scratch_operands = 0 : i64, tpu.core_type = #tpu.core_type<tc>, window_params = [{transform_indices = @transform_0, window_bounds = array<i64: 256, 384>}, {pipeline_mode = #tpu.pipeline_mode<synchronous>, transform_indices = @transform_1, window_bounds = array<i64: 8, 384, 768>}, {pipeline_mode = #tpu.pipeline_mode<synchronous>, transform_indices = @transform_2, window_bounds = array<i64: 8, 384, 768>}, {pipeline_mode = #tpu.pipeline_mode<synchronous>, transform_indices = @transform_3, window_bounds = array<i64: 8, 768, 384>}, {transform_indices = @transform_4, window_bounds = array<i64: 256, 1>}, {transform_indices = @transform_5, window_bounds = array<i64: 256, 384>}]} {
    %get3A = arith.index_cast %arg0 : i32 to index
    %get3A_0 = memref.load %arg1[%get3A] : memref<40xi32, #tpu.memory_space<smem>>
    %ge3A = arith.constant 0 : i32
    %ge3A_1 = arith.cmpi sge, %get3A_0, %ge3A : i32
    %convert_element_type3A = arith.extui %ge3A_1 : i1 to i32
    %cond3A = arith.constant 0 : i32
    %cond3A_2 = arith.cmpi ne, %convert_element_type3A, %cond3A : i32
    scf.if %cond3A_2 {
      %get3A_3 = arith.index_cast %arg0 : i32 to index
      %get3A_4 = memref.load %arg1[%get3A_3] : memref<40xi32, #tpu.memory_space<smem>>
      %max3A = arith.constant 0 : i32
      %max3A_5 = arith.maxsi %get3A_4, %max3A : i32
      %get3A_6 = arith.constant 0 : index
      %get3A_7 = arith.constant 0 : index
      %get3A_8 = vector.load %arg2[%get3A_6, %get3A_7] : memref<256x384xf32, #tpu.memory_space<vmem>>, vector<256x384xf32>
      %get3A_9 = arith.index_cast %max3A_5 : i32 to index
      %get3A_10 = arith.constant 0 : index
      %get3A_11 = arith.constant 0 : index
      %get3A_12 = vector.load %arg3[%get3A_9, %get3A_10, %get3A_11] : memref<8x384x768xf32, #tpu.memory_space<vmem>>, vector<1x384x768xf32>
      %squeeze3A = vector.shape_cast %get3A_12 : vector<1x384x768xf32> to vector<384x768xf32>
      %dot_general3A = arith.constant dense<0.000000e+00> : vector<256x768xf32>
      %dot_general3A_13 = tpu.matmul %get3A_8, %squeeze3A, %dot_general3A {dimension_numbers = #tpu.dot_dimension_numbers<[1], [0], [0], [1], [0, 0, 1, 1], [], []>, transpose_lhs_hint = false} : vector<256x384xf32>, vector<384x768xf32>, vector<256x768xf32> -> vector<256x768xf32>
      %get3A_14 = arith.index_cast %max3A_5 : i32 to index
      %get3A_15 = arith.constant 0 : index
      %get3A_16 = arith.constant 0 : index
      %get3A_17 = vector.load %arg4[%get3A_14, %get3A_15, %get3A_16] : memref<8x384x768xf32, #tpu.memory_space<vmem>>, vector<1x384x768xf32>
      %squeeze3A_18 = vector.shape_cast %get3A_17 : vector<1x384x768xf32> to vector<384x768xf32>
      %dot_general3A_19 = arith.constant dense<0.000000e+00> : vector<256x768xf32>
      %dot_general3A_20 = tpu.matmul %get3A_8, %squeeze3A_18, %dot_general3A_19 {dimension_numbers = #tpu.dot_dimension_numbers<[1], [0], [0], [1], [0, 0, 1, 1], [], []>, transpose_lhs_hint = false} : vector<256x384xf32>, vector<384x768xf32>, vector<256x768xf32> -> vector<256x768xf32>
      %logistic3A = arith.negf %dot_general3A_13 : vector<256x768xf32>
      %logistic3A_21 = math.exp %logistic3A : vector<256x768xf32>
      %logistic3A_22 = arith.constant 1.000000e+00 : f32
      %logistic3A_23 = vector.broadcast %logistic3A_22 : f32 to vector<256x768xf32>
      %logistic3A_24 = arith.addf %logistic3A_23, %logistic3A_21 : vector<256x768xf32>
      %logistic3A_25 = arith.divf %logistic3A_23, %logistic3A_24 : vector<256x768xf32>
      %mul3A = arith.mulf %dot_general3A_13, %logistic3A_25 : vector<256x768xf32>
      %mul3A_26 = arith.mulf %mul3A, %dot_general3A_20 : vector<256x768xf32>
      %get3A_27 = arith.index_cast %max3A_5 : i32 to index
      %get3A_28 = arith.constant 0 : index
      %get3A_29 = arith.constant 0 : index
      %get3A_30 = vector.load %arg5[%get3A_27, %get3A_28, %get3A_29] : memref<8x768x384xf32, #tpu.memory_space<vmem>>, vector<1x768x384xf32>
      %squeeze3A_31 = vector.shape_cast %get3A_30 : vector<1x768x384xf32> to vector<768x384xf32>
      %dot_general3A_32 = arith.constant dense<0.000000e+00> : vector<256x384xf32>
      %dot_general3A_33 = tpu.matmul %mul3A_26, %squeeze3A_31, %dot_general3A_32 {dimension_numbers = #tpu.dot_dimension_numbers<[1], [0], [0], [1], [0, 0, 1, 1], [], []>, transpose_lhs_hint = false} : vector<256x768xf32>, vector<768x384xf32>, vector<256x384xf32> -> vector<256x384xf32>
      %get3A_34 = arith.constant 0 : index
      %get3A_35 = arith.constant 0 : index
      %get3A_36 = vector.load %arg6[%get3A_34, %get3A_35] : memref<256x1xf32, #tpu.memory_space<vmem>>, vector<256x1xf32>
      %mul3A_37 = vector.broadcast %get3A_36 : vector<256x1xf32> to vector<256x384xf32>
      %mul3A_38 = arith.mulf %dot_general3A_33, %mul3A_37 : vector<256x384xf32>
      %swap3A = arith.constant 0 : index
      %swap3A_39 = arith.constant 0 : index
      %swap3A_40 = vector.load %arg7[%swap3A, %swap3A_39] : memref<256x384xf32, #tpu.memory_space<vmem>>, vector<256x384xf32>
      tpu.vector_store %arg7[%swap3A, %swap3A_39], %mul3A_38 {strides = array<i32>} : memref<256x384xf32, #tpu.memory_space<vmem>>, vector<256x384xf32>,
    } else {
    }
    return
  }
  func.func @transform_0(%arg0: i32, %arg1: memref<40xi32, #tpu.memory_space<smem>>) -> (i32, i32) {
    %c0_i32 = arith.constant 0 : i32
    %c0_i32_0 = arith.constant 0 : i32
    return %arg0, %c0_i32 : i32, i32
  }
  func.func @transform_1(%arg0: i32, %arg1: memref<40xi32, #tpu.memory_space<smem>>) -> (i32, i32, i32) {
    %c0_i32 = arith.constant 0 : i32
    %c0_i32_0 = arith.constant 0 : i32
    %c0_i32_1 = arith.constant 0 : i32
    %c0_i32_2 = arith.constant 0 : i32
    return %c0_i32, %c0_i32_0, %c0_i32_1 : i32, i32, i32
  }
  func.func @transform_2(%arg0: i32, %arg1: memref<40xi32, #tpu.memory_space<smem>>) -> (i32, i32, i32) {
    %c0_i32 = arith.constant 0 : i32
    %c0_i32_0 = arith.constant 0 : i32
    %c0_i32_1 = arith.constant 0 : i32
    %c0_i32_2 = arith.constant 0 : i32
    return %c0_i32, %c0_i32_0, %c0_i32_1 : i32, i32, i32
  }
  func.func @transform_3(%arg0: i32, %arg1: memref<40xi32, #tpu.memory_space<smem>>) -> (i32, i32, i32) {
    %c0_i32 = arith.constant 0 : i32
    %c0_i32_0 = arith.constant 0 : i32
    %c0_i32_1 = arith.constant 0 : i32
    %c0_i32_2 = arith.constant 0 : i32
    return %c0_i32, %c0_i32_0, %c0_i32_1 : i32, i32, i32
  }
  func.func @transform_4(%arg0: i32, %arg1: memref<40xi32, #tpu.memory_space<smem>>) -> (i32, i32) {
    %c0_i32 = arith.constant 0 : i32
    %c0_i32_0 = arith.constant 0 : i32
    return %arg0, %c0_i32 : i32, i32
  }
  func.func @transform_5(%arg0: i32, %arg1: memref<40xi32, #tpu.memory_space<smem>>) -> (i32, i32) {
    %c0_i32 = arith.constant 0 : i32
    %c0_i32_0 = arith.constant 0 : i32
    return %arg0, %c0_i32 : i32, i32
  }
}

module attributes {stable_mosaic.version = 14 : i64} {
  func.func @_router_body(%arg0: memref<4096x384xf32, #tpu.memory_space<vmem>>, %arg1: memref<384x8xf32, #tpu.memory_space<vmem>>, %arg2: memref<4096xi32, #tpu.memory_space<vmem>>, %arg3: memref<4096xi32, #tpu.memory_space<vmem>>, %arg4: memref<4096xf32, #tpu.memory_space<vmem>>, %arg5: memref<4096xf32, #tpu.memory_space<vmem>>, %arg6: memref<40xi32, #tpu.memory_space<vmem>>) attributes {dimension_semantics = [], scalar_prefetch = 0 : i64, scratch_operands = 0 : i64, tpu.core_type = #tpu.core_type<tc>} {
    %get3A = arith.constant 0 : index
    %get3A_0 = arith.constant 0 : index
    %get3A_1 = vector.load %arg0[%get3A, %get3A_0] : memref<4096x384xf32, #tpu.memory_space<vmem>>, vector<4096x384xf32>
    %get3A_2 = arith.constant 0 : index
    %get3A_3 = arith.constant 0 : index
    %get3A_4 = vector.load %arg1[%get3A_2, %get3A_3] : memref<384x8xf32, #tpu.memory_space<vmem>>, vector<384x8xf32>
    %dot_general3A = arith.constant dense<0.000000e+00> : vector<4096x8xf32>
    %dot_general3A_5 = tpu.matmul %get3A_1, %get3A_4, %dot_general3A {dimension_numbers = #tpu.dot_dimension_numbers<[1], [0], [0], [1], [0, 0, 1, 1], [], []>, transpose_lhs_hint = false} : vector<4096x384xf32>, vector<384x8xf32>, vector<4096x8xf32> -> vector<4096x8xf32>
    %reduce_max3A = arith.constant dense<0xFF800000> : vector<4096xf32>
    %reduce_max3A_6 = vector.multi_reduction <maximumf>, %dot_general3A_5, %reduce_max3A [1] : vector<4096x8xf32> to vector<4096xf32>
    %broadcast_in_dim3A = vector.shape_cast %reduce_max3A_6 : vector<4096xf32> to vector<4096x1xf32>
    %sub3A = vector.broadcast %broadcast_in_dim3A : vector<4096x1xf32> to vector<4096x8xf32>
    %sub3A_7 = arith.subf %dot_general3A_5, %sub3A : vector<4096x8xf32>
    %exp3A = math.exp %sub3A_7 : vector<4096x8xf32>
    %reduce_sum3A = arith.constant dense<0.000000e+00> : vector<4096xf32>
    %reduce_sum3A_8 = vector.multi_reduction <add>, %exp3A, %reduce_sum3A [1] : vector<4096x8xf32> to vector<4096xf32>
    %broadcast_in_dim3A_9 = vector.shape_cast %reduce_sum3A_8 : vector<4096xf32> to vector<4096x1xf32>
    %div3A = vector.broadcast %broadcast_in_dim3A_9 : vector<4096x1xf32> to vector<4096x8xf32>
    %div3A_10 = arith.divf %exp3A, %div3A : vector<4096x8xf32>
    %iota3A = tpu.iota {dimensions = array<i32: 1>} : vector<4096x8xi32>
    %reduce_max3A_11 = arith.constant dense<0xFF800000> : vector<4096xf32>
    %reduce_max3A_12 = vector.multi_reduction <maximumf>, %div3A_10, %reduce_max3A_11 [1] : vector<4096x8xf32> to vector<4096xf32>
    %broadcast_in_dim3A_13 = vector.shape_cast %reduce_max3A_12 : vector<4096xf32> to vector<4096x1xf32>
    %eq3A = vector.broadcast %broadcast_in_dim3A_13 : vector<4096x1xf32> to vector<4096x8xf32>
    %eq3A_14 = arith.cmpf oeq, %div3A_10, %eq3A : vector<4096x8xf32>
    %jit3A = arith.constant 8 : i32
    %broadcast_in_dim3A_15 = vector.broadcast %jit3A : i32 to vector<4096x8xi32>
    %select_n3A = arith.select %eq3A_14, %iota3A, %broadcast_in_dim3A_15 : vector<4096x8xi1>, vector<4096x8xi32>
    %reduce_min3A = arith.constant dense<2147483647> : vector<4096xi32>
    %reduce_min3A_16 = vector.multi_reduction <minsi>, %select_n3A, %reduce_min3A [1] : vector<4096x8xi32> to vector<4096xi32>
    %broadcast_in_dim3A_17 = vector.shape_cast %reduce_min3A_16 : vector<4096xi32> to vector<4096x1xi32>
    %eq3A_18 = vector.broadcast %broadcast_in_dim3A_17 : vector<4096x1xi32> to vector<4096x8xi32>
    %eq3A_19 = arith.cmpi eq, %iota3A, %eq3A_18 : vector<4096x8xi32>
    %jit3A_20 = arith.constant -1.000000e+30 : f32
    %broadcast_in_dim3A_21 = vector.broadcast %jit3A_20 : f32 to vector<4096x8xf32>
    %select_n3A_22 = arith.select %eq3A_19, %broadcast_in_dim3A_21, %div3A_10 : vector<4096x8xi1>, vector<4096x8xf32>
    %reduce_max3A_23 = arith.constant dense<0xFF800000> : vector<4096xf32>
    %reduce_max3A_24 = vector.multi_reduction <maximumf>, %select_n3A_22, %reduce_max3A_23 [1] : vector<4096x8xf32> to vector<4096xf32>
    %broadcast_in_dim3A_25 = vector.shape_cast %reduce_max3A_24 : vector<4096xf32> to vector<4096x1xf32>
    %eq3A_26 = vector.broadcast %broadcast_in_dim3A_25 : vector<4096x1xf32> to vector<4096x8xf32>
    %eq3A_27 = arith.cmpf oeq, %select_n3A_22, %eq3A_26 : vector<4096x8xf32>
    %jit3A_28 = arith.constant 8 : i32
    %broadcast_in_dim3A_29 = vector.broadcast %jit3A_28 : i32 to vector<4096x8xi32>
    %select_n3A_30 = arith.select %eq3A_27, %iota3A, %broadcast_in_dim3A_29 : vector<4096x8xi1>, vector<4096x8xi32>
    %reduce_min3A_31 = arith.constant dense<2147483647> : vector<4096xi32>
    %reduce_min3A_32 = vector.multi_reduction <minsi>, %select_n3A_30, %reduce_min3A_31 [1] : vector<4096x8xi32> to vector<4096xi32>
    %broadcast_in_dim3A_33 = vector.shape_cast %reduce_min3A_32 : vector<4096xi32> to vector<4096x1xi32>
    %add3A = arith.addf %broadcast_in_dim3A_13, %broadcast_in_dim3A_25 : vector<4096x1xf32>
    %div3A_34 = arith.divf %broadcast_in_dim3A_13, %add3A : vector<4096x1xf32>
    %squeeze3A = vector.shape_cast %div3A_34 : vector<4096x1xf32> to vector<4096xf32>
    %swap3A = arith.constant 0 : index
    %swap3A_35 = vector.load %arg4[%swap3A] : memref<4096xf32, #tpu.memory_space<vmem>>, vector<4096xf32>
    tpu.vector_store %arg4[%swap3A], %squeeze3A {strides = array<i32>} : memref<4096xf32, #tpu.memory_space<vmem>>, vector<4096xf32>,
    %div3A_36 = arith.divf %broadcast_in_dim3A_25, %add3A : vector<4096x1xf32>
    %squeeze3A_37 = vector.shape_cast %div3A_36 : vector<4096x1xf32> to vector<4096xf32>
    %swap3A_38 = arith.constant 0 : index
    %swap3A_39 = vector.load %arg5[%swap3A_38] : memref<4096xf32, #tpu.memory_space<vmem>>, vector<4096xf32>
    tpu.vector_store %arg5[%swap3A_38], %squeeze3A_37 {strides = array<i32>} : memref<4096xf32, #tpu.memory_space<vmem>>, vector<4096xf32>,
    %eq3A_40 = vector.broadcast %broadcast_in_dim3A_17 : vector<4096x1xi32> to vector<4096x8xi32>
    %eq3A_41 = arith.cmpi eq, %iota3A, %eq3A_40 : vector<4096x8xi32>
    %convert_element_type3A = arith.extui %eq3A_41 : vector<4096x8xi1> to vector<4096x8xi32>
    %convert_element_type3A_42 = arith.sitofp %convert_element_type3A : vector<4096x8xi32> to vector<4096x8xf32>
    %eq3A_43 = vector.broadcast %broadcast_in_dim3A_33 : vector<4096x1xi32> to vector<4096x8xi32>
    %eq3A_44 = arith.cmpi eq, %iota3A, %eq3A_43 : vector<4096x8xi32>
    %convert_element_type3A_45 = arith.extui %eq3A_44 : vector<4096x8xi1> to vector<4096x8xi32>
    %convert_element_type3A_46 = arith.sitofp %convert_element_type3A_45 : vector<4096x8xi32> to vector<4096x8xf32>
    %add3A_47 = arith.addf %convert_element_type3A_42, %convert_element_type3A_46 : vector<4096x8xf32>
    %iota3A_48 = tpu.iota {dimensions = array<i32: 0>} : vector<128x128xi32>
    %iota3A_49 = tpu.iota {dimensions = array<i32: 1>} : vector<128x128xi32>
    %gt3A = arith.cmpi sgt, %iota3A_48, %iota3A_49 : vector<128x128xi32>
    %convert_element_type3A_50 = arith.extui %gt3A : vector<128x128xi1> to vector<128x128xi32>
    %convert_element_type3A_51 = arith.sitofp %convert_element_type3A_50 : vector<128x128xi32> to vector<128x128xf32>
    %broadcast_in_dim3A_52 = arith.constant 0.000000e+00 : f32
    %broadcast_in_dim3A_53 = vector.broadcast %broadcast_in_dim3A_52 : f32 to vector<1x8xf32>
    %slice3A = vector.extract_strided_slice %add3A_47 {offsets = [0, 0], sizes = [128, 8], strides = [1, 1]} : vector<4096x8xf32> to vector<128x8xf32>
    %dot_general3A_54 = arith.constant dense<0.000000e+00> : vector<128x8xf32>
    %dot_general3A_55 = tpu.matmul %convert_element_type3A_51, %slice3A, %dot_general3A_54 {dimension_numbers = #tpu.dot_dimension_numbers<[1], [0], [0], [1], [0, 0, 1, 1], [], []>, transpose_lhs_hint = false} : vector<128x128xf32>, vector<128x8xf32>, vector<128x8xf32> -> vector<128x8xf32>
    %add3A_56 = vector.broadcast %broadcast_in_dim3A_53 : vector<1x8xf32> to vector<128x8xf32>
    %add3A_57 = arith.addf %dot_general3A_55, %add3A_56 : vector<128x8xf32>
    %reduce_sum3A_58 = arith.constant dense<0.000000e+00> : vector<8xf32>
    %reduce_sum3A_59 = vector.multi_reduction <add>, %slice3A, %reduce_sum3A_58 [0] : vector<128x8xf32> to vector<8xf32>
    %broadcast_in_dim3A_60 = vector.shape_cast %reduce_sum3A_59 : vector<8xf32> to vector<1x8xf32>
    %add3A_61 = arith.addf %broadcast_in_dim3A_53, %broadcast_in_dim3A_60 : vector<1x8xf32>
    %slice3A_62 = vector.extract_strided_slice %add3A_47 {offsets = [128, 0], sizes = [128, 8], strides = [1, 1]} : vector<4096x8xf32> to vector<128x8xf32>
    %dot_general3A_63 = arith.constant dense<0.000000e+00> : vector<128x8xf32>
    %dot_general3A_64 = tpu.matmul %convert_element_type3A_51, %slice3A_62, %dot_general3A_63 {dimension_numbers = #tpu.dot_dimension_numbers<[1], [0], [0], [1], [0, 0, 1, 1], [], []>, transpose_lhs_hint = false} : vector<128x128xf32>, vector<128x8xf32>, vector<128x8xf32> -> vector<128x8xf32>
    %add3A_65 = vector.broadcast %add3A_61 : vector<1x8xf32> to vector<128x8xf32>
    %add3A_66 = arith.addf %dot_general3A_64, %add3A_65 : vector<128x8xf32>
    %reduce_sum3A_67 = arith.constant dense<0.000000e+00> : vector<8xf32>
    %reduce_sum3A_68 = vector.multi_reduction <add>, %slice3A_62, %reduce_sum3A_67 [0] : vector<128x8xf32> to vector<8xf32>
    %broadcast_in_dim3A_69 = vector.shape_cast %reduce_sum3A_68 : vector<8xf32> to vector<1x8xf32>
    %add3A_70 = arith.addf %add3A_61, %broadcast_in_dim3A_69 : vector<1x8xf32>
    %slice3A_71 = vector.extract_strided_slice %add3A_47 {offsets = [256, 0], sizes = [128, 8], strides = [1, 1]} : vector<4096x8xf32> to vector<128x8xf32>
    %dot_general3A_72 = arith.constant dense<0.000000e+00> : vector<128x8xf32>
    %dot_general3A_73 = tpu.matmul %convert_element_type3A_51, %slice3A_71, %dot_general3A_72 {dimension_numbers = #tpu.dot_dimension_numbers<[1], [0], [0], [1], [0, 0, 1, 1], [], []>, transpose_lhs_hint = false} : vector<128x128xf32>, vector<128x8xf32>, vector<128x8xf32> -> vector<128x8xf32>
    %add3A_74 = vector.broadcast %add3A_70 : vector<1x8xf32> to vector<128x8xf32>
    %add3A_75 = arith.addf %dot_general3A_73, %add3A_74 : vector<128x8xf32>
    %reduce_sum3A_76 = arith.constant dense<0.000000e+00> : vector<8xf32>
    %reduce_sum3A_77 = vector.multi_reduction <add>, %slice3A_71, %reduce_sum3A_76 [0] : vector<128x8xf32> to vector<8xf32>
    %broadcast_in_dim3A_78 = vector.shape_cast %reduce_sum3A_77 : vector<8xf32> to vector<1x8xf32>
    %add3A_79 = arith.addf %add3A_70, %broadcast_in_dim3A_78 : vector<1x8xf32>
    %slice3A_80 = vector.extract_strided_slice %add3A_47 {offsets = [384, 0], sizes = [128, 8], strides = [1, 1]} : vector<4096x8xf32> to vector<128x8xf32>
    %dot_general3A_81 = arith.constant dense<0.000000e+00> : vector<128x8xf32>
    %dot_general3A_82 = tpu.matmul %convert_element_type3A_51, %slice3A_80, %dot_general3A_81 {dimension_numbers = #tpu.dot_dimension_numbers<[1], [0], [0], [1], [0, 0, 1, 1], [], []>, transpose_lhs_hint = false} : vector<128x128xf32>, vector<128x8xf32>, vector<128x8xf32> -> vector<128x8xf32>
    %add3A_83 = vector.broadcast %add3A_79 : vector<1x8xf32> to vector<128x8xf32>
    %add3A_84 = arith.addf %dot_general3A_82, %add3A_83 : vector<128x8xf32>
    %reduce_sum3A_85 = arith.constant dense<0.000000e+00> : vector<8xf32>
    %reduce_sum3A_86 = vector.multi_reduction <add>, %slice3A_80, %reduce_sum3A_85 [0] : vector<128x8xf32> to vector<8xf32>
    %broadcast_in_dim3A_87 = vector.shape_cast %reduce_sum3A_86 : vector<8xf32> to vector<1x8xf32>
    %add3A_88 = arith.addf %add3A_79, %broadcast_in_dim3A_87 : vector<1x8xf32>
    %slice3A_89 = vector.extract_strided_slice %add3A_47 {offsets = [512, 0], sizes = [128, 8], strides = [1, 1]} : vector<4096x8xf32> to vector<128x8xf32>
    %dot_general3A_90 = arith.constant dense<0.000000e+00> : vector<128x8xf32>
    %dot_general3A_91 = tpu.matmul %convert_element_type3A_51, %slice3A_89, %dot_general3A_90 {dimension_numbers = #tpu.dot_dimension_numbers<[1], [0], [0], [1], [0, 0, 1, 1], [], []>, transpose_lhs_hint = false} : vector<128x128xf32>, vector<128x8xf32>, vector<128x8xf32> -> vector<128x8xf32>
    %add3A_92 = vector.broadcast %add3A_88 : vector<1x8xf32> to vector<128x8xf32>
    %add3A_93 = arith.addf %dot_general3A_91, %add3A_92 : vector<128x8xf32>
    %reduce_sum3A_94 = arith.constant dense<0.000000e+00> : vector<8xf32>
    %reduce_sum3A_95 = vector.multi_reduction <add>, %slice3A_89, %reduce_sum3A_94 [0] : vector<128x8xf32> to vector<8xf32>
    %broadcast_in_dim3A_96 = vector.shape_cast %reduce_sum3A_95 : vector<8xf32> to vector<1x8xf32>
    %add3A_97 = arith.addf %add3A_88, %broadcast_in_dim3A_96 : vector<1x8xf32>
    %slice3A_98 = vector.extract_strided_slice %add3A_47 {offsets = [640, 0], sizes = [128, 8], strides = [1, 1]} : vector<4096x8xf32> to vector<128x8xf32>
    %dot_general3A_99 = arith.constant dense<0.000000e+00> : vector<128x8xf32>
    %dot_general3A_100 = tpu.matmul %convert_element_type3A_51, %slice3A_98, %dot_general3A_99 {dimension_numbers = #tpu.dot_dimension_numbers<[1], [0], [0], [1], [0, 0, 1, 1], [], []>, transpose_lhs_hint = false} : vector<128x128xf32>, vector<128x8xf32>, vector<128x8xf32> -> vector<128x8xf32>
    %add3A_101 = vector.broadcast %add3A_97 : vector<1x8xf32> to vector<128x8xf32>
    %add3A_102 = arith.addf %dot_general3A_100, %add3A_101 : vector<128x8xf32>
    %reduce_sum3A_103 = arith.constant dense<0.000000e+00> : vector<8xf32>
    %reduce_sum3A_104 = vector.multi_reduction <add>, %slice3A_98, %reduce_sum3A_103 [0] : vector<128x8xf32> to vector<8xf32>
    %broadcast_in_dim3A_105 = vector.shape_cast %reduce_sum3A_104 : vector<8xf32> to vector<1x8xf32>
    %add3A_106 = arith.addf %add3A_97, %broadcast_in_dim3A_105 : vector<1x8xf32>
    %slice3A_107 = vector.extract_strided_slice %add3A_47 {offsets = [768, 0], sizes = [128, 8], strides = [1, 1]} : vector<4096x8xf32> to vector<128x8xf32>
    %dot_general3A_108 = arith.constant dense<0.000000e+00> : vector<128x8xf32>
    %dot_general3A_109 = tpu.matmul %convert_element_type3A_51, %slice3A_107, %dot_general3A_108 {dimension_numbers = #tpu.dot_dimension_numbers<[1], [0], [0], [1], [0, 0, 1, 1], [], []>, transpose_lhs_hint = false} : vector<128x128xf32>, vector<128x8xf32>, vector<128x8xf32> -> vector<128x8xf32>
    %add3A_110 = vector.broadcast %add3A_106 : vector<1x8xf32> to vector<128x8xf32>
    %add3A_111 = arith.addf %dot_general3A_109, %add3A_110 : vector<128x8xf32>
    %reduce_sum3A_112 = arith.constant dense<0.000000e+00> : vector<8xf32>
    %reduce_sum3A_113 = vector.multi_reduction <add>, %slice3A_107, %reduce_sum3A_112 [0] : vector<128x8xf32> to vector<8xf32>
    %broadcast_in_dim3A_114 = vector.shape_cast %reduce_sum3A_113 : vector<8xf32> to vector<1x8xf32>
    %add3A_115 = arith.addf %add3A_106, %broadcast_in_dim3A_114 : vector<1x8xf32>
    %slice3A_116 = vector.extract_strided_slice %add3A_47 {offsets = [896, 0], sizes = [128, 8], strides = [1, 1]} : vector<4096x8xf32> to vector<128x8xf32>
    %dot_general3A_117 = arith.constant dense<0.000000e+00> : vector<128x8xf32>
    %dot_general3A_118 = tpu.matmul %convert_element_type3A_51, %slice3A_116, %dot_general3A_117 {dimension_numbers = #tpu.dot_dimension_numbers<[1], [0], [0], [1], [0, 0, 1, 1], [], []>, transpose_lhs_hint = false} : vector<128x128xf32>, vector<128x8xf32>, vector<128x8xf32> -> vector<128x8xf32>
    %add3A_119 = vector.broadcast %add3A_115 : vector<1x8xf32> to vector<128x8xf32>
    %add3A_120 = arith.addf %dot_general3A_118, %add3A_119 : vector<128x8xf32>
    %reduce_sum3A_121 = arith.constant dense<0.000000e+00> : vector<8xf32>
    %reduce_sum3A_122 = vector.multi_reduction <add>, %slice3A_116, %reduce_sum3A_121 [0] : vector<128x8xf32> to vector<8xf32>
    %broadcast_in_dim3A_123 = vector.shape_cast %reduce_sum3A_122 : vector<8xf32> to vector<1x8xf32>
    %add3A_124 = arith.addf %add3A_115, %broadcast_in_dim3A_123 : vector<1x8xf32>
    %slice3A_125 = vector.extract_strided_slice %add3A_47 {offsets = [1024, 0], sizes = [128, 8], strides = [1, 1]} : vector<4096x8xf32> to vector<128x8xf32>
    %dot_general3A_126 = arith.constant dense<0.000000e+00> : vector<128x8xf32>
    %dot_general3A_127 = tpu.matmul %convert_element_type3A_51, %slice3A_125, %dot_general3A_126 {dimension_numbers = #tpu.dot_dimension_numbers<[1], [0], [0], [1], [0, 0, 1, 1], [], []>, transpose_lhs_hint = false} : vector<128x128xf32>, vector<128x8xf32>, vector<128x8xf32> -> vector<128x8xf32>
    %add3A_128 = vector.broadcast %add3A_124 : vector<1x8xf32> to vector<128x8xf32>
    %add3A_129 = arith.addf %dot_general3A_127, %add3A_128 : vector<128x8xf32>
    %reduce_sum3A_130 = arith.constant dense<0.000000e+00> : vector<8xf32>
    %reduce_sum3A_131 = vector.multi_reduction <add>, %slice3A_125, %reduce_sum3A_130 [0] : vector<128x8xf32> to vector<8xf32>
    %broadcast_in_dim3A_132 = vector.shape_cast %reduce_sum3A_131 : vector<8xf32> to vector<1x8xf32>
    %add3A_133 = arith.addf %add3A_124, %broadcast_in_dim3A_132 : vector<1x8xf32>
    %slice3A_134 = vector.extract_strided_slice %add3A_47 {offsets = [1152, 0], sizes = [128, 8], strides = [1, 1]} : vector<4096x8xf32> to vector<128x8xf32>
    %dot_general3A_135 = arith.constant dense<0.000000e+00> : vector<128x8xf32>
    %dot_general3A_136 = tpu.matmul %convert_element_type3A_51, %slice3A_134, %dot_general3A_135 {dimension_numbers = #tpu.dot_dimension_numbers<[1], [0], [0], [1], [0, 0, 1, 1], [], []>, transpose_lhs_hint = false} : vector<128x128xf32>, vector<128x8xf32>, vector<128x8xf32> -> vector<128x8xf32>
    %add3A_137 = vector.broadcast %add3A_133 : vector<1x8xf32> to vector<128x8xf32>
    %add3A_138 = arith.addf %dot_general3A_136, %add3A_137 : vector<128x8xf32>
    %reduce_sum3A_139 = arith.constant dense<0.000000e+00> : vector<8xf32>
    %reduce_sum3A_140 = vector.multi_reduction <add>, %slice3A_134, %reduce_sum3A_139 [0] : vector<128x8xf32> to vector<8xf32>
    %broadcast_in_dim3A_141 = vector.shape_cast %reduce_sum3A_140 : vector<8xf32> to vector<1x8xf32>
    %add3A_142 = arith.addf %add3A_133, %broadcast_in_dim3A_141 : vector<1x8xf32>
    %slice3A_143 = vector.extract_strided_slice %add3A_47 {offsets = [1280, 0], sizes = [128, 8], strides = [1, 1]} : vector<4096x8xf32> to vector<128x8xf32>
    %dot_general3A_144 = arith.constant dense<0.000000e+00> : vector<128x8xf32>
    %dot_general3A_145 = tpu.matmul %convert_element_type3A_51, %slice3A_143, %dot_general3A_144 {dimension_numbers = #tpu.dot_dimension_numbers<[1], [0], [0], [1], [0, 0, 1, 1], [], []>, transpose_lhs_hint = false} : vector<128x128xf32>, vector<128x8xf32>, vector<128x8xf32> -> vector<128x8xf32>
    %add3A_146 = vector.broadcast %add3A_142 : vector<1x8xf32> to vector<128x8xf32>
    %add3A_147 = arith.addf %dot_general3A_145, %add3A_146 : vector<128x8xf32>
    %reduce_sum3A_148 = arith.constant dense<0.000000e+00> : vector<8xf32>
    %reduce_sum3A_149 = vector.multi_reduction <add>, %slice3A_143, %reduce_sum3A_148 [0] : vector<128x8xf32> to vector<8xf32>
    %broadcast_in_dim3A_150 = vector.shape_cast %reduce_sum3A_149 : vector<8xf32> to vector<1x8xf32>
    %add3A_151 = arith.addf %add3A_142, %broadcast_in_dim3A_150 : vector<1x8xf32>
    %slice3A_152 = vector.extract_strided_slice %add3A_47 {offsets = [1408, 0], sizes = [128, 8], strides = [1, 1]} : vector<4096x8xf32> to vector<128x8xf32>
    %dot_general3A_153 = arith.constant dense<0.000000e+00> : vector<128x8xf32>
    %dot_general3A_154 = tpu.matmul %convert_element_type3A_51, %slice3A_152, %dot_general3A_153 {dimension_numbers = #tpu.dot_dimension_numbers<[1], [0], [0], [1], [0, 0, 1, 1], [], []>, transpose_lhs_hint = false} : vector<128x128xf32>, vector<128x8xf32>, vector<128x8xf32> -> vector<128x8xf32>
    %add3A_155 = vector.broadcast %add3A_151 : vector<1x8xf32> to vector<128x8xf32>
    %add3A_156 = arith.addf %dot_general3A_154, %add3A_155 : vector<128x8xf32>
    %reduce_sum3A_157 = arith.constant dense<0.000000e+00> : vector<8xf32>
    %reduce_sum3A_158 = vector.multi_reduction <add>, %slice3A_152, %reduce_sum3A_157 [0] : vector<128x8xf32> to vector<8xf32>
    %broadcast_in_dim3A_159 = vector.shape_cast %reduce_sum3A_158 : vector<8xf32> to vector<1x8xf32>
    %add3A_160 = arith.addf %add3A_151, %broadcast_in_dim3A_159 : vector<1x8xf32>
    %slice3A_161 = vector.extract_strided_slice %add3A_47 {offsets = [1536, 0], sizes = [128, 8], strides = [1, 1]} : vector<4096x8xf32> to vector<128x8xf32>
    %dot_general3A_162 = arith.constant dense<0.000000e+00> : vector<128x8xf32>
    %dot_general3A_163 = tpu.matmul %convert_element_type3A_51, %slice3A_161, %dot_general3A_162 {dimension_numbers = #tpu.dot_dimension_numbers<[1], [0], [0], [1], [0, 0, 1, 1], [], []>, transpose_lhs_hint = false} : vector<128x128xf32>, vector<128x8xf32>, vector<128x8xf32> -> vector<128x8xf32>
    %add3A_164 = vector.broadcast %add3A_160 : vector<1x8xf32> to vector<128x8xf32>
    %add3A_165 = arith.addf %dot_general3A_163, %add3A_164 : vector<128x8xf32>
    %reduce_sum3A_166 = arith.constant dense<0.000000e+00> : vector<8xf32>
    %reduce_sum3A_167 = vector.multi_reduction <add>, %slice3A_161, %reduce_sum3A_166 [0] : vector<128x8xf32> to vector<8xf32>
    %broadcast_in_dim3A_168 = vector.shape_cast %reduce_sum3A_167 : vector<8xf32> to vector<1x8xf32>
    %add3A_169 = arith.addf %add3A_160, %broadcast_in_dim3A_168 : vector<1x8xf32>
    %slice3A_170 = vector.extract_strided_slice %add3A_47 {offsets = [1664, 0], sizes = [128, 8], strides = [1, 1]} : vector<4096x8xf32> to vector<128x8xf32>
    %dot_general3A_171 = arith.constant dense<0.000000e+00> : vector<128x8xf32>
    %dot_general3A_172 = tpu.matmul %convert_element_type3A_51, %slice3A_170, %dot_general3A_171 {dimension_numbers = #tpu.dot_dimension_numbers<[1], [0], [0], [1], [0, 0, 1, 1], [], []>, transpose_lhs_hint = false} : vector<128x128xf32>, vector<128x8xf32>, vector<128x8xf32> -> vector<128x8xf32>
    %add3A_173 = vector.broadcast %add3A_169 : vector<1x8xf32> to vector<128x8xf32>
    %add3A_174 = arith.addf %dot_general3A_172, %add3A_173 : vector<128x8xf32>
    %reduce_sum3A_175 = arith.constant dense<0.000000e+00> : vector<8xf32>
    %reduce_sum3A_176 = vector.multi_reduction <add>, %slice3A_170, %reduce_sum3A_175 [0] : vector<128x8xf32> to vector<8xf32>
    %broadcast_in_dim3A_177 = vector.shape_cast %reduce_sum3A_176 : vector<8xf32> to vector<1x8xf32>
    %add3A_178 = arith.addf %add3A_169, %broadcast_in_dim3A_177 : vector<1x8xf32>
    %slice3A_179 = vector.extract_strided_slice %add3A_47 {offsets = [1792, 0], sizes = [128, 8], strides = [1, 1]} : vector<4096x8xf32> to vector<128x8xf32>
    %dot_general3A_180 = arith.constant dense<0.000000e+00> : vector<128x8xf32>
    %dot_general3A_181 = tpu.matmul %convert_element_type3A_51, %slice3A_179, %dot_general3A_180 {dimension_numbers = #tpu.dot_dimension_numbers<[1], [0], [0], [1], [0, 0, 1, 1], [], []>, transpose_lhs_hint = false} : vector<128x128xf32>, vector<128x8xf32>, vector<128x8xf32> -> vector<128x8xf32>
    %add3A_182 = vector.broadcast %add3A_178 : vector<1x8xf32> to vector<128x8xf32>
    %add3A_183 = arith.addf %dot_general3A_181, %add3A_182 : vector<128x8xf32>
    %reduce_sum3A_184 = arith.constant dense<0.000000e+00> : vector<8xf32>
    %reduce_sum3A_185 = vector.multi_reduction <add>, %slice3A_179, %reduce_sum3A_184 [0] : vector<128x8xf32> to vector<8xf32>
    %broadcast_in_dim3A_186 = vector.shape_cast %reduce_sum3A_185 : vector<8xf32> to vector<1x8xf32>
    %add3A_187 = arith.addf %add3A_178, %broadcast_in_dim3A_186 : vector<1x8xf32>
    %slice3A_188 = vector.extract_strided_slice %add3A_47 {offsets = [1920, 0], sizes = [128, 8], strides = [1, 1]} : vector<4096x8xf32> to vector<128x8xf32>
    %dot_general3A_189 = arith.constant dense<0.000000e+00> : vector<128x8xf32>
    %dot_general3A_190 = tpu.matmul %convert_element_type3A_51, %slice3A_188, %dot_general3A_189 {dimension_numbers = #tpu.dot_dimension_numbers<[1], [0], [0], [1], [0, 0, 1, 1], [], []>, transpose_lhs_hint = false} : vector<128x128xf32>, vector<128x8xf32>, vector<128x8xf32> -> vector<128x8xf32>
    %add3A_191 = vector.broadcast %add3A_187 : vector<1x8xf32> to vector<128x8xf32>
    %add3A_192 = arith.addf %dot_general3A_190, %add3A_191 : vector<128x8xf32>
    %reduce_sum3A_193 = arith.constant dense<0.000000e+00> : vector<8xf32>
    %reduce_sum3A_194 = vector.multi_reduction <add>, %slice3A_188, %reduce_sum3A_193 [0] : vector<128x8xf32> to vector<8xf32>
    %broadcast_in_dim3A_195 = vector.shape_cast %reduce_sum3A_194 : vector<8xf32> to vector<1x8xf32>
    %add3A_196 = arith.addf %add3A_187, %broadcast_in_dim3A_195 : vector<1x8xf32>
    %slice3A_197 = vector.extract_strided_slice %add3A_47 {offsets = [2048, 0], sizes = [128, 8], strides = [1, 1]} : vector<4096x8xf32> to vector<128x8xf32>
    %dot_general3A_198 = arith.constant dense<0.000000e+00> : vector<128x8xf32>
    %dot_general3A_199 = tpu.matmul %convert_element_type3A_51, %slice3A_197, %dot_general3A_198 {dimension_numbers = #tpu.dot_dimension_numbers<[1], [0], [0], [1], [0, 0, 1, 1], [], []>, transpose_lhs_hint = false} : vector<128x128xf32>, vector<128x8xf32>, vector<128x8xf32> -> vector<128x8xf32>
    %add3A_200 = vector.broadcast %add3A_196 : vector<1x8xf32> to vector<128x8xf32>
    %add3A_201 = arith.addf %dot_general3A_199, %add3A_200 : vector<128x8xf32>
    %reduce_sum3A_202 = arith.constant dense<0.000000e+00> : vector<8xf32>
    %reduce_sum3A_203 = vector.multi_reduction <add>, %slice3A_197, %reduce_sum3A_202 [0] : vector<128x8xf32> to vector<8xf32>
    %broadcast_in_dim3A_204 = vector.shape_cast %reduce_sum3A_203 : vector<8xf32> to vector<1x8xf32>
    %add3A_205 = arith.addf %add3A_196, %broadcast_in_dim3A_204 : vector<1x8xf32>
    %slice3A_206 = vector.extract_strided_slice %add3A_47 {offsets = [2176, 0], sizes = [128, 8], strides = [1, 1]} : vector<4096x8xf32> to vector<128x8xf32>
    %dot_general3A_207 = arith.constant dense<0.000000e+00> : vector<128x8xf32>
    %dot_general3A_208 = tpu.matmul %convert_element_type3A_51, %slice3A_206, %dot_general3A_207 {dimension_numbers = #tpu.dot_dimension_numbers<[1], [0], [0], [1], [0, 0, 1, 1], [], []>, transpose_lhs_hint = false} : vector<128x128xf32>, vector<128x8xf32>, vector<128x8xf32> -> vector<128x8xf32>
    %add3A_209 = vector.broadcast %add3A_205 : vector<1x8xf32> to vector<128x8xf32>
    %add3A_210 = arith.addf %dot_general3A_208, %add3A_209 : vector<128x8xf32>
    %reduce_sum3A_211 = arith.constant dense<0.000000e+00> : vector<8xf32>
    %reduce_sum3A_212 = vector.multi_reduction <add>, %slice3A_206, %reduce_sum3A_211 [0] : vector<128x8xf32> to vector<8xf32>
    %broadcast_in_dim3A_213 = vector.shape_cast %reduce_sum3A_212 : vector<8xf32> to vector<1x8xf32>
    %add3A_214 = arith.addf %add3A_205, %broadcast_in_dim3A_213 : vector<1x8xf32>
    %slice3A_215 = vector.extract_strided_slice %add3A_47 {offsets = [2304, 0], sizes = [128, 8], strides = [1, 1]} : vector<4096x8xf32> to vector<128x8xf32>
    %dot_general3A_216 = arith.constant dense<0.000000e+00> : vector<128x8xf32>
    %dot_general3A_217 = tpu.matmul %convert_element_type3A_51, %slice3A_215, %dot_general3A_216 {dimension_numbers = #tpu.dot_dimension_numbers<[1], [0], [0], [1], [0, 0, 1, 1], [], []>, transpose_lhs_hint = false} : vector<128x128xf32>, vector<128x8xf32>, vector<128x8xf32> -> vector<128x8xf32>
    %add3A_218 = vector.broadcast %add3A_214 : vector<1x8xf32> to vector<128x8xf32>
    %add3A_219 = arith.addf %dot_general3A_217, %add3A_218 : vector<128x8xf32>
    %reduce_sum3A_220 = arith.constant dense<0.000000e+00> : vector<8xf32>
    %reduce_sum3A_221 = vector.multi_reduction <add>, %slice3A_215, %reduce_sum3A_220 [0] : vector<128x8xf32> to vector<8xf32>
    %broadcast_in_dim3A_222 = vector.shape_cast %reduce_sum3A_221 : vector<8xf32> to vector<1x8xf32>
    %add3A_223 = arith.addf %add3A_214, %broadcast_in_dim3A_222 : vector<1x8xf32>
    %slice3A_224 = vector.extract_strided_slice %add3A_47 {offsets = [2432, 0], sizes = [128, 8], strides = [1, 1]} : vector<4096x8xf32> to vector<128x8xf32>
    %dot_general3A_225 = arith.constant dense<0.000000e+00> : vector<128x8xf32>
    %dot_general3A_226 = tpu.matmul %convert_element_type3A_51, %slice3A_224, %dot_general3A_225 {dimension_numbers = #tpu.dot_dimension_numbers<[1], [0], [0], [1], [0, 0, 1, 1], [], []>, transpose_lhs_hint = false} : vector<128x128xf32>, vector<128x8xf32>, vector<128x8xf32> -> vector<128x8xf32>
    %add3A_227 = vector.broadcast %add3A_223 : vector<1x8xf32> to vector<128x8xf32>
    %add3A_228 = arith.addf %dot_general3A_226, %add3A_227 : vector<128x8xf32>
    %reduce_sum3A_229 = arith.constant dense<0.000000e+00> : vector<8xf32>
    %reduce_sum3A_230 = vector.multi_reduction <add>, %slice3A_224, %reduce_sum3A_229 [0] : vector<128x8xf32> to vector<8xf32>
    %broadcast_in_dim3A_231 = vector.shape_cast %reduce_sum3A_230 : vector<8xf32> to vector<1x8xf32>
    %add3A_232 = arith.addf %add3A_223, %broadcast_in_dim3A_231 : vector<1x8xf32>
    %slice3A_233 = vector.extract_strided_slice %add3A_47 {offsets = [2560, 0], sizes = [128, 8], strides = [1, 1]} : vector<4096x8xf32> to vector<128x8xf32>
    %dot_general3A_234 = arith.constant dense<0.000000e+00> : vector<128x8xf32>
    %dot_general3A_235 = tpu.matmul %convert_element_type3A_51, %slice3A_233, %dot_general3A_234 {dimension_numbers = #tpu.dot_dimension_numbers<[1], [0], [0], [1], [0, 0, 1, 1], [], []>, transpose_lhs_hint = false} : vector<128x128xf32>, vector<128x8xf32>, vector<128x8xf32> -> vector<128x8xf32>
    %add3A_236 = vector.broadcast %add3A_232 : vector<1x8xf32> to vector<128x8xf32>
    %add3A_237 = arith.addf %dot_general3A_235, %add3A_236 : vector<128x8xf32>
    %reduce_sum3A_238 = arith.constant dense<0.000000e+00> : vector<8xf32>
    %reduce_sum3A_239 = vector.multi_reduction <add>, %slice3A_233, %reduce_sum3A_238 [0] : vector<128x8xf32> to vector<8xf32>
    %broadcast_in_dim3A_240 = vector.shape_cast %reduce_sum3A_239 : vector<8xf32> to vector<1x8xf32>
    %add3A_241 = arith.addf %add3A_232, %broadcast_in_dim3A_240 : vector<1x8xf32>
    %slice3A_242 = vector.extract_strided_slice %add3A_47 {offsets = [2688, 0], sizes = [128, 8], strides = [1, 1]} : vector<4096x8xf32> to vector<128x8xf32>
    %dot_general3A_243 = arith.constant dense<0.000000e+00> : vector<128x8xf32>
    %dot_general3A_244 = tpu.matmul %convert_element_type3A_51, %slice3A_242, %dot_general3A_243 {dimension_numbers = #tpu.dot_dimension_numbers<[1], [0], [0], [1], [0, 0, 1, 1], [], []>, transpose_lhs_hint = false} : vector<128x128xf32>, vector<128x8xf32>, vector<128x8xf32> -> vector<128x8xf32>
    %add3A_245 = vector.broadcast %add3A_241 : vector<1x8xf32> to vector<128x8xf32>
    %add3A_246 = arith.addf %dot_general3A_244, %add3A_245 : vector<128x8xf32>
    %reduce_sum3A_247 = arith.constant dense<0.000000e+00> : vector<8xf32>
    %reduce_sum3A_248 = vector.multi_reduction <add>, %slice3A_242, %reduce_sum3A_247 [0] : vector<128x8xf32> to vector<8xf32>
    %broadcast_in_dim3A_249 = vector.shape_cast %reduce_sum3A_248 : vector<8xf32> to vector<1x8xf32>
    %add3A_250 = arith.addf %add3A_241, %broadcast_in_dim3A_249 : vector<1x8xf32>
    %slice3A_251 = vector.extract_strided_slice %add3A_47 {offsets = [2816, 0], sizes = [128, 8], strides = [1, 1]} : vector<4096x8xf32> to vector<128x8xf32>
    %dot_general3A_252 = arith.constant dense<0.000000e+00> : vector<128x8xf32>
    %dot_general3A_253 = tpu.matmul %convert_element_type3A_51, %slice3A_251, %dot_general3A_252 {dimension_numbers = #tpu.dot_dimension_numbers<[1], [0], [0], [1], [0, 0, 1, 1], [], []>, transpose_lhs_hint = false} : vector<128x128xf32>, vector<128x8xf32>, vector<128x8xf32> -> vector<128x8xf32>
    %add3A_254 = vector.broadcast %add3A_250 : vector<1x8xf32> to vector<128x8xf32>
    %add3A_255 = arith.addf %dot_general3A_253, %add3A_254 : vector<128x8xf32>
    %reduce_sum3A_256 = arith.constant dense<0.000000e+00> : vector<8xf32>
    %reduce_sum3A_257 = vector.multi_reduction <add>, %slice3A_251, %reduce_sum3A_256 [0] : vector<128x8xf32> to vector<8xf32>
    %broadcast_in_dim3A_258 = vector.shape_cast %reduce_sum3A_257 : vector<8xf32> to vector<1x8xf32>
    %add3A_259 = arith.addf %add3A_250, %broadcast_in_dim3A_258 : vector<1x8xf32>
    %slice3A_260 = vector.extract_strided_slice %add3A_47 {offsets = [2944, 0], sizes = [128, 8], strides = [1, 1]} : vector<4096x8xf32> to vector<128x8xf32>
    %dot_general3A_261 = arith.constant dense<0.000000e+00> : vector<128x8xf32>
    %dot_general3A_262 = tpu.matmul %convert_element_type3A_51, %slice3A_260, %dot_general3A_261 {dimension_numbers = #tpu.dot_dimension_numbers<[1], [0], [0], [1], [0, 0, 1, 1], [], []>, transpose_lhs_hint = false} : vector<128x128xf32>, vector<128x8xf32>, vector<128x8xf32> -> vector<128x8xf32>
    %add3A_263 = vector.broadcast %add3A_259 : vector<1x8xf32> to vector<128x8xf32>
    %add3A_264 = arith.addf %dot_general3A_262, %add3A_263 : vector<128x8xf32>
    %reduce_sum3A_265 = arith.constant dense<0.000000e+00> : vector<8xf32>
    %reduce_sum3A_266 = vector.multi_reduction <add>, %slice3A_260, %reduce_sum3A_265 [0] : vector<128x8xf32> to vector<8xf32>
    %broadcast_in_dim3A_267 = vector.shape_cast %reduce_sum3A_266 : vector<8xf32> to vector<1x8xf32>
    %add3A_268 = arith.addf %add3A_259, %broadcast_in_dim3A_267 : vector<1x8xf32>
    %slice3A_269 = vector.extract_strided_slice %add3A_47 {offsets = [3072, 0], sizes = [128, 8], strides = [1, 1]} : vector<4096x8xf32> to vector<128x8xf32>
    %dot_general3A_270 = arith.constant dense<0.000000e+00> : vector<128x8xf32>
    %dot_general3A_271 = tpu.matmul %convert_element_type3A_51, %slice3A_269, %dot_general3A_270 {dimension_numbers = #tpu.dot_dimension_numbers<[1], [0], [0], [1], [0, 0, 1, 1], [], []>, transpose_lhs_hint = false} : vector<128x128xf32>, vector<128x8xf32>, vector<128x8xf32> -> vector<128x8xf32>
    %add3A_272 = vector.broadcast %add3A_268 : vector<1x8xf32> to vector<128x8xf32>
    %add3A_273 = arith.addf %dot_general3A_271, %add3A_272 : vector<128x8xf32>
    %reduce_sum3A_274 = arith.constant dense<0.000000e+00> : vector<8xf32>
    %reduce_sum3A_275 = vector.multi_reduction <add>, %slice3A_269, %reduce_sum3A_274 [0] : vector<128x8xf32> to vector<8xf32>
    %broadcast_in_dim3A_276 = vector.shape_cast %reduce_sum3A_275 : vector<8xf32> to vector<1x8xf32>
    %add3A_277 = arith.addf %add3A_268, %broadcast_in_dim3A_276 : vector<1x8xf32>
    %slice3A_278 = vector.extract_strided_slice %add3A_47 {offsets = [3200, 0], sizes = [128, 8], strides = [1, 1]} : vector<4096x8xf32> to vector<128x8xf32>
    %dot_general3A_279 = arith.constant dense<0.000000e+00> : vector<128x8xf32>
    %dot_general3A_280 = tpu.matmul %convert_element_type3A_51, %slice3A_278, %dot_general3A_279 {dimension_numbers = #tpu.dot_dimension_numbers<[1], [0], [0], [1], [0, 0, 1, 1], [], []>, transpose_lhs_hint = false} : vector<128x128xf32>, vector<128x8xf32>, vector<128x8xf32> -> vector<128x8xf32>
    %add3A_281 = vector.broadcast %add3A_277 : vector<1x8xf32> to vector<128x8xf32>
    %add3A_282 = arith.addf %dot_general3A_280, %add3A_281 : vector<128x8xf32>
    %reduce_sum3A_283 = arith.constant dense<0.000000e+00> : vector<8xf32>
    %reduce_sum3A_284 = vector.multi_reduction <add>, %slice3A_278, %reduce_sum3A_283 [0] : vector<128x8xf32> to vector<8xf32>
    %broadcast_in_dim3A_285 = vector.shape_cast %reduce_sum3A_284 : vector<8xf32> to vector<1x8xf32>
    %add3A_286 = arith.addf %add3A_277, %broadcast_in_dim3A_285 : vector<1x8xf32>
    %slice3A_287 = vector.extract_strided_slice %add3A_47 {offsets = [3328, 0], sizes = [128, 8], strides = [1, 1]} : vector<4096x8xf32> to vector<128x8xf32>
    %dot_general3A_288 = arith.constant dense<0.000000e+00> : vector<128x8xf32>
    %dot_general3A_289 = tpu.matmul %convert_element_type3A_51, %slice3A_287, %dot_general3A_288 {dimension_numbers = #tpu.dot_dimension_numbers<[1], [0], [0], [1], [0, 0, 1, 1], [], []>, transpose_lhs_hint = false} : vector<128x128xf32>, vector<128x8xf32>, vector<128x8xf32> -> vector<128x8xf32>
    %add3A_290 = vector.broadcast %add3A_286 : vector<1x8xf32> to vector<128x8xf32>
    %add3A_291 = arith.addf %dot_general3A_289, %add3A_290 : vector<128x8xf32>
    %reduce_sum3A_292 = arith.constant dense<0.000000e+00> : vector<8xf32>
    %reduce_sum3A_293 = vector.multi_reduction <add>, %slice3A_287, %reduce_sum3A_292 [0] : vector<128x8xf32> to vector<8xf32>
    %broadcast_in_dim3A_294 = vector.shape_cast %reduce_sum3A_293 : vector<8xf32> to vector<1x8xf32>
    %add3A_295 = arith.addf %add3A_286, %broadcast_in_dim3A_294 : vector<1x8xf32>
    %slice3A_296 = vector.extract_strided_slice %add3A_47 {offsets = [3456, 0], sizes = [128, 8], strides = [1, 1]} : vector<4096x8xf32> to vector<128x8xf32>
    %dot_general3A_297 = arith.constant dense<0.000000e+00> : vector<128x8xf32>
    %dot_general3A_298 = tpu.matmul %convert_element_type3A_51, %slice3A_296, %dot_general3A_297 {dimension_numbers = #tpu.dot_dimension_numbers<[1], [0], [0], [1], [0, 0, 1, 1], [], []>, transpose_lhs_hint = false} : vector<128x128xf32>, vector<128x8xf32>, vector<128x8xf32> -> vector<128x8xf32>
    %add3A_299 = vector.broadcast %add3A_295 : vector<1x8xf32> to vector<128x8xf32>
    %add3A_300 = arith.addf %dot_general3A_298, %add3A_299 : vector<128x8xf32>
    %reduce_sum3A_301 = arith.constant dense<0.000000e+00> : vector<8xf32>
    %reduce_sum3A_302 = vector.multi_reduction <add>, %slice3A_296, %reduce_sum3A_301 [0] : vector<128x8xf32> to vector<8xf32>
    %broadcast_in_dim3A_303 = vector.shape_cast %reduce_sum3A_302 : vector<8xf32> to vector<1x8xf32>
    %add3A_304 = arith.addf %add3A_295, %broadcast_in_dim3A_303 : vector<1x8xf32>
    %slice3A_305 = vector.extract_strided_slice %add3A_47 {offsets = [3584, 0], sizes = [128, 8], strides = [1, 1]} : vector<4096x8xf32> to vector<128x8xf32>
    %dot_general3A_306 = arith.constant dense<0.000000e+00> : vector<128x8xf32>
    %dot_general3A_307 = tpu.matmul %convert_element_type3A_51, %slice3A_305, %dot_general3A_306 {dimension_numbers = #tpu.dot_dimension_numbers<[1], [0], [0], [1], [0, 0, 1, 1], [], []>, transpose_lhs_hint = false} : vector<128x128xf32>, vector<128x8xf32>, vector<128x8xf32> -> vector<128x8xf32>
    %add3A_308 = vector.broadcast %add3A_304 : vector<1x8xf32> to vector<128x8xf32>
    %add3A_309 = arith.addf %dot_general3A_307, %add3A_308 : vector<128x8xf32>
    %reduce_sum3A_310 = arith.constant dense<0.000000e+00> : vector<8xf32>
    %reduce_sum3A_311 = vector.multi_reduction <add>, %slice3A_305, %reduce_sum3A_310 [0] : vector<128x8xf32> to vector<8xf32>
    %broadcast_in_dim3A_312 = vector.shape_cast %reduce_sum3A_311 : vector<8xf32> to vector<1x8xf32>
    %add3A_313 = arith.addf %add3A_304, %broadcast_in_dim3A_312 : vector<1x8xf32>
    %slice3A_314 = vector.extract_strided_slice %add3A_47 {offsets = [3712, 0], sizes = [128, 8], strides = [1, 1]} : vector<4096x8xf32> to vector<128x8xf32>
    %dot_general3A_315 = arith.constant dense<0.000000e+00> : vector<128x8xf32>
    %dot_general3A_316 = tpu.matmul %convert_element_type3A_51, %slice3A_314, %dot_general3A_315 {dimension_numbers = #tpu.dot_dimension_numbers<[1], [0], [0], [1], [0, 0, 1, 1], [], []>, transpose_lhs_hint = false} : vector<128x128xf32>, vector<128x8xf32>, vector<128x8xf32> -> vector<128x8xf32>
    %add3A_317 = vector.broadcast %add3A_313 : vector<1x8xf32> to vector<128x8xf32>
    %add3A_318 = arith.addf %dot_general3A_316, %add3A_317 : vector<128x8xf32>
    %reduce_sum3A_319 = arith.constant dense<0.000000e+00> : vector<8xf32>
    %reduce_sum3A_320 = vector.multi_reduction <add>, %slice3A_314, %reduce_sum3A_319 [0] : vector<128x8xf32> to vector<8xf32>
    %broadcast_in_dim3A_321 = vector.shape_cast %reduce_sum3A_320 : vector<8xf32> to vector<1x8xf32>
    %add3A_322 = arith.addf %add3A_313, %broadcast_in_dim3A_321 : vector<1x8xf32>
    %slice3A_323 = vector.extract_strided_slice %add3A_47 {offsets = [3840, 0], sizes = [128, 8], strides = [1, 1]} : vector<4096x8xf32> to vector<128x8xf32>
    %dot_general3A_324 = arith.constant dense<0.000000e+00> : vector<128x8xf32>
    %dot_general3A_325 = tpu.matmul %convert_element_type3A_51, %slice3A_323, %dot_general3A_324 {dimension_numbers = #tpu.dot_dimension_numbers<[1], [0], [0], [1], [0, 0, 1, 1], [], []>, transpose_lhs_hint = false} : vector<128x128xf32>, vector<128x8xf32>, vector<128x8xf32> -> vector<128x8xf32>
    %add3A_326 = vector.broadcast %add3A_322 : vector<1x8xf32> to vector<128x8xf32>
    %add3A_327 = arith.addf %dot_general3A_325, %add3A_326 : vector<128x8xf32>
    %reduce_sum3A_328 = arith.constant dense<0.000000e+00> : vector<8xf32>
    %reduce_sum3A_329 = vector.multi_reduction <add>, %slice3A_323, %reduce_sum3A_328 [0] : vector<128x8xf32> to vector<8xf32>
    %broadcast_in_dim3A_330 = vector.shape_cast %reduce_sum3A_329 : vector<8xf32> to vector<1x8xf32>
    %add3A_331 = arith.addf %add3A_322, %broadcast_in_dim3A_330 : vector<1x8xf32>
    %slice3A_332 = vector.extract_strided_slice %add3A_47 {offsets = [3968, 0], sizes = [128, 8], strides = [1, 1]} : vector<4096x8xf32> to vector<128x8xf32>
    %dot_general3A_333 = arith.constant dense<0.000000e+00> : vector<128x8xf32>
    %dot_general3A_334 = tpu.matmul %convert_element_type3A_51, %slice3A_332, %dot_general3A_333 {dimension_numbers = #tpu.dot_dimension_numbers<[1], [0], [0], [1], [0, 0, 1, 1], [], []>, transpose_lhs_hint = false} : vector<128x128xf32>, vector<128x8xf32>, vector<128x8xf32> -> vector<128x8xf32>
    %add3A_335 = vector.broadcast %add3A_331 : vector<1x8xf32> to vector<128x8xf32>
    %add3A_336 = arith.addf %dot_general3A_334, %add3A_335 : vector<128x8xf32>
    %reduce_sum3A_337 = arith.constant dense<0.000000e+00> : vector<8xf32>
    %reduce_sum3A_338 = vector.multi_reduction <add>, %slice3A_332, %reduce_sum3A_337 [0] : vector<128x8xf32> to vector<8xf32>
    %broadcast_in_dim3A_339 = vector.shape_cast %reduce_sum3A_338 : vector<8xf32> to vector<1x8xf32>
    %add3A_340 = arith.addf %add3A_331, %broadcast_in_dim3A_339 : vector<1x8xf32>
    %concatenate3A = tpu.concatenate %add3A_57, %add3A_66, %add3A_75, %add3A_84, %add3A_93, %add3A_102, %add3A_111, %add3A_120, %add3A_129, %add3A_138, %add3A_147, %add3A_156, %add3A_165, %add3A_174, %add3A_183, %add3A_192, %add3A_201, %add3A_210, %add3A_219, %add3A_228, %add3A_237, %add3A_246, %add3A_255, %add3A_264, %add3A_273, %add3A_282, %add3A_291, %add3A_300, %add3A_309, %add3A_318, %add3A_327, %add3A_336 in 0 : vector<128x8xf32>, vector<128x8xf32>, vector<128x8xf32>, vector<128x8xf32>, vector<128x8xf32>, vector<128x8xf32>, vector<128x8xf32>, vector<128x8xf32>, vector<128x8xf32>, vector<128x8xf32>, vector<128x8xf32>, vector<128x8xf32>, vector<128x8xf32>, vector<128x8xf32>, vector<128x8xf32>, vector<128x8xf32>, vector<128x8xf32>, vector<128x8xf32>, vector<128x8xf32>, vector<128x8xf32>, vector<128x8xf32>, vector<128x8xf32>, vector<128x8xf32>, vector<128x8xf32>, vector<128x8xf32>, vector<128x8xf32>, vector<128x8xf32>, vector<128x8xf32>, vector<128x8xf32>, vector<128x8xf32>, vector<128x8xf32>, vector<128x8xf32> -> vector<4096x8xf32>
    %div3A_341 = arith.constant 2.560000e+02 : f32
    %div3A_342 = vector.broadcast %div3A_341 : f32 to vector<1x8xf32>
    %div3A_343 = arith.divf %add3A_340, %div3A_342 : vector<1x8xf32>
    %ceil3A = math.ceil %div3A_343 : vector<1x8xf32>
    %mul3A = arith.constant 2.560000e+02 : f32
    %mul3A_344 = vector.broadcast %mul3A : f32 to vector<1x8xf32>
    %mul3A_345 = arith.mulf %ceil3A, %mul3A_344 : vector<1x8xf32>
    %iota3A_346 = tpu.iota {dimensions = array<i32: 0>} : vector<8x8xi32>
    %iota3A_347 = tpu.iota {dimensions = array<i32: 1>} : vector<8x8xi32>
    %lt3A = arith.cmpi slt, %iota3A_346, %iota3A_347 : vector<8x8xi32>
    %convert_element_type3A_348 = arith.extui %lt3A : vector<8x8xi1> to vector<8x8xi32>
    %convert_element_type3A_349 = arith.sitofp %convert_element_type3A_348 : vector<8x8xi32> to vector<8x8xf32>
    %dot_general3A_350 = arith.constant dense<0.000000e+00> : vector<1x8xf32>
    %dot_general3A_351 = tpu.matmul %mul3A_345, %convert_element_type3A_349, %dot_general3A_350 {dimension_numbers = #tpu.dot_dimension_numbers<[1], [0], [0], [1], [0, 0, 1, 1], [], []>, transpose_lhs_hint = false} : vector<1x8xf32>, vector<8x8xf32>, vector<1x8xf32> -> vector<1x8xf32>
    %add3A_352 = arith.addf %dot_general3A_351, %mul3A_345 : vector<1x8xf32>
    %reduce_sum3A_353 = vector.shape_cast %mul3A_345 : vector<1x8xf32> to vector<1x1x8xf32>
    %reduce_sum3A_354 = arith.constant dense<0.000000e+00> : vector<1xf32>
    %reduce_sum3A_355 = vector.multi_reduction <add>, %reduce_sum3A_353, %reduce_sum3A_354 [1, 2] : vector<1x1x8xf32> to vector<1xf32>
    %reduce_sum3A_356 = vector.shape_cast %reduce_sum3A_355 : vector<1xf32> to vector<1x1x1xf32>
    %reduce_sum3A_357 = vector.extract %reduce_sum3A_356[0, 0, 0] : f32 from vector<1x1x1xf32>
    %add3A_358 = vector.broadcast %dot_general3A_351 : vector<1x8xf32> to vector<4096x8xf32>
    %add3A_359 = arith.addf %add3A_358, %concatenate3A : vector<4096x8xf32>
    %eq3A_360 = vector.broadcast %broadcast_in_dim3A_17 : vector<4096x1xi32> to vector<4096x8xi32>
    %eq3A_361 = arith.cmpi eq, %iota3A, %eq3A_360 : vector<4096x8xi32>
    %jit3A_362 = arith.constant 0.000000e+00 : f32
    %broadcast_in_dim3A_363 = vector.broadcast %jit3A_362 : f32 to vector<4096x8xf32>
    %select_n3A_364 = arith.select %eq3A_361, %add3A_359, %broadcast_in_dim3A_363 : vector<4096x8xi1>, vector<4096x8xf32>
    %reduce_sum3A_365 = arith.constant dense<0.000000e+00> : vector<4096xf32>
    %reduce_sum3A_366 = vector.multi_reduction <add>, %select_n3A_364, %reduce_sum3A_365 [1] : vector<4096x8xf32> to vector<4096xf32>
    %convert_element_type3A_367 = arith.fptosi %reduce_sum3A_366 : vector<4096xf32> to vector<4096xi32>
    %swap3A_368 = arith.constant 0 : index
    %swap3A_369 = vector.load %arg2[%swap3A_368] : memref<4096xi32, #tpu.memory_space<vmem>>, vector<4096xi32>
    tpu.vector_store %arg2[%swap3A_368], %convert_element_type3A_367 {strides = array<i32>} : memref<4096xi32, #tpu.memory_space<vmem>>, vector<4096xi32>,
    %eq3A_370 = vector.broadcast %broadcast_in_dim3A_33 : vector<4096x1xi32> to vector<4096x8xi32>
    %eq3A_371 = arith.cmpi eq, %iota3A, %eq3A_370 : vector<4096x8xi32>
    %jit3A_372 = arith.constant 0.000000e+00 : f32
    %broadcast_in_dim3A_373 = vector.broadcast %jit3A_372 : f32 to vector<4096x8xf32>
    %select_n3A_374 = arith.select %eq3A_371, %add3A_359, %broadcast_in_dim3A_373 : vector<4096x8xi1>, vector<4096x8xf32>
    %reduce_sum3A_375 = arith.constant dense<0.000000e+00> : vector<4096xf32>
    %reduce_sum3A_376 = vector.multi_reduction <add>, %select_n3A_374, %reduce_sum3A_375 [1] : vector<4096x8xf32> to vector<4096xf32>
    %convert_element_type3A_377 = arith.fptosi %reduce_sum3A_376 : vector<4096xf32> to vector<4096xi32>
    %swap3A_378 = arith.constant 0 : index
    %swap3A_379 = vector.load %arg3[%swap3A_378] : memref<4096xi32, #tpu.memory_space<vmem>>, vector<4096xi32>
    tpu.vector_store %arg3[%swap3A_378], %convert_element_type3A_377 {strides = array<i32>} : memref<4096xi32, #tpu.memory_space<vmem>>, vector<4096xi32>,
    %iota3A_380 = tpu.iota {dimensions = array<i32: 0>} : vector<40x8xi32>
    %mul3A_381 = arith.constant 256 : i32
    %mul3A_382 = vector.broadcast %mul3A_381 : i32 to vector<40x8xi32>
    %mul3A_383 = arith.muli %iota3A_380, %mul3A_382 : vector<40x8xi32>
    %convert_element_type3A_384 = arith.sitofp %mul3A_383 : vector<40x8xi32> to vector<40x8xf32>
    %le3A = vector.broadcast %add3A_352 : vector<1x8xf32> to vector<40x8xf32>
    %le3A_385 = arith.cmpf ole, %le3A, %convert_element_type3A_384 : vector<40x8xf32>
    %convert_element_type3A_386 = arith.extui %le3A_385 : vector<40x8xi1> to vector<40x8xi32>
    %convert_element_type3A_387 = arith.sitofp %convert_element_type3A_386 : vector<40x8xi32> to vector<40x8xf32>
    %reduce_sum3A_388 = arith.constant dense<0.000000e+00> : vector<40xf32>
    %reduce_sum3A_389 = vector.multi_reduction <add>, %convert_element_type3A_387, %reduce_sum3A_388 [1] : vector<40x8xf32> to vector<40xf32>
    %min3A = arith.constant 7.000000e+00 : f32
    %min3A_390 = vector.broadcast %min3A : f32 to vector<40xf32>
    %min3A_391 = arith.minimumf %reduce_sum3A_389, %min3A_390 : vector<40xf32>
    %slice3A_392 = vector.extract_strided_slice %convert_element_type3A_384 {offsets = [0, 0], sizes = [40, 1], strides = [1, 1]} : vector<40x8xf32> to vector<40x1xf32>
    %squeeze3A_393 = vector.shape_cast %slice3A_392 : vector<40x1xf32> to vector<40xf32>
    %lt3A_394 = vector.broadcast %reduce_sum3A_357 : f32 to vector<40xf32>
    %lt3A_395 = arith.cmpf olt, %squeeze3A_393, %lt3A_394 : vector<40xf32>
    %jit3A_396 = arith.constant -1.000000e+00 : f32
    %broadcast_in_dim3A_397 = vector.broadcast %jit3A_396 : f32 to vector<40xf32>
    %select_n3A_398 = arith.select %lt3A_395, %min3A_391, %broadcast_in_dim3A_397 : vector<40xi1>, vector<40xf32>
    %convert_element_type3A_399 = arith.fptosi %select_n3A_398 : vector<40xf32> to vector<40xi32>
    %swap3A_400 = arith.constant 0 : index
    %swap3A_401 = vector.load %arg6[%swap3A_400] : memref<40xi32, #tpu.memory_space<vmem>>, vector<40xi32>
    tpu.vector_store %arg6[%swap3A_400], %convert_element_type3A_399 {strides = array<i32>} : memref<40xi32, #tpu.memory_space<vmem>>, vector<40xi32>,
    return
  }
}

module attributes {stable_mosaic.version = 14 : i64} {
  func.func @_shared_body(%arg0: i32, %arg1: memref<512x384xf32, #tpu.memory_space<vmem>>, %arg2: memref<384x768xf32, #tpu.memory_space<vmem>>, %arg3: memref<384x768xf32, #tpu.memory_space<vmem>>, %arg4: memref<768x384xf32, #tpu.memory_space<vmem>>, %arg5: memref<512x384xf32, #tpu.memory_space<vmem>>, %arg6: memref<512x384xf32, #tpu.memory_space<vmem>>, %arg7: memref<512x384xf32, #tpu.memory_space<vmem>>) attributes {dimension_semantics = [#tpu.dimension_semantics<arbitrary>], iteration_bounds = array<i64: 8>, scalar_prefetch = 0 : i64, scratch_operands = 0 : i64, tpu.core_type = #tpu.core_type<tc>, window_params = [{transform_indices = @transform_0, window_bounds = array<i64: 512, 384>}, {pipeline_mode = #tpu.pipeline_mode<synchronous>, transform_indices = @transform_1, window_bounds = array<i64: 384, 768>}, {pipeline_mode = #tpu.pipeline_mode<synchronous>, transform_indices = @transform_2, window_bounds = array<i64: 384, 768>}, {pipeline_mode = #tpu.pipeline_mode<synchronous>, transform_indices = @transform_3, window_bounds = array<i64: 768, 384>}, {transform_indices = @transform_4, window_bounds = array<i64: 512, 384>}, {transform_indices = @transform_5, window_bounds = array<i64: 512, 384>}, {transform_indices = @transform_6, window_bounds = array<i64: 512, 384>}]} {
    %get3A = arith.constant 0 : index
    %get3A_0 = arith.constant 0 : index
    %get3A_1 = vector.load %arg1[%get3A, %get3A_0] : memref<512x384xf32, #tpu.memory_space<vmem>>, vector<512x384xf32>
    %get3A_2 = arith.constant 0 : index
    %get3A_3 = arith.constant 0 : index
    %get3A_4 = vector.load %arg2[%get3A_2, %get3A_3] : memref<384x768xf32, #tpu.memory_space<vmem>>, vector<384x768xf32>
    %dot_general3A = arith.constant dense<0.000000e+00> : vector<512x768xf32>
    %dot_general3A_5 = tpu.matmul %get3A_1, %get3A_4, %dot_general3A {dimension_numbers = #tpu.dot_dimension_numbers<[1], [0], [0], [1], [0, 0, 1, 1], [], []>, transpose_lhs_hint = false} : vector<512x384xf32>, vector<384x768xf32>, vector<512x768xf32> -> vector<512x768xf32>
    %get3A_6 = arith.constant 0 : index
    %get3A_7 = arith.constant 0 : index
    %get3A_8 = vector.load %arg3[%get3A_6, %get3A_7] : memref<384x768xf32, #tpu.memory_space<vmem>>, vector<384x768xf32>
    %dot_general3A_9 = arith.constant dense<0.000000e+00> : vector<512x768xf32>
    %dot_general3A_10 = tpu.matmul %get3A_1, %get3A_8, %dot_general3A_9 {dimension_numbers = #tpu.dot_dimension_numbers<[1], [0], [0], [1], [0, 0, 1, 1], [], []>, transpose_lhs_hint = false} : vector<512x384xf32>, vector<384x768xf32>, vector<512x768xf32> -> vector<512x768xf32>
    %logistic3A = arith.negf %dot_general3A_5 : vector<512x768xf32>
    %logistic3A_11 = math.exp %logistic3A : vector<512x768xf32>
    %logistic3A_12 = arith.constant 1.000000e+00 : f32
    %logistic3A_13 = vector.broadcast %logistic3A_12 : f32 to vector<512x768xf32>
    %logistic3A_14 = arith.addf %logistic3A_13, %logistic3A_11 : vector<512x768xf32>
    %logistic3A_15 = arith.divf %logistic3A_13, %logistic3A_14 : vector<512x768xf32>
    %mul3A = arith.mulf %dot_general3A_5, %logistic3A_15 : vector<512x768xf32>
    %mul3A_16 = arith.mulf %mul3A, %dot_general3A_10 : vector<512x768xf32>
    %get3A_17 = arith.constant 0 : index
    %get3A_18 = arith.constant 0 : index
    %get3A_19 = vector.load %arg4[%get3A_17, %get3A_18] : memref<768x384xf32, #tpu.memory_space<vmem>>, vector<768x384xf32>
    %dot_general3A_20 = arith.constant dense<0.000000e+00> : vector<512x384xf32>
    %dot_general3A_21 = tpu.matmul %mul3A_16, %get3A_19, %dot_general3A_20 {dimension_numbers = #tpu.dot_dimension_numbers<[1], [0], [0], [1], [0, 0, 1, 1], [], []>, transpose_lhs_hint = false} : vector<512x768xf32>, vector<768x384xf32>, vector<512x384xf32> -> vector<512x384xf32>
    %get3A_22 = arith.constant 0 : index
    %get3A_23 = arith.constant 0 : index
    %get3A_24 = vector.load %arg5[%get3A_22, %get3A_23] : memref<512x384xf32, #tpu.memory_space<vmem>>, vector<512x384xf32>
    %add3A = arith.addf %dot_general3A_21, %get3A_24 : vector<512x384xf32>
    %get3A_25 = arith.constant 0 : index
    %get3A_26 = arith.constant 0 : index
    %get3A_27 = vector.load %arg6[%get3A_25, %get3A_26] : memref<512x384xf32, #tpu.memory_space<vmem>>, vector<512x384xf32>
    %add3A_28 = arith.addf %add3A, %get3A_27 : vector<512x384xf32>
    %swap3A = arith.constant 0 : index
    %swap3A_29 = arith.constant 0 : index
    %swap3A_30 = vector.load %arg7[%swap3A, %swap3A_29] : memref<512x384xf32, #tpu.memory_space<vmem>>, vector<512x384xf32>
    tpu.vector_store %arg7[%swap3A, %swap3A_29], %add3A_28 {strides = array<i32>} : memref<512x384xf32, #tpu.memory_space<vmem>>, vector<512x384xf32>,
    return
  }
  func.func @transform_0(%arg0: i32) -> (i32, i32) {
    %c0_i32 = arith.constant 0 : i32
    %c0_i32_0 = arith.constant 0 : i32
    return %arg0, %c0_i32 : i32, i32
  }
  func.func @transform_1(%arg0: i32) -> (i32, i32) {
    %c0_i32 = arith.constant 0 : i32
    %c0_i32_0 = arith.constant 0 : i32
    %c0_i32_1 = arith.constant 0 : i32
    return %c0_i32, %c0_i32_0 : i32, i32
  }
  func.func @transform_2(%arg0: i32) -> (i32, i32) {
    %c0_i32 = arith.constant 0 : i32
    %c0_i32_0 = arith.constant 0 : i32
    %c0_i32_1 = arith.constant 0 : i32
    return %c0_i32, %c0_i32_0 : i32, i32
  }
  func.func @transform_3(%arg0: i32) -> (i32, i32) {
    %c0_i32 = arith.constant 0 : i32
    %c0_i32_0 = arith.constant 0 : i32
    %c0_i32_1 = arith.constant 0 : i32
    return %c0_i32, %c0_i32_0 : i32, i32
  }
  func.func @transform_4(%arg0: i32) -> (i32, i32) {
    %c0_i32 = arith.constant 0 : i32
    %c0_i32_0 = arith.constant 0 : i32
    return %arg0, %c0_i32 : i32, i32
  }
  func.func @transform_5(%arg0: i32) -> (i32, i32) {
    %c0_i32 = arith.constant 0 : i32
    %c0_i32_0 = arith.constant 0 : i32
    return %arg0, %c0_i32 : i32, i32
  }
  func.func @transform_6(%arg0: i32) -> (i32, i32) {
    %c0_i32 = arith.constant 0 : i32
    %c0_i32_0 = arith.constant 0 : i32
    return %arg0, %c0_i32 : i32, i32
  }
}

</mosaic_0001>

<sc_bundles>
// kernel: kernel.10.cloned.1.call-start
scs
__scs_entry_jumppad:
0x0: {  	(pc) =	sbr.rel $0x88, $3  }
0x1: {  	(tag) =	ssettag $0x0;
	lr =	simm.s32 $0x1  }
0x2: {  	[smem:$0x3F99] =	sst lr;
	_ =	strace $0xD0000000  }
0x3: {  	_ = 	snop  }
0x4: {  	_ = 	snop  }
0x5: {  	_ = 	snop  }
0x6: {  	_ = 	snop  }
0x7: {  	_ = 	snop  }
__scs_overlays_trampoline_lowered:
0x8: {  	[smem:$0x3FA8] =	sst s0  }
0x9: {  	[smem:$0x3FA9] =	sst s1  }
0xa: {  	[smem:$0x3FAA] =	sst s2  }
0xb: {  	[smem:$0x3FAB] =	sst s3  }
0xc: {  	[smem:$0x3FAC] =	sst s4  }
0xd: {  	[smem:$0x3FAD] =	sst s5  }
0xe: {  	[smem:$0x3FAE] =	sst s6  }
0xf: {  	[smem:$0x3FAF] =	sst s7  }
0x10: {  	[smem:$0x3FB0] =	sst s8  }
0x11: {  	[smem:$0x3FB1] =	sst s9;
	s0 =	simm.s32 @!p0 $0x0  }
0x12: {  	s1 =	sld [smem:$0x3F97];
	s0 =	simm.s32 @p0 $0x1  }
0x13: {  	[smem:$0x3FB2] =	sst s0;
	s0 =	simm.s32 @!p1 $0x0  }
0x14: {  	s2 =	sld [smem:$0x3F96];
	s0 =	simm.s32 @p1 $0x1  }
0x15: {  	[smem:$0x3FB3] =	sst s0;
	s0 =	simm.s32 @!p2 $0x0  }
0x16: {  	s3 =	sld [smem:$0x3FDB];
	s0 =	simm.s32 @p2 $0x1  }
0x17: {  	s4 =	simm.s32 $0x1BF5;
	[smem:$0x3FB5] =	sst s0  }
0x18: {  	s0 =	sld [smem:$0x3F98];
	_ =	swait.ge [sflag:s4], $0x0  }
0x19: {  	s7 =	sld [smem:$0x3F99]  }
0x1a: {  	s8 =	sadd.s32 $0xFFFFE003, lr  }
0x1b: {  	s9 =	sadd.s32 $0xFFFFFEF7, lr;
	s5 =	simm.s32 $0xFFFFFFFF;
	p2 =	slt.u32 s8, $0xFFFFF086  }
0x1c: {  	p1 =	slt.u32 s9, $0xF7A;
	s5 =	simm.s32 @!p2 $0x0  }
0x1d: {  	s5 =	simm.s32 @p1 $0x1;
	p0 =	seq.s32 s7, s2  }
0x1e: {  	s7 =	smul.u32 @!p0 $0xF7A, s2;
	p2 =	seq.s32 @!p0 s5, $0x0  }
0x1f: {  	s9 =	smul.u32 $0xF7A, s1;
	s8 =	simm.s32 @!p0 $0x1BF5;
	p2 =	por !p2, p0  }
0x20: {  	[sflag:s8] =	ssyncset.s32 @!p0 $0xFFFFF086;
	s6 =	sadd.s32 @!p0 s3, s7;
	s7 =	simm.s32 @!p0 $0x108  }
0x21: {  	s3 =	sadd.s32 s3, s9;
	s6 =	sadd.s32 @!p0 $0x88, s6;
	s7 =	simm.s32 @p2 $0x1082  }
0x22: {  	[simem:s7], [sflag:s8] =	dma.local @!p0 [hbm:s6], $0xF7A  }
0x23: {  	s9 =	sor.u32 $0xD0000000, s2;
	s6 =	simm.s32 $0x108;
	_ =	swait.ge @!p0 [sflag:s8], $0x0  }
0x24: {  	s3 =	sadd.s32 $0x88, s3;
	s6 =	simm.s32 @!p1 $0x1082;
	[sflag:s4] =	ssyncset.s32 $0xFFFFF086  }
0x25: {  	[simem:s6], [sflag:s4] =	dma.local [hbm:s3], $0xF7A  }
0x26: {  	[smem:$0x3F99] =	sst s1;
	(tag) =	ssettag s2;
	_ =	strace s9  }
0x27: {  	s1 =	sld [smem:$0x3FA9]  }
0x28: {  	s2 =	sld [smem:$0x3FAA]  }
0x29: {  	s4 =	sld [smem:$0x3FAC]  }
0x2a: {  	p0 =	seq.s32 s5, $0x0;
	s5 =	sld [smem:$0x3FAD]  }
0x2b: {  	s6 =	sld [smem:$0x3FAE]  }
0x2c: {  	s7 =	sld [smem:$0x3FAF]  }
0x2d: {  	s3 =	simm.s32 $0x108;
	s8 =	sld [smem:$0x3FB0]  }
0x2e: {  	s3 =	simm.s32 @!p0 $0x1082;
	s9 =	sld [smem:$0x3FB1]  }
0x2f: {  	lr =	sadd.s32 s0, s3;
	s0 =	sld [smem:$0x3FA8]  }
0x30: {  	s3 =	sld [smem:$0x3FAB]  }
0x31: {  	[smem:$0x3FB4] =	sst s10  }
0x32: {  	s10 =	sld [smem:$0x3FB2];
	_ =	sdelay $0x3  }
0x33: {  	p0 =	seq.s32 s10, $0x1;
	s10 =	sld [smem:$0x3FB4];
	_ =	sdelay $0x3  }
0x34: {  	[smem:$0x3FB4] =	sst s10  }
0x35: {  	s10 =	sld [smem:$0x3FB3];
	_ =	sdelay $0x3  }
0x36: {  	p1 =	seq.s32 s10, $0x1;
	s10 =	sld [smem:$0x3FB4];
	_ =	sdelay $0x3  }
0x37: {  	[smem:$0x3FB4] =	sst s10  }
0x38: {  	s10 =	sld [smem:$0x3FB5]  }
0x39: {  	_ = 	snop;
	(pc) =	sbr.ind lr, $3  }
0x3a: {  	_ = 	snop  }
0x3b: {  	_ = 	snop  }
0x3c: {  	p2 =	seq.s32 s10, $0x1;
	s10 =	sld [smem:$0x3FB4]  }
0x3d: {  	_ =	shalt  }
0x3e: {  	_ =	shalt  }
0x3f: {  	_ =	shalt  }
0x40: {  	_ =	shalt  }
0x41: {  	_ =	shalt  }
0x42: {  	_ =	shalt  }
0x43: {  	_ =	shalt  }
0x44: {  	_ =	shalt  }
0x45: {  	_ =	shalt  }
0x46: {  	_ =	shalt  }
0x47: {  	_ =	shalt  }
0x48: {  	_ =	shalt  }
0x49: {  	_ =	shalt  }
0x4a: {  	_ =	shalt  }
0x4b: {  	_ =	shalt  }
0x4c: {  	_ =	shalt  }
0x4d: {  	_ =	shalt  }
0x4e: {  	_ =	shalt  }
0x4f: {  	_ =	shalt  }
0x50: {  	_ =	shalt  }
0x51: {  	_ =	shalt  }
0x52: {  	_ =	shalt  }
0x53: {  	_ =	shalt  }
0x54: {  	_ =	shalt  }
0x55: {  	_ =	shalt  }
0x56: {  	_ =	shalt  }
0x57: {  	_ =	shalt  }
0x58: {  	_ =	shalt  }
0x59: {  	_ =	shalt  }
0x5a: {  	_ =	shalt  }
0x5b: {  	_ =	shalt  }
0x5c: {  	_ =	shalt  }
0x5d: {  	_ =	shalt  }
0x5e: {  	_ =	shalt  }
0x5f: {  	_ =	shalt  }
0x60: {  	_ =	shalt  }
0x61: {  	_ =	shalt  }
0x62: {  	_ =	shalt  }
0x63: {  	_ =	shalt  }
0x64: {  	_ =	shalt  }
0x65: {  	_ =	shalt  }
0x66: {  	_ =	shalt  }
0x67: {  	_ =	shalt  }
0x68: {  	_ =	shalt  }
0x69: {  	_ =	shalt  }
0x6a: {  	_ =	shalt  }
0x6b: {  	_ =	shalt  }
0x6c: {  	_ =	shalt  }
0x6d: {  	_ =	shalt  }
0x6e: {  	_ =	shalt  }
0x6f: {  	_ =	shalt  }
0x70: {  	_ =	shalt  }
0x71: {  	_ =	shalt  }
0x72: {  	_ =	shalt  }
0x73: {  	_ =	shalt  }
0x74: {  	_ =	shalt  }
0x75: {  	_ =	shalt  }
0x76: {  	_ =	shalt  }
0x77: {  	_ =	shalt  }
0x78: {  	_ =	shalt  }
0x79: {  	_ =	shalt  }
0x7a: {  	_ =	shalt  }
0x7b: {  	_ =	shalt  }
0x7c: {  	_ =	shalt  }
0x7d: {  	_ =	shalt  }
0x7e: {  	_ =	shalt  }
0x7f: {  	_ =	shalt  }
0x80: {  	_ =	shalt  }
0x81: {  	_ =	shalt  }
0x82: {  	_ =	shalt  }
0x83: {  	_ =	shalt  }
0x84: {  	_ =	shalt  }
0x85: {  	_ =	shalt  }
0x86: {  	_ =	shalt  }
0x87: {  	_ =	shalt  }
.Lfunc_end0:
.L_simem_size_0:
called_computation.1_lowered:
.L_overlay_start_0:
0x88: {  	s2 =	sld [smem:$0x3FD9]  }
0x89: {  	s3 =	sld [smem:$0x3FFE];
	_ =	sdelay $0x1  }
0x8a: {  	s1 =	srdreg.scid  }
0x8b: {  	s0 =	sand.u32 $0x1, s1  }
0x8c: {  	s17 =	sshll.u32 s0, $0xA;
	s2 =	sadd.s32 s3, s2  }
0x8d: {  	s2 =	sadd.s32 s2, s17  }
0x8e: {  	[smem:$0x3FC0] =	sst s2  }
0x8f: {  	_ = 	snop  }
0x90: {  	s2 =	sld [smem:$0x3FD0];
	(tm) =	ssettm $0x1  }
0x91: {  	s18 =	sld [smem:$0x3FFB];
	_ =	sdelay $0x3  }
0x92: {  	_ =	strace s18  }
0x93: {  	s3 =	sld [smem:$0x3FFC];
	_ =	sdelay $0x3  }
0x94: {  	_ =	strace s3  }
0x95: {  	s3 =	sld [smem:$0x3FFD];
	_ =	sdelay $0x3  }
0x96: {  	_ =	strace s3  }
0x97: {  	_ =	strace $0x8FFFFFFF  }
0x98: {  	s19 =	sld [smem:$0x3FDB];
	_ =	sdelay $0x1  }
0x99: {  	s4 =	simm.s32 $_scs_section_size  }
0x9a: {  	s5 =	simm.s32 $_size__tile_overlayer_lowered;
	s6 =	simm.s32 $_tile_overlayer_lowered  }
0x9b: {  	s22 =	simm.s32 $0x1BFF;
	s21 =	sshll.u32 s6, $0x1;
	s3 =	sadd.s32 s4, s19  }
0x9c: {  	s7 =	simm.s32 $0x0;
	s20 =	sshll.u32 s5, $0x1;
	s5 =	sadd.s32 s21, s3  }
0x9d: {  	[timem:s7], [sflag:s22] =	dma.local [hbm:s5], s20  }
0x9e: {  	_ =	swait.ge [sflag:s22], s20  }
0x9f: {  	s4 =	ssub.s32 $0x0, s20;
	[sflag:s22] =	ssyncset.done $0x0  }
0xa0: {  	[sflag:s22] =	ssyncadd.s32 s4;
	_ =	sdelay $0x1  }
0xa1: {  	s23 =	simm.s32 $0x1B8B  }
0xa2: {  	_ =	swait.ge [sflag:s23], $0x1  }
0xa3: {  	[sflag:s23] =	ssyncset.done $0x0  }
0xa4: {  	s25 =	simm.s32 $0x1B8E;
	s24 =	sld [smem:$0x3FFE];
	[sflag:s23] =	ssyncadd.s32 $0xFFFFFFFF  }
0xa5: {  	s26 =	simm.s32 $execute0_lowered;
	[smem:$0x3FD2] =	sst s25  }
0xa6: {  	s5 =	sshll.u32 s26, $0x1;
	_ =	strace $0x80000049;
	[dreg:$0x1] =	wrdreg $0xFFFFFFFF  }
0xa7: {  	s28 =	simm.s32 $_size_execute0_lowered;
	s3 =	sadd.s32 s3, s5;
	[dreg:$0x0] =	wrdreg $0x0  }
0xa8: {  	s5 =	sshll.u32 s28, $0x1;
	[dreg:$0x2] =	wrdreg s3  }
0xa9: {  	[dreg:$0x3] =	wrdreg s5  }
0xaa: {  	[dreg:$0x4] =	wrdreg $0xC0  }
0xab: {  	_ =	task [dreg:s7], $0x5FFFF  }
0xac: {  	[dreg:$0x1] =	wrdreg $0xFFFFFFFF  }
0xad: {  	[dreg:$0x0] =	wrdreg $0x60  }
0xae: {  	[dreg:$0x2] =	wrdreg s24  }
0xaf: {  	[dreg:$0x3] =	wrdreg s2  }
0xb0: {  	[dreg:$0x4] =	wrdreg $0x9  }
0xb1: {  	_ =	task.clear_ibuf [dreg:s7], $0x5FFFF;
	_ =	strace $0x90000049  }
0xb2: {  	s29 =	simm.s32 $0x9;
	_ =	strace $0x8000004B  }
0xb3: {  	_ =	swait.ge [sflag:s29], $0x1  }
0xb4: {  	[sflag:s29] =	ssyncadd.s32 $0xFFFFFFFF  }
0xb5: {  	_ =	strace $0x9000004B  }
0xb6: {  	_ =	sfence  }
0xb7: {  	s30 =	sld [smem:$0x0];
	_ =	sdelay $0x2  }
0xb8: {  	s31 =	sshll.u32 s1, $0xD;
	s1 =	sshrl.u32 s1, $0x2  }
0xb9: {  	s3 =	sand.u32 $0x4000, s31;
	s1 =	sadd.s32 s1, s30  }
0xba: {  	s0 =	sor.u32 s3, s0;
	s1 =	sshll.u32 s1, $0x11  }
0xbb: {  	s0 =	sor.u32 s1, s0  }
0xbc: {  	s0 =	sadd.s32 $0x8F2B, s0  }
0xbd: {  	[sflag:s0] =	ssyncadd.remote.s32 $0x1  }
0xbe: {  	_ =	sfence.sel $0xFFFF  }
0xbf: {  	[dreg:$0x0] =	wrdreg $0xFFFFFFFF;
	(pc) =	sbr.abs _section_cstart, $3  }
0xc0: {  	[dreg:$0x1] =	wrdreg $0xFFFFFFFF  }
0xc1: {  	_ =	task.clear_ibuf [dreg:s7], $0x2FFFF;
	_ =	strace $0x9FFFFFFF  }
0xc2: {  	(tm) =	ssettm $0x7FFFFFFF  }
0xc3: {  	_ =	shalt  }
tec
execute0_lowered:
.L_overlay_start_1:
0x0: {  	(tag) =	ssettag $0x1  }
0x1: {  	s2 =	srdreg.scid;
	s1 =	rddreg [dreg:$0x0]  }
0x2: {  	s3 =	rddreg [dreg:$0x1];
	s4 =	sand.u32 $0x1, s2;
	s2 =	simm.s32 $0x0  }
0x3: {  	s8 =	simm.s32 $0x900;
	[smem:$0x7FF] =	sst s2  }
0x4: {  	s9 =	simm.s32 $0xD00;
	_ =	strace $0x8000004A;
	[dreg:$0x8] =	wrdreg s8  }
0x5: {  	s10 =	simm.s32 $0x1500;
	[dreg:$0x9] =	wrdreg s9  }
0x6: {  	s11 =	simm.s32 $0x1900;
	[dreg:$0xa] =	wrdreg s10  }
0x7: {  	s12 =	simm.s32 $0x2100;
	[dreg:$0xb] =	wrdreg s11  }
0x8: {  	s13 =	simm.s32 $0x2500;
	[dreg:$0xc] =	wrdreg s12  }
0x9: {  	s14 =	simm.s32 $0x2D00;
	[dreg:$0xd] =	wrdreg s13  }
0xa: {  	s15 =	simm.s32 $0x3100;
	[dreg:$0xe] =	wrdreg s14  }
0xb: {  	s16 =	simm.s32 $0x3900;
	[dreg:$0xf] =	wrdreg s15  }
0xc: {  	s17 =	simm.s32 $0x3D00;
	[dreg:$0x10] =	wrdreg s16  }
0xd: {  	s18 =	simm.s32 $0x4500;
	[dreg:$0x11] =	wrdreg s17  }
0xe: {  	s19 =	simm.s32 $0x4900;
	[dreg:$0x12] =	wrdreg s18  }
0xf: {  	s20 =	simm.s32 $0x5100;
	[dreg:$0x13] =	wrdreg s19  }
0x10: {  	s21 =	simm.s32 $0x5500;
	[dreg:$0x14] =	wrdreg s20  }
0x11: {  	s22 =	simm.s32 $0x5D00;
	[dreg:$0x15] =	wrdreg s21  }
0x12: {  	s23 =	simm.s32 $0x6100;
	[dreg:$0x16] =	wrdreg s22  }
0x13: {  	s24 =	simm.s32 $0x6900;
	[dreg:$0x17] =	wrdreg s23  }
0x14: {  	s25 =	simm.s32 $0x6D00;
	[dreg:$0x18] =	wrdreg s24  }
0x15: {  	s26 =	simm.s32 $0x7500;
	[dreg:$0x19] =	wrdreg s25  }
0x16: {  	[dreg:$0x1a] =	wrdreg s26;
	s8 =	simm.s32 $0x9100  }
0x17: {  	s9 =	simm.s32 $0x9900;
	[dreg:$0x1f] =	wrdreg s8  }
0x18: {  	s10 =	simm.s32 $0x9D00;
	[smem:$0x7ED] =	sst s9  }
0x19: {  	s11 =	simm.s32 $0xA500;
	[smem:$0x7EE] =	sst s10  }
0x1a: {  	s12 =	simm.s32 $0xA900;
	[smem:$0x7EF] =	sst s11  }
0x1b: {  	s13 =	simm.s32 $0xB100;
	[smem:$0x7F0] =	sst s12  }
0x1c: {  	s0 =	stileid.u32;
	s14 =	simm.s32 $0xB500;
	[smem:$0x7F1] =	sst s13  }
0x1d: {  	s28 =	simm.s32 $0x17100;
	s15 =	simm.s32 $0xBD00;
	[smem:$0x7F2] =	sst s14  }
0x1e: {  	s29 =	simm.s32 $0x17500;
	s16 =	simm.s32 $0xC900;
	[smem:$0x7F3] =	sst s15  }
0x1f: {  	s30 =	simm.s32 $0x17D00;
	s17 =	simm.s32 $0xCD00;
	[smem:$0x7F4] =	sst s16  }
0x20: {  	s31 =	simm.s32 $0x1;
	s18 =	simm.s32 $0xD500;
	[smem:$0x7F5] =	sst s17  }
0x21: {  	s5 =	sshll.u32 s0, $0x5;
	s20 =	simm.s32 $0xD900;
	[smem:$0x7F6] =	sst s18  }
0x22: {  	s6 =	sshll.u32 s4, $0x4;
	s21 =	simm.s32 $0xE100;
	[smem:$0x7F7] =	sst s20  }
0x23: {  	s4 =	ssub.s32 $0x2, s4;
	s22 =	simm.s32 $0xE500;
	[smem:$0x7F8] =	sst s21  }
0x24: {  	s5 =	sor.u32 s6, s5;
	s23 =	simm.s32 $0xED00;
	[smem:$0x7F9] =	sst s22  }
0x25: {  	s19 =	sshrl.u32 s4, $0x1;
	s24 =	simm.s32 $0xF100;
	[smem:$0x7FA] =	sst s23  }
0x26: {  	s25 =	simm.s32 $0xF900;
	s26 =	simm.s32 $0xFD00;
	[smem:$0x7FB] =	sst s24  }
0x27: {  	s6 =	sadd.s32 s5, s1;
	s5 =	smul.u32 $0x180, s5;
	[smem:$0x7FC] =	sst s25  }
0x28: {  	s8 =	simm.s32 $0xC100;
	[smem:$0x7FD] =	sst s26;
	s10 =	simm.s32 $0x10900  }
0x29: {  	s11 =	simm.s32 $0x11100;
	s12 =	simm.s32 $0x11500;
	s13 =	simm.s32 $0x11D00  }
0x2a: {  	s14 =	simm.s32 $0x12100;
	s15 =	simm.s32 $0x12900;
	s16 =	simm.s32 $0x12D00  }
0x2b: {  	s17 =	simm.s32 $0x13500;
	s18 =	simm.s32 $0x13900;
	s7 =	sadd.s32 $0x3A00, s6  }
0x2c: {  	s20 =	simm.s32 $0x14500;
	s6 =	sadd.s32 $0x3C00, s6;
	[dreg:$0x3] =	wrdreg s7  }
0x2d: {  	s21 =	simm.s32 $0x14D00;
	[dreg:$0x4] =	wrdreg s6;
	s3 =	sadd.s32 s3, s5  }
0x2e: {  	s22 =	simm.s32 $0x15100;
	s7 =	simm.s32 $0x80;
	[dreg:$0x5] =	wrdreg s3  }
0x2f: {  	s0 =	sadd.s32 s5, s1;
	s5 =	simm.s32 $0x8100;
	[dreg:$0x7] =	wrdreg s7  }
0x30: {  	s23 =	simm.s32 $0x15900;
	s6 =	sadd.s32 $0x3E00, s0;
	[dreg:$0x1c] =	wrdreg s5  }
0x31: {  	s24 =	simm.s32 $0x15D00;
	s0 =	simm.s32 $0x7900;
	[dreg:$0x6] =	wrdreg s6  }
0x32: {  	s25 =	simm.s32 $0x16500;
	s7 =	simm.s32 $0x8D00;
	[dreg:$0x1b] =	wrdreg s0  }
0x33: {  	s26 =	simm.s32 $0x16900;
	s6 =	simm.s32 $0x8500;
	[dreg:$0x1e] =	wrdreg s7  }
0x34: {  	v2 =	vlaneseq.u32;
	s3 =	sadd.s32 $0x7C200, s1;
	s7 =	simm.s32 $0x100;
	[dreg:$0x1d] =	wrdreg s6  }
0x35: {  	vm0 =	vmmov $0xffff;
	vm1 =	vmmov $0xff;
	v1 =	vshrl.u32 v2, $0x3;
	s6 =	ssub.s32 s4, s19;
	s4 =	sadd.s32 $0x7C300, s1;
	s19 =	simm.s32 $0x14100  }
0x36: {  	v0 =	vand.u32 $0x7, v2;
	v2 =	vor.u32 $0x8, v2;
	v1 =	vmul.u32 $0x8, v1;
	s1 =	simm.s32 $0x2;
	s5 =	smax.u32 s6, $0x1;
	s6 =	simm.s32 $0x3  }
.LBB2_1:
0x37: {  	s0 =	rddreg [dreg:$0x3]  }
0x38: {  	[tilespmem:s2], [sflag:$0x3] =	stream.linear.gather [hbm4b:s0+s2], $0x80, $0x38;
	[tilespmem:$0x18100] =	vst v63  }
0x39: {  	_ =	swait.ge [sflag:s6], $0x80  }
0x3a: {  	s0 =	rddreg [dreg:$0x4];
	[sflag:s6] =	ssyncset.done $0x0  }
0x3b: {  	s9 =	rddreg [dreg:$0x7];
	[sflag:s6] =	ssyncadd.s32 $0xFFFFFF80  }
0x3c: {  	[tilespmem:s9], [sflag:$0x3] =	stream.linear.gather [hbm4b:s0+s2], $0x80, $0x38;
	[tilespmem:$0x18100] =	vst v63  }
0x3d: {  	_ =	swait.ge [sflag:s6], $0x80  }
0x3e: {  	[sflag:s6] =	ssyncset.done $0x0  }
0x3f: {  	[sflag:s6] =	ssyncadd.s32 $0xFFFFFF80  }
0x40: {  	v3 =	vld [tilespmem:$0x0];
	_ =	sdelay $0x4  }
0x41: {  	v4 =	vshrl.u32 v3, $0x3  }
0x42: {  	v4 =	vmul.u32 $0x18, v4  }
0x43: {  	v3 =	vand.u32 $0x7, v3  }
0x44: {  	v3 =	vor.u32 v3, v4  }
0x45: {  	v4 =	vperm.xlane v3, v0;
	_ =	sdelay $0x1  }
0x46: {  	v4 =	vadd.s32 v1, v4;
	_ =	sdelay $0x1  }
0x47: {  	v3 =	vperm.xlane v3, v2;
	_ =	sdelay $0x1  }
0x48: {  	v3 =	vadd.s32 v1, v3  }
0x49: {  	[tilespmem:s7], [sflag:$0x1] =	stream.indirect_vreg.gather [hbm4b:s3+s2], $0x80, v4, vm0, $0xb8;
	[tilespmem:$0x18100] =	vst v63  }
0x4a: {  	s0 =	rddreg [dreg:$0x8]  }
0x4b: {  	[tilespmem:s0], [sflag:$0x1] =	stream.indirect_vreg.gather [hbm4b:s4+s2], $0x80, v4, vm1, $0xb8;
	[tilespmem:$0x18100] =	vst v63  }
0x4c: {  	s9 =	rddreg [dreg:$0x9]  }
0x4d: {  	[tilespmem:s9], [sflag:$0x1] =	stream.indirect_vreg.gather [hbm4b:s3+s2], $0x80, v3, vm0, $0xb8;
	[tilespmem:$0x18100] =	vst v63  }
0x4e: {  	s0 =	rddreg [dreg:$0xa]  }
0x4f: {  	[tilespmem:s0], [sflag:$0x1] =	stream.indirect_vreg.gather [hbm4b:s4+s2], $0x80, v3, vm1, $0xb8;
	[tilespmem:$0x18100] =	vst v63  }
0x50: {  	v3 =	vld [tilespmem:$0x10];
	_ =	sdelay $0x4  }
0x51: {  	v49 =	vshrl.u32 v3, $0x3  }
0x52: {  	v4 =	vmul.u32 $0x18, v49  }
0x53: {  	v3 =	vand.u32 $0x7, v3  }
0x54: {  	v3 =	vor.u32 v3, v4  }
0x55: {  	v4 =	vperm.xlane v3, v0;
	_ =	sdelay $0x1  }
0x56: {  	v4 =	vadd.s32 v1, v4;
	_ =	sdelay $0x1  }
0x57: {  	v3 =	vperm.xlane v3, v2;
	_ =	sdelay $0x1  }
0x58: {  	s0 =	rddreg [dreg:$0xb];
	v3 =	vadd.s32 v1, v3  }
0x59: {  	[tilespmem:s0], [sflag:$0x1] =	stream.indirect_vreg.gather [hbm4b:s3+s2], $0x80, v4, vm0, $0xb8;
	[tilespmem:$0x18100] =	vst v63  }
0x5a: {  	s9 =	rddreg [dreg:$0xc]  }
0x5b: {  	[tilespmem:s9], [sflag:$0x1] =	stream.indirect_vreg.gather [hbm4b:s4+s2], $0x80, v4, vm1, $0xb8;
	[tilespmem:$0x18100] =	vst v63  }
0x5c: {  	s0 =	rddreg [dreg:$0xd]  }
0x5d: {  	[tilespmem:s0], [sflag:$0x1] =	stream.indirect_vreg.gather [hbm4b:s3+s2], $0x80, v3, vm0, $0xb8;
	[tilespmem:$0x18100] =	vst v63  }
0x5e: {  	s9 =	rddreg [dreg:$0xe]  }
0x5f: {  	[tilespmem:s9], [sflag:$0x1] =	stream.indirect_vreg.gather [hbm4b:s4+s2], $0x80, v3, vm1, $0xb8;
	[tilespmem:$0x18100] =	vst v63  }
0x60: {  	v3 =	vld [tilespmem:$0x20];
	_ =	sdelay $0x4  }
0x61: {  	v50 =	vshrl.u32 v3, $0x3  }
0x62: {  	v4 =	vmul.u32 $0x18, v50  }
0x63: {  	v3 =	vand.u32 $0x7, v3  }
0x64: {  	v3 =	vor.u32 v3, v4  }
0x65: {  	v4 =	vperm.xlane v3, v0;
	_ =	sdelay $0x1  }
0x66: {  	v4 =	vadd.s32 v1, v4;
	_ =	sdelay $0x1  }
0x67: {  	v3 =	vperm.xlane v3, v2;
	_ =	sdelay $0x1  }
0x68: {  	s0 =	rddreg [dreg:$0xf];
	v3 =	vadd.s32 v1, v3  }
0x69: {  	[tilespmem:s0], [sflag:$0x1] =	stream.indirect_vreg.gather [hbm4b:s3+s2], $0x80, v4, vm0, $0xb8;
	[tilespmem:$0x18100] =	vst v63  }
0x6a: {  	s9 =	rddreg [dreg:$0x10]  }
0x6b: {  	[tilespmem:s9], [sflag:$0x1] =	stream.indirect_vreg.gather [hbm4b:s4+s2], $0x80, v4, vm1, $0xb8;
	[tilespmem:$0x18100] =	vst v63  }
0x6c: {  	s0 =	rddreg [dreg:$0x11]  }
0x6d: {  	[tilespmem:s0], [sflag:$0x1] =	stream.indirect_vreg.gather [hbm4b:s3+s2], $0x80, v3, vm0, $0xb8;
	[tilespmem:$0x18100] =	vst v63  }
0x6e: {  	s9 =	rddreg [dreg:$0x12]  }
0x6f: {  	[tilespmem:s9], [sflag:$0x1] =	stream.indirect_vreg.gather [hbm4b:s4+s2], $0x80, v3, vm1, $0xb8;
	[tilespmem:$0x18100] =	vst v63  }
0x70: {  	v3 =	vld [tilespmem:$0x30];
	_ =	sdelay $0x4  }
0x71: {  	v51 =	vshrl.u32 v3, $0x3  }
0x72: {  	v4 =	vmul.u32 $0x18, v51  }
0x73: {  	v3 =	vand.u32 $0x7, v3  }
0x74: {  	v3 =	vor.u32 v3, v4  }
0x75: {  	v4 =	vperm.xlane v3, v0;
	_ =	sdelay $0x1  }
0x76: {  	v4 =	vadd.s32 v1, v4;
	_ =	sdelay $0x1  }
0x77: {  	v3 =	vperm.xlane v3, v2;
	_ =	sdelay $0x1  }
0x78: {  	s0 =	rddreg [dreg:$0x13];
	v3 =	vadd.s32 v1, v3  }
0x79: {  	[tilespmem:s0], [sflag:$0x1] =	stream.indirect_vreg.gather [hbm4b:s3+s2], $0x80, v4, vm0, $0xb8;
	[tilespmem:$0x18100] =	vst v63  }
0x7a: {  	s9 =	rddreg [dreg:$0x14]  }
0x7b: {  	[tilespmem:s9], [sflag:$0x1] =	stream.indirect_vreg.gather [hbm4b:s4+s2], $0x80, v4, vm1, $0xb8;
	[tilespmem:$0x18100] =	vst v63  }
0x7c: {  	s0 =	rddreg [dreg:$0x15]  }
0x7d: {  	[tilespmem:s0], [sflag:$0x1] =	stream.indirect_vreg.gather [hbm4b:s3+s2], $0x80, v3, vm0, $0xb8;
	[tilespmem:$0x18100] =	vst v63  }
0x7e: {  	s9 =	rddreg [dreg:$0x16]  }
0x7f: {  	[tilespmem:s9], [sflag:$0x1] =	stream.indirect_vreg.gather [hbm4b:s4+s2], $0x80, v3, vm1, $0xb8;
	[tilespmem:$0x18100] =	vst v63  }
0x80: {  	v3 =	vld [tilespmem:$0x40];
	_ =	sdelay $0x4  }
0x81: {  	v52 =	vshrl.u32 v3, $0x3  }
0x82: {  	v4 =	vmul.u32 $0x18, v52  }
0x83: {  	v3 =	vand.u32 $0x7, v3  }
0x84: {  	v3 =	vor.u32 v3, v4  }
0x85: {  	v4 =	vperm.xlane v3, v0;
	_ =	sdelay $0x1  }
0x86: {  	v4 =	vadd.s32 v1, v4;
	_ =	sdelay $0x1  }
0x87: {  	v3 =	vperm.xlane v3, v2;
	_ =	sdelay $0x1  }
0x88: {  	s0 =	rddreg [dreg:$0x17];
	v3 =	vadd.s32 v1, v3  }
0x89: {  	[tilespmem:s0], [sflag:$0x1] =	stream.indirect_vreg.gather [hbm4b:s3+s2], $0x80, v4, vm0, $0xb8;
	[tilespmem:$0x18100] =	vst v63  }
0x8a: {  	s9 =	rddreg [dreg:$0x18]  }
0x8b: {  	[tilespmem:s9], [sflag:$0x1] =	stream.indirect_vreg.gather [hbm4b:s4+s2], $0x80, v4, vm1, $0xb8;
	[tilespmem:$0x18100] =	vst v63  }
0x8c: {  	s0 =	rddreg [dreg:$0x19]  }
0x8d: {  	[tilespmem:s0], [sflag:$0x1] =	stream.indirect_vreg.gather [hbm4b:s3+s2], $0x80, v3, vm0, $0xb8;
	[tilespmem:$0x18100] =	vst v63  }
0x8e: {  	s9 =	rddreg [dreg:$0x1a]  }
0x8f: {  	[tilespmem:s9], [sflag:$0x1] =	stream.indirect_vreg.gather [hbm4b:s4+s2], $0x80, v3, vm1, $0xb8;
	[tilespmem:$0x18100] =	vst v63  }
0x90: {  	v3 =	vld [tilespmem:$0x50];
	_ =	sdelay $0x4  }
0x91: {  	v53 =	vshrl.u32 v3, $0x3  }
0x92: {  	v4 =	vmul.u32 $0x18, v53  }
0x93: {  	v3 =	vand.u32 $0x7, v3  }
0x94: {  	v3 =	vor.u32 v3, v4  }
0x95: {  	v4 =	vperm.xlane v3, v0;
	_ =	sdelay $0x1  }
0x96: {  	v4 =	vadd.s32 v1, v4;
	_ =	sdelay $0x1  }
0x97: {  	v3 =	vperm.xlane v3, v2;
	_ =	sdelay $0x1  }
0x98: {  	s0 =	rddreg [dreg:$0x1b];
	v3 =	vadd.s32 v1, v3  }
0x99: {  	[tilespmem:s0], [sflag:$0x1] =	stream.indirect_vreg.gather [hbm4b:s3+s2], $0x80, v4, vm0, $0xb8;
	[tilespmem:$0x18100] =	vst v63  }
0x9a: {  	s9 =	rddreg [dreg:$0x1c]  }
0x9b: {  	[tilespmem:s9], [sflag:$0x1] =	stream.indirect_vreg.gather [hbm4b:s4+s2], $0x80, v4, vm1, $0xb8;
	[tilespmem:$0x18100] =	vst v63  }
0x9c: {  	s0 =	rddreg [dreg:$0x1d]  }
0x9d: {  	[tilespmem:s0], [sflag:$0x1] =	stream.indirect_vreg.gather [hbm4b:s3+s2], $0x80, v3, vm0, $0xb8;
	[tilespmem:$0x18100] =	vst v63  }
0x9e: {  	s9 =	rddreg [dreg:$0x1e]  }
0x9f: {  	[tilespmem:s9], [sflag:$0x1] =	stream.indirect_vreg.gather [hbm4b:s4+s2], $0x80, v3, vm1, $0xb8;
	[tilespmem:$0x18100] =	vst v63  }
0xa0: {  	v3 =	vld [tilespmem:$0x60];
	_ =	sdelay $0x4  }
0xa1: {  	v54 =	vshrl.u32 v3, $0x3  }
0xa2: {  	v4 =	vmul.u32 $0x18, v54  }
0xa3: {  	v3 =	vand.u32 $0x7, v3  }
0xa4: {  	v3 =	vor.u32 v3, v4  }
0xa5: {  	v4 =	vperm.xlane v3, v0;
	_ =	sdelay $0x1  }
0xa6: {  	v4 =	vadd.s32 v1, v4;
	_ =	sdelay $0x1  }
0xa7: {  	v3 =	vperm.xlane v3, v2  }
0xa8: {  	s0 =	rddreg [dreg:$0x1f]  }
0xa9: {  	s9 =	sld [smem:$0x7ED];
	v3 =	vadd.s32 v1, v3  }
0xaa: {  	[tilespmem:s0], [sflag:$0x1] =	stream.indirect_vreg.gather [hbm4b:s3+s2], $0x80, v4, vm0, $0xb8;
	[tilespmem:$0x18100] =	vst v63  }
0xab: {  	s0 =	sld [smem:$0x7EE]  }
0xac: {  	[tilespmem:s9], [sflag:$0x1] =	stream.indirect_vreg.gather [hbm4b:s4+s2], $0x80, v4, vm1, $0xb8;
	[tilespmem:$0x18100] =	vst v63  }
0xad: {  	s9 =	sld [smem:$0x7EF]  }
0xae: {  	[tilespmem:s0], [sflag:$0x1] =	stream.indirect_vreg.gather [hbm4b:s3+s2], $0x80, v3, vm0, $0xb8;
	[tilespmem:$0x18100] =	vst v63  }
0xaf: {  	_ = 	snop  }
0xb0: {  	[tilespmem:s9], [sflag:$0x1] =	stream.indirect_vreg.gather [hbm4b:s4+s2], $0x80, v3, vm1, $0xb8;
	[tilespmem:$0x18100] =	vst v63  }
0xb1: {  	v3 =	vld [tilespmem:$0x70];
	_ =	sdelay $0x4  }
0xb2: {  	v55 =	vshrl.u32 v3, $0x3  }
0xb3: {  	v4 =	vmul.u32 $0x18, v55  }
0xb4: {  	v3 =	vand.u32 $0x7, v3  }
0xb5: {  	v3 =	vor.u32 v3, v4  }
0xb6: {  	v4 =	vperm.xlane v3, v0;
	_ =	sdelay $0x1  }
0xb7: {  	v4 =	vadd.s32 v1, v4;
	_ =	sdelay $0x1  }
0xb8: {  	s0 =	sld [smem:$0x7F0];
	v3 =	vperm.xlane v3, v2;
	_ =	sdelay $0x1  }
0xb9: {  	s9 =	sld [smem:$0x7F1];
	v3 =	vadd.s32 v1, v3  }
0xba: {  	[tilespmem:s0], [sflag:$0x1] =	stream.indirect_vreg.gather [hbm4b:s3+s2], $0x80, v4, vm0, $0xb8;
	[tilespmem:$0x18100] =	vst v63  }
0xbb: {  	s0 =	sld [smem:$0x7F2]  }
0xbc: {  	[tilespmem:s9], [sflag:$0x1] =	stream.indirect_vreg.gather [hbm4b:s4+s2], $0x80, v4, vm1, $0xb8;
	[tilespmem:$0x18100] =	vst v63  }
0xbd: {  	s9 =	sld [smem:$0x7F3]  }
0xbe: {  	[tilespmem:s0], [sflag:$0x1] =	stream.indirect_vreg.gather [hbm4b:s3+s2], $0x80, v3, vm0, $0xb8;
	[tilespmem:$0x18100] =	vst v63  }
0xbf: {  	_ = 	snop  }
0xc0: {  	[tilespmem:s9], [sflag:$0x1] =	stream.indirect_vreg.gather [hbm4b:s4+s2], $0x80, v3, vm1, $0xb8;
	[tilespmem:$0x18100] =	vst v63  }
0xc1: {  	v3 =	vld [tilespmem:$0x80];
	_ =	sdelay $0x4  }
0xc2: {  	v56 =	vshrl.u32 v3, $0x3  }
0xc3: {  	v4 =	vmul.u32 $0x18, v56  }
0xc4: {  	v3 =	vand.u32 $0x7, v3  }
0xc5: {  	v3 =	vor.u32 v3, v4  }
0xc6: {  	v4 =	vperm.xlane v3, v0;
	_ =	sdelay $0x1  }
0xc7: {  	v4 =	vadd.s32 v1, v4;
	_ =	sdelay $0x1  }
0xc8: {  	v3 =	vperm.xlane v3, v2;
	_ =	sdelay $0x1  }
0xc9: {  	s0 =	sld [smem:$0x7F4];
	v3 =	vadd.s32 v1, v3  }
0xca: {  	[tilespmem:s8], [sflag:$0x1] =	stream.indirect_vreg.gather [hbm4b:s3+s2], $0x80, v4, vm0, $0xb8;
	[tilespmem:$0x18100] =	vst v63  }
0xcb: {  	s9 =	sld [smem:$0x7F5]  }
0xcc: {  	[tilespmem:s0], [sflag:$0x1] =	stream.indirect_vreg.gather [hbm4b:s4+s2], $0x80, v4, vm1, $0xb8;
	[tilespmem:$0x18100] =	vst v63  }
0xcd: {  	s0 =	sld [smem:$0x7F6]  }
0xce: {  	[tilespmem:s9], [sflag:$0x1] =	stream.indirect_vreg.gather [hbm4b:s3+s2], $0x80, v3, vm0, $0xb8;
	[tilespmem:$0x18100] =	vst v63  }
0xcf: {  	_ = 	snop  }
0xd0: {  	[tilespmem:s0], [sflag:$0x1] =	stream.indirect_vreg.gather [hbm4b:s4+s2], $0x80, v3, vm1, $0xb8;
	[tilespmem:$0x18100] =	vst v63  }
0xd1: {  	v3 =	vld [tilespmem:$0x90];
	_ =	sdelay $0x4  }
0xd2: {  	v57 =	vshrl.u32 v3, $0x3  }
0xd3: {  	v4 =	vmul.u32 $0x18, v57  }
0xd4: {  	v3 =	vand.u32 $0x7, v3  }
0xd5: {  	v3 =	vor.u32 v3, v4  }
0xd6: {  	v4 =	vperm.xlane v3, v0;
	_ =	sdelay $0x1  }
0xd7: {  	v4 =	vadd.s32 v1, v4;
	_ =	sdelay $0x1  }
0xd8: {  	s0 =	sld [smem:$0x7F7];
	v3 =	vperm.xlane v3, v2;
	_ =	sdelay $0x1  }
0xd9: {  	s9 =	sld [smem:$0x7F8];
	v3 =	vadd.s32 v1, v3  }
0xda: {  	[tilespmem:s0], [sflag:$0x1] =	stream.indirect_vreg.gather [hbm4b:s3+s2], $0x80, v4, vm0, $0xb8;
	[tilespmem:$0x18100] =	vst v63  }
0xdb: {  	s0 =	sld [smem:$0x7F9]  }
0xdc: {  	[tilespmem:s9], [sflag:$0x1] =	stream.indirect_vreg.gather [hbm4b:s4+s2], $0x80, v4, vm1, $0xb8;
	[tilespmem:$0x18100] =	vst v63  }
0xdd: {  	s9 =	sld [smem:$0x7FA]  }
0xde: {  	[tilespmem:s0], [sflag:$0x1] =	stream.indirect_vreg.gather [hbm4b:s3+s2], $0x80, v3, vm0, $0xb8;
	[tilespmem:$0x18100] =	vst v63  }
0xdf: {  	_ = 	snop  }
0xe0: {  	[tilespmem:s9], [sflag:$0x1] =	stream.indirect_vreg.gather [hbm4b:s4+s2], $0x80, v3, vm1, $0xb8;
	[tilespmem:$0x18100] =	vst v63  }
0xe1: {  	v3 =	vld [tilespmem:$0xA0];
	_ =	sdelay $0x4  }
0xe2: {  	v58 =	vshrl.u32 v3, $0x3  }
0xe3: {  	v4 =	vmul.u32 $0x18, v58  }
0xe4: {  	v3 =	vand.u32 $0x7, v3  }
0xe5: {  	v3 =	vor.u32 v3, v4  }
0xe6: {  	v4 =	vperm.xlane v3, v0;
	_ =	sdelay $0x1  }
0xe7: {  	v4 =	vadd.s32 v1, v4;
	_ =	sdelay $0x1  }
0xe8: {  	s0 =	sld [smem:$0x7FB];
	v3 =	vperm.xlane v3, v2;
	_ =	sdelay $0x1  }
0xe9: {  	s9 =	sld [smem:$0x7FC];
	v3 =	vadd.s32 v1, v3  }
0xea: {  	[tilespmem:s0], [sflag:$0x1] =	stream.indirect_vreg.gather [hbm4b:s3+s2], $0x80, v4, vm0, $0xb8;
	[tilespmem:$0x18100] =	vst v63  }
0xeb: {  	s0 =	sld [smem:$0x7FD]  }
0xec: {  	[tilespmem:s9], [sflag:$0x1] =	stream.indirect_vreg.gather [hbm4b:s4+s2], $0x80, v4, vm1, $0xb8;
	[tilespmem:$0x18100] =	vst v63  }
0xed: {  	_ = 	snop  }
0xee: {  	[tilespmem:s0], [sflag:$0x1] =	stream.indirect_vreg.gather [hbm4b:s3+s2], $0x80, v3, vm0, $0xb8;
	[tilespmem:$0x18100] =	vst v63  }
0xef: {  	s9 =	simm.s32 $0x10500  }
0xf0: {  	[tilespmem:s9], [sflag:$0x1] =	stream.indirect_vreg.gather [hbm4b:s4+s2], $0x80, v3, vm1, $0xb8;
	[tilespmem:$0x18100] =	vst v63  }
0xf1: {  	v3 =	vld [tilespmem:$0xB0];
	_ =	sdelay $0x4  }
0xf2: {  	v59 =	vshrl.u32 v3, $0x3  }
0xf3: {  	v4 =	vmul.u32 $0x18, v59  }
0xf4: {  	v3 =	vand.u32 $0x7, v3  }
0xf5: {  	v3 =	vor.u32 v3, v4  }
0xf6: {  	v4 =	vperm.xlane v3, v0;
	_ =	sdelay $0x1  }
0xf7: {  	v4 =	vadd.s32 v1, v4;
	_ =	sdelay $0x1  }
0xf8: {  	v3 =	vperm.xlane v3, v2;
	_ =	sdelay $0x1  }
0xf9: {  	v3 =	vadd.s32 v1, v3  }
0xfa: {  	[tilespmem:s10], [sflag:$0x1] =	stream.indirect_vreg.gather [hbm4b:s3+s2], $0x80, v4, vm0, $0xb8;
	[tilespmem:$0x18100] =	vst v63  }
0xfb: {  	_ = 	snop  }
0xfc: {  	[tilespmem:s11], [sflag:$0x1] =	stream.indirect_vreg.gather [hbm4b:s4+s2], $0x80, v4, vm1, $0xb8;
	[tilespmem:$0x18100] =	vst v63  }
0xfd: {  	_ = 	snop  }
0xfe: {  	[tilespmem:s12], [sflag:$0x1] =	stream.indirect_vreg.gather [hbm4b:s3+s2], $0x80, v3, vm0, $0xb8;
	[tilespmem:$0x18100] =	vst v63  }
0xff: {  	_ = 	snop  }
0x100: {  	[tilespmem:s13], [sflag:$0x1] =	stream.indirect_vreg.gather [hbm4b:s4+s2], $0x80, v3, vm1, $0xb8;
	[tilespmem:$0x18100] =	vst v63  }
0x101: {  	v3 =	vld [tilespmem:$0xC0];
	_ =	sdelay $0x4  }
0x102: {  	v60 =	vshrl.u32 v3, $0x3  }
0x103: {  	v4 =	vmul.u32 $0x18, v60  }
0x104: {  	v3 =	vand.u32 $0x7, v3  }
0x105: {  	v3 =	vor.u32 v3, v4  }
0x106: {  	v4 =	vperm.xlane v3, v0;
	_ =	sdelay $0x1  }
0x107: {  	v4 =	vadd.s32 v1, v4;
	_ =	sdelay $0x1  }
0x108: {  	v3 =	vperm.xlane v3, v2;
	_ =	sdelay $0x1  }
0x109: {  	v3 =	vadd.s32 v1, v3  }
0x10a: {  	[tilespmem:s14], [sflag:$0x1] =	stream.indirect_vreg.gather [hbm4b:s3+s2], $0x80, v4, vm0, $0xb8;
	[tilespmem:$0x18100] =	vst v63  }
0x10b: {  	_ = 	snop  }
0x10c: {  	[tilespmem:s15], [sflag:$0x1] =	stream.indirect_vreg.gather [hbm4b:s4+s2], $0x80, v4, vm1, $0xb8;
	[tilespmem:$0x18100] =	vst v63  }
0x10d: {  	_ = 	snop  }
0x10e: {  	[tilespmem:s16], [sflag:$0x1] =	stream.indirect_vreg.gather [hbm4b:s3+s2], $0x80, v3, vm0, $0xb8;
	[tilespmem:$0x18100] =	vst v63  }
0x10f: {  	_ = 	snop  }
0x110: {  	[tilespmem:s17], [sflag:$0x1] =	stream.indirect_vreg.gather [hbm4b:s4+s2], $0x80, v3, vm1, $0xb8;
	[tilespmem:$0x18100] =	vst v63  }
0x111: {  	v3 =	vld [tilespmem:$0xD0];
	_ =	sdelay $0x4  }
0x112: {  	v61 =	vshrl.u32 v3, $0x3  }
0x113: {  	v4 =	vmul.u32 $0x18, v61  }
0x114: {  	v3 =	vand.u32 $0x7, v3  }
0x115: {  	v3 =	vor.u32 v3, v4  }
0x116: {  	v4 =	vperm.xlane v3, v0;
	_ =	sdelay $0x1  }
0x117: {  	v4 =	vadd.s32 v1, v4;
	_ =	sdelay $0x1  }
0x118: {  	v3 =	vperm.xlane v3, v2;
	_ =	sdelay $0x1  }
0x119: {  	v3 =	vadd.s32 v1, v3  }
0x11a: {  	[tilespmem:s18], [sflag:$0x1] =	stream.indirect_vreg.gather [hbm4b:s3+s2], $0x80, v4, vm0, $0xb8;
	[tilespmem:$0x18100] =	vst v63  }
0x11b: {  	_ = 	snop  }
0x11c: {  	[tilespmem:s19], [sflag:$0x1] =	stream.indirect_vreg.gather [hbm4b:s4+s2], $0x80, v4, vm1, $0xb8;
	[tilespmem:$0x18100] =	vst v63  }
0x11d: {  	_ = 	snop  }
0x11e: {  	[tilespmem:s20], [sflag:$0x1] =	stream.indirect_vreg.gather [hbm4b:s3+s2], $0x80, v3, vm0, $0xb8;
	[tilespmem:$0x18100] =	vst v63  }
0x11f: {  	_ = 	snop  }
0x120: {  	[tilespmem:s21], [sflag:$0x1] =	stream.indirect_vreg.gather [hbm4b:s4+s2], $0x80, v3, vm1, $0xb8;
	[tilespmem:$0x18100] =	vst v63  }
0x121: {  	v3 =	vld [tilespmem:$0xE0];
	_ =	sdelay $0x4  }
0x122: {  	v62 =	vshrl.u32 v3, $0x3  }
0x123: {  	v4 =	vmul.u32 $0x18, v62  }
0x124: {  	v3 =	vand.u32 $0x7, v3  }
0x125: {  	v3 =	vor.u32 v3, v4  }
0x126: {  	v4 =	vperm.xlane v3, v0;
	_ =	sdelay $0x1  }
0x127: {  	v4 =	vadd.s32 v1, v4;
	_ =	sdelay $0x1  }
0x128: {  	v3 =	vperm.xlane v3, v2;
	_ =	sdelay $0x1  }
0x129: {  	v3 =	vadd.s32 v1, v3  }
0x12a: {  	[tilespmem:s22], [sflag:$0x1] =	stream.indirect_vreg.gather [hbm4b:s3+s2], $0x80, v4, vm0, $0xb8;
	[tilespmem:$0x18100] =	vst v63  }
0x12b: {  	_ = 	snop  }
0x12c: {  	[tilespmem:s23], [sflag:$0x1] =	stream.indirect_vreg.gather [hbm4b:s4+s2], $0x80, v4, vm1, $0xb8;
	[tilespmem:$0x18100] =	vst v63  }
0x12d: {  	_ = 	snop  }
0x12e: {  	[tilespmem:s24], [sflag:$0x1] =	stream.indirect_vreg.gather [hbm4b:s3+s2], $0x80, v3, vm0, $0xb8;
	[tilespmem:$0x18100] =	vst v63  }
0x12f: {  	_ = 	snop  }
0x130: {  	[tilespmem:s25], [sflag:$0x1] =	stream.indirect_vreg.gather [hbm4b:s4+s2], $0x80, v3, vm1, $0xb8;
	[tilespmem:$0x18100] =	vst v63  }
0x131: {  	v3 =	vld [tilespmem:$0xF0];
	_ =	sdelay $0x4  }
0x132: {  	v63 =	vshrl.u32 v3, $0x3  }
0x133: {  	v4 =	vmul.u32 $0x18, v63  }
0x134: {  	v3 =	vand.u32 $0x7, v3  }
0x135: {  	v3 =	vor.u32 v3, v4  }
0x136: {  	v4 =	vperm.xlane v3, v0;
	_ =	sdelay $0x1  }
0x137: {  	v4 =	vadd.s32 v1, v4;
	_ =	sdelay $0x1  }
0x138: {  	v3 =	vperm.xlane v3, v2;
	_ =	sdelay $0x1  }
0x139: {  	v3 =	vadd.s32 v1, v3  }
0x13a: {  	[tilespmem:s26], [sflag:$0x1] =	stream.indirect_vreg.gather [hbm4b:s3+s2], $0x80, v4, vm0, $0xb8;
	[tilespmem:$0x18100] =	vst v63  }
0x13b: {  	_ = 	snop  }
0x13c: {  	[tilespmem:s28], [sflag:$0x1] =	stream.indirect_vreg.gather [hbm4b:s4+s2], $0x80, v4, vm1, $0xb8;
	[tilespmem:$0x18100] =	vst v63  }
0x13d: {  	_ = 	snop  }
0x13e: {  	[tilespmem:s29], [sflag:$0x1] =	stream.indirect_vreg.gather [hbm4b:s3+s2], $0x80, v3, vm0, $0xb8;
	[tilespmem:$0x18100] =	vst v63  }
0x13f: {  	_ = 	snop  }
0x140: {  	[tilespmem:s30], [sflag:$0x1] =	stream.indirect_vreg.gather [hbm4b:s4+s2], $0x80, v3, vm1, $0xb8;
	[tilespmem:$0x18100] =	vst v63  }
0x141: {  	_ =	swait.ge [sflag:s31], $0xC000  }
0x142: {  	[sflag:s31] =	ssyncset.done $0x0  }
0x143: {  	s9 =	rddreg [dreg:$0x5];
	[sflag:s31] =	ssyncadd.s32 $0xFFFF4000  }
0x144: {  	[hbm4b:s9+s2] =	stream.linear.scatter [tilespmem:s7], [sflag:$0x2], $0xC000, $0x38;
	[tilespmem:$0x18100] =	vst v63  }
0x145: {  	_ =	swait.ge [sflag:s31], $0xC000  }
0x146: {  	[sflag:s31] =	ssyncset.done $0x0  }
0x147: {  	s9 =	rddreg [dreg:$0x6];
	[sflag:s31] =	ssyncadd.s32 $0xFFFF4000  }
0x148: {  	[hbm4b:s9+s2] =	stream.linear.scatter [tilespmem:s8], [sflag:$0x2], $0xC000, $0x38;
	[tilespmem:$0x18100] =	vst v63  }
0x149: {  	p0 =	sne.s32 s5, $0x1;
	_ =	swait.ge [sflag:s1], $0xC000  }
.Ltmp0:
0x14a: {  	[sflag:s1] =	ssyncset.done $0x0;
	(pc) =	sbr.rel @p0 .LBB2_1-.Ltmp0, $4  }
0x14b: {  	[sflag:s1] =	ssyncadd.s32 $0xFFFF4000  }
0x14c: {  	_ =	swait.ge [sflag:s1], $0xC000  }
0x14d: {  	[sflag:s1] =	ssyncset.done $0x0  }
0x14e: {  	s5 =	sadd.s32 $0xFFFFFFFF, s5;
	[sflag:s1] =	ssyncadd.s32 $0xFFFF4000  }
0x14f: {  	_ =	sfence.sel $0x180000  }
0x150: {  	[bflag:$0x0] =	sbarrier.arrive $0xFFFF  }
0x151: {  	_ =	strace $0x9000004A  }
0x152: {  	s0 =	stileid.u32;
	[bflag:$0x2] =	sbarrier.arrive $0xFFFF  }
0x153: {  	p0 =	sne.s32 s0, $0x0;
	s0 =	rddreg [dreg:$0x2]  }
0x154: {  	s0 =	sadd.s32 @!p0 $0x100000, s0  }
0x155: {  	[sflag:s0] =	ssyncadd.tile.s32 @!p0 $0x1;
	_ =	shalt  }
.Lfunc_end2:
_tile_overlayer_lowered:
.L_overlay_start_2:
0x156: {  	(tag) =	ssettag $0x2  }
0x157: {  	s0 =	rddreg [dreg:$0x0];
	s2 =	stileid.u32  }
0x158: {  	s1 =	rddreg [dreg:$0x1];
	p0 =	sne.s32 s2, $0x0  }
0x159: {  	s3 =	rddreg [dreg:$0x2];
	[bflag:$0x3] =	sbarrier.arrive $0xFFFF;
	s2 =	simm.s32 @!p0 $0x1C03  }
0x15a: {  	[timem:s3], [sflag:s2] =	dma.local @!p0 [hbm:s0], s1  }
0x15b: {  	s0 =	simm.s32 @!p0 $0x3  }
0x15c: {  	_ =	swait.ge @!p0 [sflag:s0], s1  }
0x15d: {  	s1 =	ssub.s32 @!p0 $0x0, s1;
	[sflag:s0] =	ssyncset.done @!p0 $0x0  }
0x15e: {  	[sflag:s0] =	ssyncadd.s32 @!p0 s1  }
0x15f: {  	[bflag:$0x3] =	sbarrier.arrive $0xFFFF  }
0x160: {  	_ =	shalt  }

// kernel: kernel.7.cloned.1.call-start
scs
__scs_entry_jumppad:
0x0: {  	(pc) =	sbr.rel $0x88, $3  }
0x1: {  	(tag) =	ssettag $0x0;
	lr =	simm.s32 $0x1  }
0x2: {  	[smem:$0x3F99] =	sst lr;
	_ =	strace $0xD0000000  }
0x3: {  	_ = 	snop  }
0x4: {  	_ = 	snop  }
0x5: {  	_ = 	snop  }
0x6: {  	_ = 	snop  }
0x7: {  	_ = 	snop  }
__scs_overlays_trampoline_lowered:
0x8: {  	[smem:$0x3FA8] =	sst s0  }
0x9: {  	[smem:$0x3FA9] =	sst s1  }
0xa: {  	[smem:$0x3FAA] =	sst s2  }
0xb: {  	[smem:$0x3FAB] =	sst s3  }
0xc: {  	[smem:$0x3FAC] =	sst s4  }
0xd: {  	[smem:$0x3FAD] =	sst s5  }
0xe: {  	[smem:$0x3FAE] =	sst s6  }
0xf: {  	[smem:$0x3FAF] =	sst s7  }
0x10: {  	[smem:$0x3FB0] =	sst s8  }
0x11: {  	[smem:$0x3FB1] =	sst s9;
	s0 =	simm.s32 @!p0 $0x0  }
0x12: {  	s1 =	sld [smem:$0x3F97];
	s0 =	simm.s32 @p0 $0x1  }
0x13: {  	[smem:$0x3FB2] =	sst s0;
	s0 =	simm.s32 @!p1 $0x0  }
0x14: {  	s2 =	sld [smem:$0x3F96];
	s0 =	simm.s32 @p1 $0x1  }
0x15: {  	[smem:$0x3FB3] =	sst s0;
	s0 =	simm.s32 @!p2 $0x0  }
0x16: {  	s3 =	sld [smem:$0x3FDB];
	s0 =	simm.s32 @p2 $0x1  }
0x17: {  	s4 =	simm.s32 $0x1BF5;
	[smem:$0x3FB5] =	sst s0  }
0x18: {  	s0 =	sld [smem:$0x3F98];
	_ =	swait.ge [sflag:s4], $0x0  }
0x19: {  	s7 =	sld [smem:$0x3F99]  }
0x1a: {  	s8 =	sadd.s32 $0xFFFFE003, lr  }
0x1b: {  	s9 =	sadd.s32 $0xFFFFFEF7, lr;
	s5 =	simm.s32 $0xFFFFFFFF;
	p2 =	slt.u32 s8, $0xFFFFF086  }
0x1c: {  	p1 =	slt.u32 s9, $0xF7A;
	s5 =	simm.s32 @!p2 $0x0  }
0x1d: {  	s5 =	simm.s32 @p1 $0x1;
	p0 =	seq.s32 s7, s2  }
0x1e: {  	s7 =	smul.u32 @!p0 $0xF7A, s2;
	p2 =	seq.s32 @!p0 s5, $0x0  }
0x1f: {  	s9 =	smul.u32 $0xF7A, s1;
	s8 =	simm.s32 @!p0 $0x1BF5;
	p2 =	por !p2, p0  }
0x20: {  	[sflag:s8] =	ssyncset.s32 @!p0 $0xFFFFF086;
	s6 =	sadd.s32 @!p0 s3, s7;
	s7 =	simm.s32 @!p0 $0x108  }
0x21: {  	s3 =	sadd.s32 s3, s9;
	s6 =	sadd.s32 @!p0 $0x88, s6;
	s7 =	simm.s32 @p2 $0x1082  }
0x22: {  	[simem:s7], [sflag:s8] =	dma.local @!p0 [hbm:s6], $0xF7A  }
0x23: {  	s9 =	sor.u32 $0xD0000000, s2;
	s6 =	simm.s32 $0x108;
	_ =	swait.ge @!p0 [sflag:s8], $0x0  }
0x24: {  	s3 =	sadd.s32 $0x88, s3;
	s6 =	simm.s32 @!p1 $0x1082;
	[sflag:s4] =	ssyncset.s32 $0xFFFFF086  }
0x25: {  	[simem:s6], [sflag:s4] =	dma.local [hbm:s3], $0xF7A  }
0x26: {  	[smem:$0x3F99] =	sst s1;
	(tag) =	ssettag s2;
	_ =	strace s9  }
0x27: {  	s1 =	sld [smem:$0x3FA9]  }
0x28: {  	s2 =	sld [smem:$0x3FAA]  }
0x29: {  	s4 =	sld [smem:$0x3FAC]  }
0x2a: {  	p0 =	seq.s32 s5, $0x0;
	s5 =	sld [smem:$0x3FAD]  }
0x2b: {  	s6 =	sld [smem:$0x3FAE]  }
0x2c: {  	s7 =	sld [smem:$0x3FAF]  }
0x2d: {  	s3 =	simm.s32 $0x108;
	s8 =	sld [smem:$0x3FB0]  }
0x2e: {  	s3 =	simm.s32 @!p0 $0x1082;
	s9 =	sld [smem:$0x3FB1]  }
0x2f: {  	lr =	sadd.s32 s0, s3;
	s0 =	sld [smem:$0x3FA8]  }
0x30: {  	s3 =	sld [smem:$0x3FAB]  }
0x31: {  	[smem:$0x3FB4] =	sst s10  }
0x32: {  	s10 =	sld [smem:$0x3FB2];
	_ =	sdelay $0x3  }
0x33: {  	p0 =	seq.s32 s10, $0x1;
	s10 =	sld [smem:$0x3FB4];
	_ =	sdelay $0x3  }
0x34: {  	[smem:$0x3FB4] =	sst s10  }
0x35: {  	s10 =	sld [smem:$0x3FB3];
	_ =	sdelay $0x3  }
0x36: {  	p1 =	seq.s32 s10, $0x1;
	s10 =	sld [smem:$0x3FB4];
	_ =	sdelay $0x3  }
0x37: {  	[smem:$0x3FB4] =	sst s10  }
0x38: {  	s10 =	sld [smem:$0x3FB5]  }
0x39: {  	_ = 	snop;
	(pc) =	sbr.ind lr, $3  }
0x3a: {  	_ = 	snop  }
0x3b: {  	_ = 	snop  }
0x3c: {  	p2 =	seq.s32 s10, $0x1;
	s10 =	sld [smem:$0x3FB4]  }
0x3d: {  	_ =	shalt  }
0x3e: {  	_ =	shalt  }
0x3f: {  	_ =	shalt  }
0x40: {  	_ =	shalt  }
0x41: {  	_ =	shalt  }
0x42: {  	_ =	shalt  }
0x43: {  	_ =	shalt  }
0x44: {  	_ =	shalt  }
0x45: {  	_ =	shalt  }
0x46: {  	_ =	shalt  }
0x47: {  	_ =	shalt  }
0x48: {  	_ =	shalt  }
0x49: {  	_ =	shalt  }
0x4a: {  	_ =	shalt  }
0x4b: {  	_ =	shalt  }
0x4c: {  	_ =	shalt  }
0x4d: {  	_ =	shalt  }
0x4e: {  	_ =	shalt  }
0x4f: {  	_ =	shalt  }
0x50: {  	_ =	shalt  }
0x51: {  	_ =	shalt  }
0x52: {  	_ =	shalt  }
0x53: {  	_ =	shalt  }
0x54: {  	_ =	shalt  }
0x55: {  	_ =	shalt  }
0x56: {  	_ =	shalt  }
0x57: {  	_ =	shalt  }
0x58: {  	_ =	shalt  }
0x59: {  	_ =	shalt  }
0x5a: {  	_ =	shalt  }
0x5b: {  	_ =	shalt  }
0x5c: {  	_ =	shalt  }
0x5d: {  	_ =	shalt  }
0x5e: {  	_ =	shalt  }
0x5f: {  	_ =	shalt  }
0x60: {  	_ =	shalt  }
0x61: {  	_ =	shalt  }
0x62: {  	_ =	shalt  }
0x63: {  	_ =	shalt  }
0x64: {  	_ =	shalt  }
0x65: {  	_ =	shalt  }
0x66: {  	_ =	shalt  }
0x67: {  	_ =	shalt  }
0x68: {  	_ =	shalt  }
0x69: {  	_ =	shalt  }
0x6a: {  	_ =	shalt  }
0x6b: {  	_ =	shalt  }
0x6c: {  	_ =	shalt  }
0x6d: {  	_ =	shalt  }
0x6e: {  	_ =	shalt  }
0x6f: {  	_ =	shalt  }
0x70: {  	_ =	shalt  }
0x71: {  	_ =	shalt  }
0x72: {  	_ =	shalt  }
0x73: {  	_ =	shalt  }
0x74: {  	_ =	shalt  }
0x75: {  	_ =	shalt  }
0x76: {  	_ =	shalt  }
0x77: {  	_ =	shalt  }
0x78: {  	_ =	shalt  }
0x79: {  	_ =	shalt  }
0x7a: {  	_ =	shalt  }
0x7b: {  	_ =	shalt  }
0x7c: {  	_ =	shalt  }
0x7d: {  	_ =	shalt  }
0x7e: {  	_ =	shalt  }
0x7f: {  	_ =	shalt  }
0x80: {  	_ =	shalt  }
0x81: {  	_ =	shalt  }
0x82: {  	_ =	shalt  }
0x83: {  	_ =	shalt  }
0x84: {  	_ =	shalt  }
0x85: {  	_ =	shalt  }
0x86: {  	_ =	shalt  }
0x87: {  	_ =	shalt  }
.Lfunc_end0:
.L_simem_size_0:
called_computation_lowered:
.L_overlay_start_0:
0x88: {  	s2 =	sld [smem:$0x3FD9]  }
0x89: {  	s3 =	sld [smem:$0x3FFE];
	_ =	sdelay $0x1  }
0x8a: {  	s1 =	srdreg.scid  }
0x8b: {  	s0 =	sand.u32 $0x1, s1  }
0x8c: {  	s17 =	sshll.u32 s0, $0xA;
	s2 =	sadd.s32 s3, s2  }
0x8d: {  	s2 =	sadd.s32 s2, s17  }
0x8e: {  	[smem:$0x3FC0] =	sst s2  }
0x8f: {  	_ = 	snop  }
0x90: {  	s2 =	sld [smem:$0x3FC9]  }
0x91: {  	s18 =	sld [smem:$0x3FD0];
	(tm) =	ssettm $0x1  }
0x92: {  	s4 =	sld [smem:$0x3FFB];
	_ =	sdelay $0x3  }
0x93: {  	_ =	strace s4  }
0x94: {  	s4 =	sld [smem:$0x3FFC];
	_ =	sdelay $0x3  }
0x95: {  	_ =	strace s4  }
0x96: {  	s4 =	sld [smem:$0x3FFD];
	_ =	sdelay $0x3  }
0x97: {  	_ =	strace s4  }
0x98: {  	_ =	strace $0x8FFFFFFF  }
0x99: {  	s19 =	sld [smem:$0x3FDB];
	_ =	sdelay $0x1  }
0x9a: {  	s5 =	simm.s32 $_scs_section_size  }
0x9b: {  	s6 =	simm.s32 $_size__tile_overlayer_lowered;
	s7 =	simm.s32 $_tile_overlayer_lowered  }
0x9c: {  	s22 =	simm.s32 $0x1BFF;
	s21 =	sshll.u32 s7, $0x1;
	s4 =	sadd.s32 s5, s19  }
0x9d: {  	s8 =	simm.s32 $0x0;
	s20 =	sshll.u32 s6, $0x1;
	s6 =	sadd.s32 s21, s4  }
0x9e: {  	[timem:s8], [sflag:s22] =	dma.local [hbm:s6], s20  }
0x9f: {  	_ =	swait.ge [sflag:s22], s20  }
0xa0: {  	s5 =	ssub.s32 $0x0, s20;
	[sflag:s22] =	ssyncset.done $0x0  }
0xa1: {  	[sflag:s22] =	ssyncadd.s32 s5;
	_ =	sdelay $0x1  }
0xa2: {  	s23 =	simm.s32 $0x1B8B  }
0xa3: {  	_ =	swait.ge [sflag:s23], $0x1  }
0xa4: {  	[sflag:s23] =	ssyncset.done $0x0  }
0xa5: {  	s25 =	simm.s32 $0x1B8E;
	s24 =	sld [smem:$0x3FFE];
	[sflag:s23] =	ssyncadd.s32 $0xFFFFFFFF  }
0xa6: {  	s26 =	simm.s32 $execute0_lowered;
	[smem:$0x3FD2] =	sst s25  }
0xa7: {  	s6 =	sshll.u32 s26, $0x1;
	_ =	strace $0x80000046;
	[dreg:$0x1] =	wrdreg $0xFFFFFFFF  }
0xa8: {  	s28 =	simm.s32 $_size_execute0_lowered;
	s4 =	sadd.s32 s4, s6;
	[dreg:$0x0] =	wrdreg $0x0  }
0xa9: {  	s6 =	sshll.u32 s28, $0x1;
	[dreg:$0x2] =	wrdreg s4  }
0xaa: {  	[dreg:$0x3] =	wrdreg s6  }
0xab: {  	[dreg:$0x4] =	wrdreg $0xC0  }
0xac: {  	_ =	task [dreg:s8], $0x5FFFF  }
0xad: {  	[dreg:$0x1] =	wrdreg $0xFFFFFFFF  }
0xae: {  	[dreg:$0x0] =	wrdreg $0x60  }
0xaf: {  	[dreg:$0x2] =	wrdreg s2  }
0xb0: {  	[dreg:$0x3] =	wrdreg s24  }
0xb1: {  	[dreg:$0x4] =	wrdreg s18  }
0xb2: {  	[dreg:$0x5] =	wrdreg $0x0  }
0xb3: {  	[dreg:$0x6] =	wrdreg $0x9  }
0xb4: {  	_ =	task.clear_ibuf [dreg:s8], $0x7FFFF;
	_ =	strace $0x90000046  }
0xb5: {  	s29 =	simm.s32 $0x9;
	_ =	strace $0x80000048  }
0xb6: {  	_ =	swait.ge [sflag:s29], $0x1  }
0xb7: {  	[sflag:s29] =	ssyncadd.s32 $0xFFFFFFFF  }
0xb8: {  	_ =	strace $0x90000048  }
0xb9: {  	_ =	sfence  }
0xba: {  	s30 =	sld [smem:$0x0];
	_ =	sdelay $0x2  }
0xbb: {  	s31 =	sshll.u32 s1, $0xD;
	s1 =	sshrl.u32 s1, $0x2  }
0xbc: {  	s3 =	sand.u32 $0x4000, s31;
	s1 =	sadd.s32 s1, s30  }
0xbd: {  	s0 =	sor.u32 s3, s0;
	s1 =	sshll.u32 s1, $0x11  }
0xbe: {  	s0 =	sor.u32 s1, s0  }
0xbf: {  	s0 =	sadd.s32 $0x8F2B, s0  }
0xc0: {  	[sflag:s0] =	ssyncadd.remote.s32 $0x1  }
0xc1: {  	_ =	sfence.sel $0xFFFF  }
0xc2: {  	[dreg:$0x0] =	wrdreg $0xFFFFFFFF;
	(pc) =	sbr.abs _section_cstart, $3  }
0xc3: {  	[dreg:$0x1] =	wrdreg $0xFFFFFFFF  }
0xc4: {  	_ =	task.clear_ibuf [dreg:s8], $0x2FFFF;
	_ =	strace $0x9FFFFFFF  }
0xc5: {  	(tm) =	ssettm $0x7FFFFFFF  }
tec
execute0_lowered:
.L_overlay_start_1:
0x0: {  	(tag) =	ssettag $0x1  }
0x1: {  	s1 =	rddreg [dreg:$0x0]  }
0x2: {  	s0 =	rddreg [dreg:$0x1]  }
0x3: {  	s2 =	rddreg [dreg:$0x2]  }
0x4: {  	s3 =	rddreg [dreg:$0x3];
	s4 =	simm.s32 $0x0;
	s5 =	srdreg.scid  }
0x5: {  	s15 =	stileid.u32;
	s28 =	simm.s32 $0x4F80;
	s29 =	simm.s32 $0x5B80  }
0x6: {  	s30 =	simm.s32 $0x6780;
	s31 =	simm.s32 $0x2;
	[smem:$0x7FF] =	sst s4  }
0x7: {  	s7 =	sadd.s32 $0x3A00, s0;
	s5 =	sand.u32 $0x1, s5;
	s8 =	sadd.s32 $0x3C00, s0  }
0x8: {  	s9 =	sadd.s32 $0x3E00, s0;
	s20 =	sshll.u32 s15, $0x1;
	s13 =	smul.u32 $0xA00, s15  }
0x9: {  	s14 =	sshll.u32 s15, $0x8;
	_ =	strace $0x80000047;
	s6 =	ssub.s32 $0x2, s5  }
0xa: {  	s12 =	sor.u32 s5, s20;
	s25 =	sor.u32 $0x80, s14;
	s11 =	sshrl.u32 s6, $0x1  }
0xb: {  	s13 =	sshrl.u32 s13, $0x2;
	s22 =	sshrl.u32 s25, $0x3;
	s24 =	smul.u32 $0x140, s12  }
0xc: {  	s11 =	ssub.s32 s6, s11;
	s6 =	smul.u32 $0x280, s15;
	s12 =	sadd.s32 s9, s22  }
0xd: {  	s15 =	sshll.u32 s15, $0x5;
	s13 =	sadd.s32 s13, s3;
	[dreg:$0xa] =	wrdreg s12  }
0xe: {  	s10 =	sadd.s32 $0x4000, s0;
	s21 =	sadd.s32 s7, s15;
	[dreg:$0xd] =	wrdreg s13  }
0xf: {  	s0 =	sadd.s32 $0x4200, s0;
	s7 =	sadd.s32 s7, s22;
	[dreg:$0x5] =	wrdreg s21  }
0x10: {  	p0 =	sne.s32 s5, $0x0;
	s23 =	sadd.s32 s8, s15;
	[dreg:$0x6] =	wrdreg s7  }
0x11: {  	s8 =	sadd.s32 s8, s22;
	s26 =	sadd.s32 s9, s15;
	[dreg:$0x7] =	wrdreg s23  }
0x12: {  	s15 =	sadd.s32 s10, s15;
	s16 =	sadd.s32 $0x80, s24;
	[dreg:$0x8] =	wrdreg s8  }
0x13: {  	s17 =	sshrl.u32 s24, $0x3;
	s12 =	sadd.s32 $0x100, s24;
	[dreg:$0x9] =	wrdreg s26  }
0x14: {  	s10 =	sadd.s32 s10, s22;
	[dreg:$0xb] =	wrdreg s15;
	s9 =	smul.u32 $0x180, s17  }
0x15: {  	s18 =	sshrl.u32 s16, $0x3;
	[dreg:$0xc] =	wrdreg s10;
	s20 =	sshrl.u32 s12, $0x3  }
0x16: {  	s7 =	sadd.s32 s24, s3;
	s8 =	sadd.s32 s16, s3;
	s22 =	sadd.s32 s12, s3  }
0x17: {  	s26 =	smax.u32 s11, $0x1;
	s15 =	simm.s32 $0x2F80;
	[dreg:$0xe] =	wrdreg s7  }
0x18: {  	s16 =	simm.s32 $0x3780;
	s19 =	smul.u32 $0x180, s18;
	[dreg:$0xf] =	wrdreg s8  }
0x19: {  	s17 =	simm.s32 $0x3B80;
	s21 =	smul.u32 $0x180, s20;
	[dreg:$0x10] =	wrdreg s22  }
0x1a: {  	[dreg:$0x14] =	wrdreg s26;
	s26 =	simm.s32 $0x3;
	s8 =	simm.s32 $0x1  }
0x1b: {  	s18 =	simm.s32 $0x4380;
	s20 =	simm.s32 $0x5380;
	s23 =	sadd.s32 s0, s9  }
0x1c: {  	s22 =	simm.s32 $0xCB80;
	s9 =	simm.s32 $0xB80;
	[dreg:$0x11] =	wrdreg s23  }
0x1d: {  	v0 =	vlaneseq.u32;
	s24 =	sadd.s32 s0, s19;
	s0 =	sadd.s32 s0, s21;
	s23 =	sadd.s32 $0x100, s1  }
0x1e: {  	vm0 =	vmmov $0xffff;
	vm1 =	vmmov $0xff;
	v2 =	vshrl.u32 v0, $0x3;
	s19 =	simm.s32 $0x4780;
	s21 =	simm.s32 $0x5F80;
	[dreg:$0x12] =	wrdreg s24  }
0x1f: {  	v1 =	vand.u32 $0x7, v0;
	v3 =	vor.u32 $0x8, v0;
	v2 =	vmul.u32 $0x8, v2;
	[dreg:$0x13] =	wrdreg s0;
	s0 =	simm.s32 $0x80;
	s24 =	simm.s32 $0x0  }
.LBB2_1:
0x20: {  	v4 =	vor.u32 s6, v0  }
0x21: {  	s5 =	simm.s32 $0x40;
	s10 =	simm.s32 $0x0;
	s7 =	smov.u32 s6;
	v4 =	vand.u32 $0xFFF, v4  }
.LBB2_2:
0x22: {  	p1 =	sne.s32 s5, $0x9C0  }
0x23: {  	[tilespmem:s10+$0x280] =	vst v4;
	s7 =	sadd.s32 $0x10, s7;
	s10 =	smov.u32 s5;
	s5 =	sadd.s32 $0x40, s5  }
.Ltmp0:
0x24: {  	(pc) =	sbr.rel @p1 .LBB2_2-.Ltmp0, $3  }
0x25: {  	_ =	sdelay $0x1  }
0x26: {  	v4 =	vor.u32 s7, v0  }
0x27: {  	s10 =	sshra.s32 s10, $0x2;
	v4 =	vand.u32 $0xFFF, v4  }
0x28: {  	[tilespmem:s10+$0x280] =	vst v4;
	s5 =	rddreg [dreg:$0xd];
	s7 =	simm.s32 $0x280  }
0x29: {  	[spmem:s5] =	stream.linear.scatter [tilespmem:s7], [sflag:$0x3], $0x280, $0x38;
	[tilespmem:$0x18B80] =	vst v63  }
0x2a: {  	_ =	swait.ge [sflag:s26], $0x280  }
0x2b: {  	[sflag:s26] =	ssyncset.done $0x0  }
0x2c: {  	[sflag:s26] =	ssyncadd.s32 $0xFFFFFD80  }
0x2d: {  	[bflag:$0x0] =	sbarrier.arrive $0xFFFF  }
0x2e: {  	s12 =	simm.s32 $0x500;
	s5 =	simm.s32 $0x0;
	s11 =	rddreg [dreg:$0x5]  }
0x2f: {  	[tilespmem:s12], [sflag:$0x3] =	stream.linear.gather [hbm4b:s11+s5], $0x80, $0x38;
	[tilespmem:$0x18B80] =	vst v63  }
0x30: {  	_ =	swait.ge [sflag:s26], $0x80  }
0x31: {  	[sflag:s26] =	ssyncset.done $0x0  }
0x32: {  	s14 =	simm.s32 $0x580;
	s13 =	rddreg [dreg:$0x6];
	[sflag:s26] =	ssyncadd.s32 $0xFFFFFF80  }
0x33: {  	[tilespmem:s14], [sflag:$0x3] =	stream.linear.gather [hbm4b:s13+s5], $0x80, $0x38;
	[tilespmem:$0x18B80] =	vst v63  }
0x34: {  	_ =	swait.ge [sflag:s26], $0x80  }
0x35: {  	[sflag:s26] =	ssyncset.done $0x0  }
0x36: {  	s11 =	simm.s32 $0x600;
	s10 =	rddreg [dreg:$0x7];
	[sflag:s26] =	ssyncadd.s32 $0xFFFFFF80  }
0x37: {  	[tilespmem:s11], [sflag:$0x3] =	stream.linear.gather [hbm4b:s10+s5], $0x80, $0x38;
	[tilespmem:$0x18B80] =	vst v63  }
0x38: {  	_ =	swait.ge [sflag:s26], $0x80  }
0x39: {  	[sflag:s26] =	ssyncset.done $0x0  }
0x3a: {  	s13 =	simm.s32 $0x680;
	s12 =	rddreg [dreg:$0x8];
	[sflag:s26] =	ssyncadd.s32 $0xFFFFFF80  }
0x3b: {  	[tilespmem:s13], [sflag:$0x3] =	stream.linear.gather [hbm4b:s12+s5], $0x80, $0x38;
	[tilespmem:$0x18B80] =	vst v63  }
0x3c: {  	_ =	swait.ge [sflag:s26], $0x80  }
0x3d: {  	s7 =	smov.u32 s25;
	s14 =	sadd.s32 $0xFFFFFF80, s25;
	[sflag:s26] =	ssyncset.done $0x0  }
0x3e: {  	v4 =	vor.u32 s25, v0;
	v5 =	vor.u32 s14, v0;
	s10 =	simm.s32 $0x0;
	s5 =	simm.s32 $0x40;
	[sflag:s26] =	ssyncadd.s32 $0xFFFFFF80  }
.LBB2_4:
0x3f: {  	p1 =	sne.s32 s5, $0x1C0  }
0x40: {  	[tilespmem:s10+$0x700] =	vst v5;
	s7 =	sadd.s32 $0x10, s7;
	s11 =	smov.u32 s5;
	s5 =	sadd.s32 $0x40, s5  }
.Ltmp1:
0x41: {  	[tilespmem:s10+$0x780] =	vst v4;
	(pc) =	sbr.rel @p1 .LBB2_4-.Ltmp1, $3  }
0x42: {  	_ =	sdelay $0x1  }
0x43: {  	s10 =	sadd.s32 $0xFFFFFF80, s7  }
0x44: {  	v4 =	vor.u32 s7, v0;
	v5 =	vor.u32 s10, v0;
	s10 =	sshra.s32 s11, $0x2  }
0x45: {  	[tilespmem:s10+$0x700] =	vst v5  }
0x46: {  	[tilespmem:s10+$0x780] =	vst v4;
	s5 =	simm.s32 $0x500;
	s7 =	simm.s32 $0x700  }
0x47: {  	[spmem:s3] =	stream.indirect.scatter [tilespmem:s7], [sflag:$0x1], $0x1, s5, s0, $0xb8;
	[tilespmem:$0x18B80] =	vst v63  }
0x48: {  	s13 =	simm.s32 $0x580;
	s14 =	simm.s32 $0x780  }
0x49: {  	[spmem:s3] =	stream.indirect.scatter [tilespmem:s14], [sflag:$0x1], $0x1, s13, s0, $0xb8;
	[tilespmem:$0x18B80] =	vst v63  }
0x4a: {  	s11 =	simm.s32 $0x600  }
0x4b: {  	[spmem:s3] =	stream.indirect.scatter [tilespmem:s7], [sflag:$0x1], $0x1, s11, s0, $0xb8;
	[tilespmem:$0x18B80] =	vst v63  }
0x4c: {  	s12 =	simm.s32 $0x680  }
0x4d: {  	[spmem:s3] =	stream.indirect.scatter [tilespmem:s14], [sflag:$0x1], $0x1, s12, s0, $0xb8;
	[tilespmem:$0x18B80] =	vst v63  }
0x4e: {  	_ =	swait.ge [sflag:s8], $0x80  }
0x4f: {  	[sflag:s8] =	ssyncset.done $0x0  }
0x50: {  	[sflag:s8] =	ssyncadd.s32 $0xFFFFFF80  }
0x51: {  	_ =	swait.ge [sflag:s8], $0x80  }
0x52: {  	[sflag:s8] =	ssyncset.done $0x0  }
0x53: {  	[sflag:s8] =	ssyncadd.s32 $0xFFFFFF80  }
0x54: {  	_ =	swait.ge [sflag:s8], $0x80  }
0x55: {  	[sflag:s8] =	ssyncset.done $0x0  }
0x56: {  	[sflag:s8] =	ssyncadd.s32 $0xFFFFFF80  }
0x57: {  	_ =	swait.ge [sflag:s8], $0x80  }
0x58: {  	s5 =	simm.s32 @!p0 $0x0;
	[sflag:s8] =	ssyncset.done $0x0  }
0x59: {  	s7 =	simm.s32 @!p0 $0x800;
	s10 =	rddreg [dreg:$0x9];
	[sflag:s8] =	ssyncadd.s32 $0xFFFFFF80  }
0x5a: {  	[tilespmem:s7], [sflag:$0x3] =	stream.linear.gather @!p0 [hbm4b:s10+s5], $0x80, $0x38;
	[tilespmem:$0x18B80] =	vst v63  }
0x5b: {  	s10 =	simm.s32 @!p0 $0x3  }
0x5c: {  	_ =	swait.ge @!p0 [sflag:s10], $0x80  }
0x5d: {  	[sflag:s10] =	ssyncset.done @!p0 $0x0  }
0x5e: {  	s11 =	simm.s32 @!p0 $0x880;
	s12 =	rddreg [dreg:$0xa];
	[sflag:s10] =	ssyncadd.s32 @!p0 $0xFFFFFF80  }
0x5f: {  	[tilespmem:s11], [sflag:$0x3] =	stream.linear.gather @!p0 [hbm4b:s12+s5], $0x80, $0x38;
	[tilespmem:$0x18B80] =	vst v63  }
0x60: {  	_ =	swait.ge @!p0 [sflag:s10], $0x80  }
0x61: {  	[sflag:s10] =	ssyncset.done @!p0 $0x0  }
0x62: {  	s12 =	simm.s32 @!p0 $0x900;
	s13 =	rddreg [dreg:$0xb];
	[sflag:s10] =	ssyncadd.s32 @!p0 $0xFFFFFF80  }
0x63: {  	[tilespmem:s12], [sflag:$0x3] =	stream.linear.gather @!p0 [hbm4b:s13+s5], $0x80, $0x38;
	[tilespmem:$0x18B80] =	vst v63  }
0x64: {  	_ =	swait.ge @!p0 [sflag:s10], $0x80  }
0x65: {  	[sflag:s10] =	ssyncset.done @!p0 $0x0  }
0x66: {  	s13 =	simm.s32 @!p0 $0x980;
	s14 =	rddreg [dreg:$0xc];
	[sflag:s10] =	ssyncadd.s32 @!p0 $0xFFFFFF80  }
0x67: {  	[tilespmem:s13], [sflag:$0x3] =	stream.linear.gather @!p0 [hbm4b:s14+s5], $0x80, $0x38;
	[tilespmem:$0x18B80] =	vst v63  }
0x68: {  	_ =	swait.ge @!p0 [sflag:s10], $0x80  }
0x69: {  	[sflag:s10] =	ssyncset.done @!p0 $0x0  }
0x6a: {  	s5 =	simm.s32 @!p0 $0x80;
	[sflag:s10] =	ssyncadd.s32 @!p0 $0xFFFFFF80;
	s10 =	simm.s32 @!p0 $0x500  }
0x6b: {  	[hbm4b:s2+s5] =	stream.indirect.scatter @!p0 [tilespmem:s7], [sflag:$0x2], $0x1, s10, s5, $0xb8;
	[tilespmem:$0x18B80] =	vst v63  }
0x6c: {  	s7 =	simm.s32 @!p0 $0x580  }
0x6d: {  	[hbm4b:s2+s5] =	stream.indirect.scatter @!p0 [tilespmem:s11], [sflag:$0x2], $0x1, s7, s5, $0xb8;
	[tilespmem:$0x18B80] =	vst v63  }
0x6e: {  	s7 =	simm.s32 @!p0 $0x600  }
0x6f: {  	[hbm4b:s2+s5] =	stream.indirect.scatter @!p0 [tilespmem:s12], [sflag:$0x2], $0x1, s7, s5, $0xb8;
	[tilespmem:$0x18B80] =	vst v63  }
0x70: {  	s7 =	simm.s32 @!p0 $0x680  }
0x71: {  	[hbm4b:s2+s5] =	stream.indirect.scatter @!p0 [tilespmem:s13], [sflag:$0x2], $0x1, s7, s5, $0xb8;
	[tilespmem:$0x18B80] =	vst v63  }
0x72: {  	s5 =	simm.s32 @!p0 $0x2  }
0x73: {  	_ =	swait.ge @!p0 [sflag:s5], $0x80  }
0x74: {  	[sflag:s5] =	ssyncset.done @!p0 $0x0  }
0x75: {  	[sflag:s5] =	ssyncadd.s32 @!p0 $0xFFFFFF80  }
0x76: {  	_ =	swait.ge @!p0 [sflag:s5], $0x80  }
0x77: {  	[sflag:s5] =	ssyncset.done @!p0 $0x0  }
0x78: {  	[sflag:s5] =	ssyncadd.s32 @!p0 $0xFFFFFF80  }
0x79: {  	_ =	swait.ge @!p0 [sflag:s5], $0x80  }
0x7a: {  	[sflag:s5] =	ssyncset.done @!p0 $0x0  }
0x7b: {  	[sflag:s5] =	ssyncadd.s32 @!p0 $0xFFFFFF80  }
0x7c: {  	_ =	swait.ge @!p0 [sflag:s5], $0x80  }
0x7d: {  	[sflag:s5] =	ssyncset.done @!p0 $0x0  }
0x7e: {  	[sflag:s5] =	ssyncadd.s32 @!p0 $0xFFFFFF80  }
0x7f: {  	[bflag:$0x0] =	sbarrier.arrive $0xFFFF  }
0x80: {  	s14 =	simm.s32 $0xA00;
	s13 =	rddreg [dreg:$0xe]  }
0x81: {  	[tilespmem:s14], [sflag:$0x3] =	stream.linear.gather [spmem:s13], $0x80, $0x38;
	[tilespmem:$0x18B80] =	vst v63  }
0x82: {  	_ =	swait.ge [sflag:s26], $0x80  }
0x83: {  	[sflag:s26] =	ssyncset.done $0x0  }
0x84: {  	s11 =	simm.s32 $0xA80;
	s10 =	rddreg [dreg:$0xf];
	[sflag:s26] =	ssyncadd.s32 $0xFFFFFF80  }
0x85: {  	[tilespmem:s11], [sflag:$0x3] =	stream.linear.gather [spmem:s10], $0x80, $0x38;
	[tilespmem:$0x18B80] =	vst v63  }
0x86: {  	_ =	swait.ge [sflag:s26], $0x80  }
0x87: {  	[sflag:s26] =	ssyncset.done $0x0  }
0x88: {  	s13 =	simm.s32 $0xB00;
	s12 =	rddreg [dreg:$0x10];
	[sflag:s26] =	ssyncadd.s32 $0xFFFFFF80  }
0x89: {  	[tilespmem:s13], [sflag:$0x3] =	stream.linear.gather [spmem:s12], $0x40, $0x38;
	[tilespmem:$0x18B80] =	vst v63  }
0x8a: {  	_ =	swait.ge [sflag:s26], $0x40  }
0x8b: {  	[sflag:s26] =	ssyncset.done $0x0  }
0x8c: {  	[sflag:s26] =	ssyncadd.s32 $0xFFFFFFC0  }
0x8d: {  	v4 =	vld [tilespmem:$0xA00];
	_ =	sdelay $0x4  }
0x8e: {  	v5 =	vshrl.u32 v4, $0x3  }
0x8f: {  	v5 =	vmul.u32 $0x18, v5  }
0x90: {  	v4 =	vand.u32 $0x7, v4  }
0x91: {  	v4 =	vor.u32 v4, v5  }
0x92: {  	v5 =	vperm.xlane v4, v1;
	_ =	sdelay $0x1  }
0x93: {  	v5 =	vadd.s32 v2, v5;
	_ =	sdelay $0x1  }
0x94: {  	v4 =	vperm.xlane v4, v3;
	_ =	sdelay $0x1  }
0x95: {  	v4 =	vadd.s32 v2, v4  }
0x96: {  	[tilespmem:s9], [sflag:$0x1] =	stream.indirect_vreg.gather [hbm4b:s1+s4], $0x80, v5, vm0, $0xb8;
	[tilespmem:$0x18B80] =	vst v63  }
0x97: {  	s7 =	simm.s32 $0x1380  }
0x98: {  	[tilespmem:s7], [sflag:$0x1] =	stream.indirect_vreg.gather [hbm4b:s23+s4], $0x80, v5, vm1, $0xb8;
	[tilespmem:$0x18B80] =	vst v63  }
0x99: {  	s10 =	simm.s32 $0x1780  }
0x9a: {  	[tilespmem:s10], [sflag:$0x1] =	stream.indirect_vreg.gather [hbm4b:s1+s4], $0x80, v4, vm0, $0xb8;
	[tilespmem:$0x18B80] =	vst v63  }
0x9b: {  	s11 =	simm.s32 $0x1F80  }
0x9c: {  	[tilespmem:s11], [sflag:$0x1] =	stream.indirect_vreg.gather [hbm4b:s23+s4], $0x80, v4, vm1, $0xb8;
	[tilespmem:$0x18B80] =	vst v63  }
0x9d: {  	v4 =	vld [tilespmem:$0xA10];
	_ =	sdelay $0x4  }
0x9e: {  	v5 =	vshrl.u32 v4, $0x3  }
0x9f: {  	v5 =	vmul.u32 $0x18, v5  }
0xa0: {  	v4 =	vand.u32 $0x7, v4  }
0xa1: {  	v4 =	vor.u32 v4, v5  }
0xa2: {  	v5 =	vperm.xlane v4, v1;
	_ =	sdelay $0x1  }
0xa3: {  	v5 =	vadd.s32 v2, v5;
	_ =	sdelay $0x1  }
0xa4: {  	v4 =	vperm.xlane v4, v3;
	_ =	sdelay $0x1  }
0xa5: {  	s12 =	simm.s32 $0x2380;
	v4 =	vadd.s32 v2, v4  }
0xa6: {  	[tilespmem:s12], [sflag:$0x1] =	stream.indirect_vreg.gather [hbm4b:s1+s4], $0x80, v5, vm0, $0xb8;
	[tilespmem:$0x18B80] =	vst v63  }
0xa7: {  	s13 =	simm.s32 $0x2B80  }
0xa8: {  	[tilespmem:s13], [sflag:$0x1] =	stream.indirect_vreg.gather [hbm4b:s23+s4], $0x80, v5, vm1, $0xb8;
	[tilespmem:$0x18B80] =	vst v63  }
0xa9: {  	_ = 	snop  }
0xaa: {  	[tilespmem:s15], [sflag:$0x1] =	stream.indirect_vreg.gather [hbm4b:s1+s4], $0x80, v4, vm0, $0xb8;
	[tilespmem:$0x18B80] =	vst v63  }
0xab: {  	_ = 	snop  }
0xac: {  	[tilespmem:s16], [sflag:$0x1] =	stream.indirect_vreg.gather [hbm4b:s23+s4], $0x80, v4, vm1, $0xb8;
	[tilespmem:$0x18B80] =	vst v63  }
0xad: {  	v4 =	vld [tilespmem:$0xA20];
	_ =	sdelay $0x4  }
0xae: {  	v5 =	vshrl.u32 v4, $0x3  }
0xaf: {  	v5 =	vmul.u32 $0x18, v5  }
0xb0: {  	v4 =	vand.u32 $0x7, v4  }
0xb1: {  	v4 =	vor.u32 v4, v5  }
0xb2: {  	v5 =	vperm.xlane v4, v1;
	_ =	sdelay $0x1  }
0xb3: {  	v5 =	vadd.s32 v2, v5;
	_ =	sdelay $0x1  }
0xb4: {  	v4 =	vperm.xlane v4, v3;
	_ =	sdelay $0x1  }
0xb5: {  	v4 =	vadd.s32 v2, v4  }
0xb6: {  	[tilespmem:s17], [sflag:$0x1] =	stream.indirect_vreg.gather [hbm4b:s1+s4], $0x80, v5, vm0, $0xb8;
	[tilespmem:$0x18B80] =	vst v63  }
0xb7: {  	_ = 	snop  }
0xb8: {  	[tilespmem:s18], [sflag:$0x1] =	stream.indirect_vreg.gather [hbm4b:s23+s4], $0x80, v5, vm1, $0xb8;
	[tilespmem:$0x18B80] =	vst v63  }
0xb9: {  	_ = 	snop  }
0xba: {  	[tilespmem:s19], [sflag:$0x1] =	stream.indirect_vreg.gather [hbm4b:s1+s4], $0x80, v4, vm0, $0xb8;
	[tilespmem:$0x18B80] =	vst v63  }
0xbb: {  	_ = 	snop  }
0xbc: {  	[tilespmem:s28], [sflag:$0x1] =	stream.indirect_vreg.gather [hbm4b:s23+s4], $0x80, v4, vm1, $0xb8;
	[tilespmem:$0x18B80] =	vst v63  }
0xbd: {  	v4 =	vld [tilespmem:$0xA30];
	_ =	sdelay $0x4  }
0xbe: {  	v5 =	vshrl.u32 v4, $0x3  }
0xbf: {  	v5 =	vmul.u32 $0x18, v5  }
0xc0: {  	v4 =	vand.u32 $0x7, v4  }
0xc1: {  	v4 =	vor.u32 v4, v5  }
0xc2: {  	v5 =	vperm.xlane v4, v1;
	_ =	sdelay $0x1  }
0xc3: {  	v5 =	vadd.s32 v2, v5;
	_ =	sdelay $0x1  }
0xc4: {  	v4 =	vperm.xlane v4, v3;
	_ =	sdelay $0x1  }
0xc5: {  	v4 =	vadd.s32 v2, v4  }
0xc6: {  	[tilespmem:s20], [sflag:$0x1] =	stream.indirect_vreg.gather [hbm4b:s1+s4], $0x80, v5, vm0, $0xb8;
	[tilespmem:$0x18B80] =	vst v63  }
0xc7: {  	_ = 	snop  }
0xc8: {  	[tilespmem:s29], [sflag:$0x1] =	stream.indirect_vreg.gather [hbm4b:s23+s4], $0x80, v5, vm1, $0xb8;
	[tilespmem:$0x18B80] =	vst v63  }
0xc9: {  	_ = 	snop  }
0xca: {  	[tilespmem:s21], [sflag:$0x1] =	stream.indirect_vreg.gather [hbm4b:s1+s4], $0x80, v4, vm0, $0xb8;
	[tilespmem:$0x18B80] =	vst v63  }
0xcb: {  	_ = 	snop  }
0xcc: {  	[tilespmem:s30], [sflag:$0x1] =	stream.indirect_vreg.gather [hbm4b:s23+s4], $0x80, v4, vm1, $0xb8;
	[tilespmem:$0x18B80] =	vst v63  }
0xcd: {  	v4 =	vld [tilespmem:$0xA40];
	_ =	sdelay $0x4  }
0xce: {  	v5 =	vshrl.u32 v4, $0x3  }
0xcf: {  	v5 =	vmul.u32 $0x18, v5  }
0xd0: {  	v4 =	vand.u32 $0x7, v4  }
0xd1: {  	v4 =	vor.u32 v4, v5  }
0xd2: {  	v5 =	vperm.xlane v4, v1;
	_ =	sdelay $0x1  }
0xd3: {  	v5 =	vadd.s32 v2, v5;
	_ =	sdelay $0x1  }
0xd4: {  	v4 =	vperm.xlane v4, v3;
	_ =	sdelay $0x1  }
0xd5: {  	s14 =	simm.s32 $0x6B80;
	v4 =	vadd.s32 v2, v4  }
0xd6: {  	[tilespmem:s14], [sflag:$0x1] =	stream.indirect_vreg.gather [hbm4b:s1+s4], $0x80, v5, vm0, $0xb8;
	[tilespmem:$0x18B80] =	vst v63  }
0xd7: {  	s14 =	simm.s32 $0x7380  }
0xd8: {  	[tilespmem:s14], [sflag:$0x1] =	stream.indirect_vreg.gather [hbm4b:s23+s4], $0x80, v5, vm1, $0xb8;
	[tilespmem:$0x18B80] =	vst v63  }
0xd9: {  	s14 =	simm.s32 $0x7780  }
0xda: {  	[tilespmem:s14], [sflag:$0x1] =	stream.indirect_vreg.gather [hbm4b:s1+s4], $0x80, v4, vm0, $0xb8;
	[tilespmem:$0x18B80] =	vst v63  }
0xdb: {  	s14 =	simm.s32 $0x7F80  }
0xdc: {  	[tilespmem:s14], [sflag:$0x1] =	stream.indirect_vreg.gather [hbm4b:s23+s4], $0x80, v4, vm1, $0xb8;
	[tilespmem:$0x18B80] =	vst v63  }
0xdd: {  	v4 =	vld [tilespmem:$0xA50];
	_ =	sdelay $0x4  }
0xde: {  	v5 =	vshrl.u32 v4, $0x3  }
0xdf: {  	v5 =	vmul.u32 $0x18, v5  }
0xe0: {  	v4 =	vand.u32 $0x7, v4  }
0xe1: {  	v4 =	vor.u32 v4, v5  }
0xe2: {  	v5 =	vperm.xlane v4, v1;
	_ =	sdelay $0x1  }
0xe3: {  	v5 =	vadd.s32 v2, v5;
	_ =	sdelay $0x1  }
0xe4: {  	v4 =	vperm.xlane v4, v3;
	_ =	sdelay $0x1  }
0xe5: {  	s14 =	simm.s32 $0x8380;
	v4 =	vadd.s32 v2, v4  }
0xe6: {  	[tilespmem:s14], [sflag:$0x1] =	stream.indirect_vreg.gather [hbm4b:s1+s4], $0x80, v5, vm0, $0xb8;
	[tilespmem:$0x18B80] =	vst v63  }
0xe7: {  	s14 =	simm.s32 $0x8B80  }
0xe8: {  	[tilespmem:s14], [sflag:$0x1] =	stream.indirect_vreg.gather [hbm4b:s23+s4], $0x80, v5, vm1, $0xb8;
	[tilespmem:$0x18B80] =	vst v63  }
0xe9: {  	s14 =	simm.s32 $0x8F80  }
0xea: {  	[tilespmem:s14], [sflag:$0x1] =	stream.indirect_vreg.gather [hbm4b:s1+s4], $0x80, v4, vm0, $0xb8;
	[tilespmem:$0x18B80] =	vst v63  }
0xeb: {  	s14 =	simm.s32 $0x9780  }
0xec: {  	[tilespmem:s14], [sflag:$0x1] =	stream.indirect_vreg.gather [hbm4b:s23+s4], $0x80, v4, vm1, $0xb8;
	[tilespmem:$0x18B80] =	vst v63  }
0xed: {  	v4 =	vld [tilespmem:$0xA60];
	_ =	sdelay $0x4  }
0xee: {  	v5 =	vshrl.u32 v4, $0x3  }
0xef: {  	v5 =	vmul.u32 $0x18, v5  }
0xf0: {  	v4 =	vand.u32 $0x7, v4  }
0xf1: {  	v4 =	vor.u32 v4, v5  }
0xf2: {  	v5 =	vperm.xlane v4, v1;
	_ =	sdelay $0x1  }
0xf3: {  	v5 =	vadd.s32 v2, v5;
	_ =	sdelay $0x1  }
0xf4: {  	v4 =	vperm.xlane v4, v3;
	_ =	sdelay $0x1  }
0xf5: {  	s14 =	simm.s32 $0x9B80;
	v4 =	vadd.s32 v2, v4  }
0xf6: {  	[tilespmem:s14], [sflag:$0x1] =	stream.indirect_vreg.gather [hbm4b:s1+s4], $0x80, v5, vm0, $0xb8;
	[tilespmem:$0x18B80] =	vst v63  }
0xf7: {  	s14 =	simm.s32 $0xA380  }
0xf8: {  	[tilespmem:s14], [sflag:$0x1] =	stream.indirect_vreg.gather [hbm4b:s23+s4], $0x80, v5, vm1, $0xb8;
	[tilespmem:$0x18B80] =	vst v63  }
0xf9: {  	s14 =	simm.s32 $0xA780  }
0xfa: {  	[tilespmem:s14], [sflag:$0x1] =	stream.indirect_vreg.gather [hbm4b:s1+s4], $0x80, v4, vm0, $0xb8;
	[tilespmem:$0x18B80] =	vst v63  }
0xfb: {  	s14 =	simm.s32 $0xAF80  }
0xfc: {  	[tilespmem:s14], [sflag:$0x1] =	stream.indirect_vreg.gather [hbm4b:s23+s4], $0x80, v4, vm1, $0xb8;
	[tilespmem:$0x18B80] =	vst v63  }
0xfd: {  	v4 =	vld [tilespmem:$0xA70];
	_ =	sdelay $0x4  }
0xfe: {  	v5 =	vshrl.u32 v4, $0x3  }
0xff: {  	v5 =	vmul.u32 $0x18, v5  }
0x100: {  	v4 =	vand.u32 $0x7, v4  }
0x101: {  	v4 =	vor.u32 v4, v5  }
0x102: {  	v5 =	vperm.xlane v4, v1;
	_ =	sdelay $0x1  }
0x103: {  	v5 =	vadd.s32 v2, v5;
	_ =	sdelay $0x1  }
0x104: {  	v4 =	vperm.xlane v4, v3;
	_ =	sdelay $0x1  }
0x105: {  	s14 =	simm.s32 $0xB380;
	v4 =	vadd.s32 v2, v4  }
0x106: {  	[tilespmem:s14], [sflag:$0x1] =	stream.indirect_vreg.gather [hbm4b:s1+s4], $0x80, v5, vm0, $0xb8;
	[tilespmem:$0x18B80] =	vst v63  }
0x107: {  	s14 =	simm.s32 $0xBB80  }
0x108: {  	[tilespmem:s14], [sflag:$0x1] =	stream.indirect_vreg.gather [hbm4b:s23+s4], $0x80, v5, vm1, $0xb8;
	[tilespmem:$0x18B80] =	vst v63  }
0x109: {  	s14 =	simm.s32 $0xBF80  }
0x10a: {  	[tilespmem:s14], [sflag:$0x1] =	stream.indirect_vreg.gather [hbm4b:s1+s4], $0x80, v4, vm0, $0xb8;
	[tilespmem:$0x18B80] =	vst v63  }
0x10b: {  	s14 =	simm.s32 $0xC780  }
0x10c: {  	[tilespmem:s14], [sflag:$0x1] =	stream.indirect_vreg.gather [hbm4b:s23+s4], $0x80, v4, vm1, $0xb8;
	[tilespmem:$0x18B80] =	vst v63  }
0x10d: {  	v4 =	vld [tilespmem:$0xA80];
	_ =	sdelay $0x4  }
0x10e: {  	v5 =	vshrl.u32 v4, $0x3  }
0x10f: {  	v5 =	vmul.u32 $0x18, v5  }
0x110: {  	v4 =	vand.u32 $0x7, v4  }
0x111: {  	v4 =	vor.u32 v4, v5  }
0x112: {  	v5 =	vperm.xlane v4, v1;
	_ =	sdelay $0x1  }
0x113: {  	v5 =	vadd.s32 v2, v5;
	_ =	sdelay $0x1  }
0x114: {  	v4 =	vperm.xlane v4, v3;
	_ =	sdelay $0x1  }
0x115: {  	v4 =	vadd.s32 v2, v4  }
0x116: {  	[tilespmem:s22], [sflag:$0x1] =	stream.indirect_vreg.gather [hbm4b:s1+s4], $0x80, v5, vm0, $0xb8;
	[tilespmem:$0x18B80] =	vst v63  }
0x117: {  	s14 =	simm.s32 $0xD380  }
0x118: {  	[tilespmem:s14], [sflag:$0x1] =	stream.indirect_vreg.gather [hbm4b:s23+s4], $0x80, v5, vm1, $0xb8;
	[tilespmem:$0x18B80] =	vst v63  }
0x119: {  	s14 =	simm.s32 $0xD780  }
0x11a: {  	[tilespmem:s14], [sflag:$0x1] =	stream.indirect_vreg.gather [hbm4b:s1+s4], $0x80, v4, vm0, $0xb8;
	[tilespmem:$0x18B80] =	vst v63  }
0x11b: {  	s14 =	simm.s32 $0xDF80  }
0x11c: {  	[tilespmem:s14], [sflag:$0x1] =	stream.indirect_vreg.gather [hbm4b:s23+s4], $0x80, v4, vm1, $0xb8;
	[tilespmem:$0x18B80] =	vst v63  }
0x11d: {  	v4 =	vld [tilespmem:$0xA90];
	_ =	sdelay $0x4  }
0x11e: {  	v5 =	vshrl.u32 v4, $0x3  }
0x11f: {  	v5 =	vmul.u32 $0x18, v5  }
0x120: {  	v4 =	vand.u32 $0x7, v4  }
0x121: {  	v4 =	vor.u32 v4, v5  }
0x122: {  	v5 =	vperm.xlane v4, v1;
	_ =	sdelay $0x1  }
0x123: {  	v5 =	vadd.s32 v2, v5;
	_ =	sdelay $0x1  }
0x124: {  	v4 =	vperm.xlane v4, v3;
	_ =	sdelay $0x1  }
0x125: {  	s14 =	simm.s32 $0xE380;
	v4 =	vadd.s32 v2, v4  }
0x126: {  	[tilespmem:s14], [sflag:$0x1] =	stream.indirect_vreg.gather [hbm4b:s1+s4], $0x80, v5, vm0, $0xb8;
	[tilespmem:$0x18B80] =	vst v63  }
0x127: {  	s14 =	simm.s32 $0xEB80  }
0x128: {  	[tilespmem:s14], [sflag:$0x1] =	stream.indirect_vreg.gather [hbm4b:s23+s4], $0x80, v5, vm1, $0xb8;
	[tilespmem:$0x18B80] =	vst v63  }
0x129: {  	s14 =	simm.s32 $0xEF80  }
0x12a: {  	[tilespmem:s14], [sflag:$0x1] =	stream.indirect_vreg.gather [hbm4b:s1+s4], $0x80, v4, vm0, $0xb8;
	[tilespmem:$0x18B80] =	vst v63  }
0x12b: {  	s14 =	simm.s32 $0xF780  }
0x12c: {  	[tilespmem:s14], [sflag:$0x1] =	stream.indirect_vreg.gather [hbm4b:s23+s4], $0x80, v4, vm1, $0xb8;
	[tilespmem:$0x18B80] =	vst v63  }
0x12d: {  	v4 =	vld [tilespmem:$0xAA0];
	_ =	sdelay $0x4  }
0x12e: {  	v5 =	vshrl.u32 v4, $0x3  }
0x12f: {  	v5 =	vmul.u32 $0x18, v5  }
0x130: {  	v4 =	vand.u32 $0x7, v4  }
0x131: {  	v4 =	vor.u32 v4, v5  }
0x132: {  	v5 =	vperm.xlane v4, v1;
	_ =	sdelay $0x1  }
0x133: {  	v5 =	vadd.s32 v2, v5;
	_ =	sdelay $0x1  }
0x134: {  	v4 =	vperm.xlane v4, v3;
	_ =	sdelay $0x1  }
0x135: {  	s14 =	simm.s32 $0xFB80;
	v4 =	vadd.s32 v2, v4  }
0x136: {  	[tilespmem:s14], [sflag:$0x1] =	stream.indirect_vreg.gather [hbm4b:s1+s4], $0x80, v5, vm0, $0xb8;
	[tilespmem:$0x18B80] =	vst v63  }
0x137: {  	s14 =	simm.s32 $0x10380  }
0x138: {  	[tilespmem:s14], [sflag:$0x1] =	stream.indirect_vreg.gather [hbm4b:s23+s4], $0x80, v5, vm1, $0xb8;
	[tilespmem:$0x18B80] =	vst v63  }
0x139: {  	s14 =	simm.s32 $0x10780  }
0x13a: {  	[tilespmem:s14], [sflag:$0x1] =	stream.indirect_vreg.gather [hbm4b:s1+s4], $0x80, v4, vm0, $0xb8;
	[tilespmem:$0x18B80] =	vst v63  }
0x13b: {  	s14 =	simm.s32 $0x10F80  }
0x13c: {  	[tilespmem:s14], [sflag:$0x1] =	stream.indirect_vreg.gather [hbm4b:s23+s4], $0x80, v4, vm1, $0xb8;
	[tilespmem:$0x18B80] =	vst v63  }
0x13d: {  	v4 =	vld [tilespmem:$0xAB0];
	_ =	sdelay $0x4  }
0x13e: {  	v5 =	vshrl.u32 v4, $0x3  }
0x13f: {  	v5 =	vmul.u32 $0x18, v5  }
0x140: {  	v4 =	vand.u32 $0x7, v4  }
0x141: {  	v4 =	vor.u32 v4, v5  }
0x142: {  	v5 =	vperm.xlane v4, v1;
	_ =	sdelay $0x1  }
0x143: {  	v5 =	vadd.s32 v2, v5;
	_ =	sdelay $0x1  }
0x144: {  	v4 =	vperm.xlane v4, v3;
	_ =	sdelay $0x1  }
0x145: {  	s14 =	simm.s32 $0x11380;
	v4 =	vadd.s32 v2, v4  }
0x146: {  	[tilespmem:s14], [sflag:$0x1] =	stream.indirect_vreg.gather [hbm4b:s1+s4], $0x80, v5, vm0, $0xb8;
	[tilespmem:$0x18B80] =	vst v63  }
0x147: {  	s14 =	simm.s32 $0x11B80  }
0x148: {  	[tilespmem:s14], [sflag:$0x1] =	stream.indirect_vreg.gather [hbm4b:s23+s4], $0x80, v5, vm1, $0xb8;
	[tilespmem:$0x18B80] =	vst v63  }
0x149: {  	s14 =	simm.s32 $0x11F80  }
0x14a: {  	[tilespmem:s14], [sflag:$0x1] =	stream.indirect_vreg.gather [hbm4b:s1+s4], $0x80, v4, vm0, $0xb8;
	[tilespmem:$0x18B80] =	vst v63  }
0x14b: {  	s14 =	simm.s32 $0x12780  }
0x14c: {  	[tilespmem:s14], [sflag:$0x1] =	stream.indirect_vreg.gather [hbm4b:s23+s4], $0x80, v4, vm1, $0xb8;
	[tilespmem:$0x18B80] =	vst v63  }
0x14d: {  	v4 =	vld [tilespmem:$0xAC0];
	_ =	sdelay $0x4  }
0x14e: {  	v5 =	vshrl.u32 v4, $0x3  }
0x14f: {  	v5 =	vmul.u32 $0x18, v5  }
0x150: {  	v4 =	vand.u32 $0x7, v4  }
0x151: {  	v4 =	vor.u32 v4, v5  }
0x152: {  	v5 =	vperm.xlane v4, v1;
	_ =	sdelay $0x1  }
0x153: {  	v5 =	vadd.s32 v2, v5;
	_ =	sdelay $0x1  }
0x154: {  	v4 =	vperm.xlane v4, v3;
	_ =	sdelay $0x1  }
0x155: {  	s14 =	simm.s32 $0x12B80;
	v4 =	vadd.s32 v2, v4  }
0x156: {  	[tilespmem:s14], [sflag:$0x1] =	stream.indirect_vreg.gather [hbm4b:s1+s4], $0x80, v5, vm0, $0xb8;
	[tilespmem:$0x18B80] =	vst v63  }
0x157: {  	s14 =	simm.s32 $0x13380  }
0x158: {  	[tilespmem:s14], [sflag:$0x1] =	stream.indirect_vreg.gather [hbm4b:s23+s4], $0x80, v5, vm1, $0xb8;
	[tilespmem:$0x18B80] =	vst v63  }
0x159: {  	s14 =	simm.s32 $0x13780  }
0x15a: {  	[tilespmem:s14], [sflag:$0x1] =	stream.indirect_vreg.gather [hbm4b:s1+s4], $0x80, v4, vm0, $0xb8;
	[tilespmem:$0x18B80] =	vst v63  }
0x15b: {  	s14 =	simm.s32 $0x13F80  }
0x15c: {  	[tilespmem:s14], [sflag:$0x1] =	stream.indirect_vreg.gather [hbm4b:s23+s4], $0x80, v4, vm1, $0xb8;
	[tilespmem:$0x18B80] =	vst v63  }
0x15d: {  	v4 =	vld [tilespmem:$0xAD0];
	_ =	sdelay $0x4  }
0x15e: {  	v5 =	vshrl.u32 v4, $0x3  }
0x15f: {  	v5 =	vmul.u32 $0x18, v5  }
0x160: {  	v4 =	vand.u32 $0x7, v4  }
0x161: {  	v4 =	vor.u32 v4, v5  }
0x162: {  	v5 =	vperm.xlane v4, v1;
	_ =	sdelay $0x1  }
0x163: {  	v5 =	vadd.s32 v2, v5;
	_ =	sdelay $0x1  }
0x164: {  	v4 =	vperm.xlane v4, v3;
	_ =	sdelay $0x1  }
0x165: {  	s14 =	simm.s32 $0x14380;
	v4 =	vadd.s32 v2, v4  }
0x166: {  	[tilespmem:s14], [sflag:$0x1] =	stream.indirect_vreg.gather [hbm4b:s1+s4], $0x80, v5, vm0, $0xb8;
	[tilespmem:$0x18B80] =	vst v63  }
0x167: {  	s14 =	simm.s32 $0x14B80  }
0x168: {  	[tilespmem:s14], [sflag:$0x1] =	stream.indirect_vreg.gather [hbm4b:s23+s4], $0x80, v5, vm1, $0xb8;
	[tilespmem:$0x18B80] =	vst v63  }
0x169: {  	s14 =	simm.s32 $0x14F80  }
0x16a: {  	[tilespmem:s14], [sflag:$0x1] =	stream.indirect_vreg.gather [hbm4b:s1+s4], $0x80, v4, vm0, $0xb8;
	[tilespmem:$0x18B80] =	vst v63  }
0x16b: {  	s14 =	simm.s32 $0x15780  }
0x16c: {  	[tilespmem:s14], [sflag:$0x1] =	stream.indirect_vreg.gather [hbm4b:s23+s4], $0x80, v4, vm1, $0xb8;
	[tilespmem:$0x18B80] =	vst v63  }
0x16d: {  	v4 =	vld [tilespmem:$0xAE0];
	_ =	sdelay $0x4  }
0x16e: {  	v5 =	vshrl.u32 v4, $0x3  }
0x16f: {  	v5 =	vmul.u32 $0x18, v5  }
0x170: {  	v4 =	vand.u32 $0x7, v4  }
0x171: {  	v4 =	vor.u32 v4, v5  }
0x172: {  	v5 =	vperm.xlane v4, v1;
	_ =	sdelay $0x1  }
0x173: {  	v5 =	vadd.s32 v2, v5;
	_ =	sdelay $0x1  }
0x174: {  	v4 =	vperm.xlane v4, v3;
	_ =	sdelay $0x1  }
0x175: {  	s14 =	simm.s32 $0x15B80;
	v4 =	vadd.s32 v2, v4  }
0x176: {  	[tilespmem:s14], [sflag:$0x1] =	stream.indirect_vreg.gather [hbm4b:s1+s4], $0x80, v5, vm0, $0xb8;
	[tilespmem:$0x18B80] =	vst v63  }
0x177: {  	s14 =	simm.s32 $0x16380  }
0x178: {  	[tilespmem:s14], [sflag:$0x1] =	stream.indirect_vreg.gather [hbm4b:s23+s4], $0x80, v5, vm1, $0xb8;
	[tilespmem:$0x18B80] =	vst v63  }
0x179: {  	s14 =	simm.s32 $0x16780  }
0x17a: {  	[tilespmem:s14], [sflag:$0x1] =	stream.indirect_vreg.gather [hbm4b:s1+s4], $0x80, v4, vm0, $0xb8;
	[tilespmem:$0x18B80] =	vst v63  }
0x17b: {  	s14 =	simm.s32 $0x16F80  }
0x17c: {  	[tilespmem:s14], [sflag:$0x1] =	stream.indirect_vreg.gather [hbm4b:s23+s4], $0x80, v4, vm1, $0xb8;
	[tilespmem:$0x18B80] =	vst v63  }
0x17d: {  	v4 =	vld [tilespmem:$0xAF0];
	_ =	sdelay $0x4  }
0x17e: {  	v5 =	vshrl.u32 v4, $0x3  }
0x17f: {  	v5 =	vmul.u32 $0x18, v5  }
0x180: {  	v4 =	vand.u32 $0x7, v4  }
0x181: {  	v4 =	vor.u32 v4, v5  }
0x182: {  	v5 =	vperm.xlane v4, v1;
	_ =	sdelay $0x1  }
0x183: {  	v5 =	vadd.s32 v2, v5;
	_ =	sdelay $0x1  }
0x184: {  	v4 =	vperm.xlane v4, v3;
	_ =	sdelay $0x1  }
0x185: {  	s14 =	simm.s32 $0x17380;
	v4 =	vadd.s32 v2, v4  }
0x186: {  	[tilespmem:s14], [sflag:$0x1] =	stream.indirect_vreg.gather [hbm4b:s1+s4], $0x80, v5, vm0, $0xb8;
	[tilespmem:$0x18B80] =	vst v63  }
0x187: {  	s14 =	simm.s32 $0x17B80  }
0x188: {  	[tilespmem:s14], [sflag:$0x1] =	stream.indirect_vreg.gather [hbm4b:s23+s4], $0x80, v5, vm1, $0xb8;
	[tilespmem:$0x18B80] =	vst v63  }
0x189: {  	s14 =	simm.s32 $0x17F80  }
0x18a: {  	[tilespmem:s14], [sflag:$0x1] =	stream.indirect_vreg.gather [hbm4b:s1+s4], $0x80, v4, vm0, $0xb8;
	[tilespmem:$0x18B80] =	vst v63  }
0x18b: {  	s14 =	simm.s32 $0x18780  }
0x18c: {  	[tilespmem:s14], [sflag:$0x1] =	stream.indirect_vreg.gather [hbm4b:s23+s4], $0x80, v4, vm1, $0xb8;
	[tilespmem:$0x18B80] =	vst v63  }
0x18d: {  	_ =	swait.ge [sflag:s8], $0xC000  }
0x18e: {  	[sflag:s8] =	ssyncset.done $0x0  }
0x18f: {  	s14 =	rddreg [dreg:$0x11];
	[sflag:s8] =	ssyncadd.s32 $0xFFFF4000  }
0x190: {  	[hbm4b:s14+s4] =	stream.linear.scatter [tilespmem:s9], [sflag:$0x2], $0xC000, $0x38;
	[tilespmem:$0x18B80] =	vst v63  }
0x191: {  	_ =	swait.ge [sflag:s8], $0xC000  }
0x192: {  	[sflag:s8] =	ssyncset.done $0x0  }
0x193: {  	s14 =	rddreg [dreg:$0x12];
	[sflag:s8] =	ssyncadd.s32 $0xFFFF4000  }
0x194: {  	[hbm4b:s14+s4] =	stream.linear.scatter [tilespmem:s22], [sflag:$0x2], $0xC000, $0x38;
	[tilespmem:$0x18B80] =	vst v63  }
0x195: {  	_ =	swait.ge [sflag:s31], $0xC000  }
0x196: {  	[sflag:s31] =	ssyncset.done $0x0  }
0x197: {  	[sflag:s31] =	ssyncadd.s32 $0xFFFF4000  }
0x198: {  	v4 =	vld [tilespmem:$0xB00];
	_ =	sdelay $0x4  }
0x199: {  	v5 =	vshrl.u32 v4, $0x3  }
0x19a: {  	v5 =	vmul.u32 $0x18, v5  }
0x19b: {  	v4 =	vand.u32 $0x7, v4  }
0x19c: {  	v4 =	vor.u32 v4, v5  }
0x19d: {  	v5 =	vperm.xlane v4, v1;
	_ =	sdelay $0x1  }
0x19e: {  	v5 =	vadd.s32 v2, v5;
	_ =	sdelay $0x1  }
0x19f: {  	v4 =	vperm.xlane v4, v3;
	_ =	sdelay $0x1  }
0x1a0: {  	v4 =	vadd.s32 v2, v4  }
0x1a1: {  	[tilespmem:s9], [sflag:$0x1] =	stream.indirect_vreg.gather [hbm4b:s1+s4], $0x80, v5, vm0, $0xb8;
	[tilespmem:$0x18B80] =	vst v63  }
0x1a2: {  	_ = 	snop  }
0x1a3: {  	[tilespmem:s7], [sflag:$0x1] =	stream.indirect_vreg.gather [hbm4b:s23+s4], $0x80, v5, vm1, $0xb8;
	[tilespmem:$0x18B80] =	vst v63  }
0x1a4: {  	_ = 	snop  }
0x1a5: {  	[tilespmem:s10], [sflag:$0x1] =	stream.indirect_vreg.gather [hbm4b:s1+s4], $0x80, v4, vm0, $0xb8;
	[tilespmem:$0x18B80] =	vst v63  }
0x1a6: {  	_ = 	snop  }
0x1a7: {  	[tilespmem:s11], [sflag:$0x1] =	stream.indirect_vreg.gather [hbm4b:s23+s4], $0x80, v4, vm1, $0xb8;
	[tilespmem:$0x18B80] =	vst v63  }
0x1a8: {  	v4 =	vld [tilespmem:$0xB10];
	_ =	sdelay $0x4  }
0x1a9: {  	v5 =	vshrl.u32 v4, $0x3  }
0x1aa: {  	v5 =	vmul.u32 $0x18, v5  }
0x1ab: {  	v4 =	vand.u32 $0x7, v4  }
0x1ac: {  	v4 =	vor.u32 v4, v5  }
0x1ad: {  	v5 =	vperm.xlane v4, v1;
	_ =	sdelay $0x1  }
0x1ae: {  	v5 =	vadd.s32 v2, v5;
	_ =	sdelay $0x1  }
0x1af: {  	v4 =	vperm.xlane v4, v3;
	_ =	sdelay $0x1  }
0x1b0: {  	v4 =	vadd.s32 v2, v4  }
0x1b1: {  	[tilespmem:s12], [sflag:$0x1] =	stream.indirect_vreg.gather [hbm4b:s1+s4], $0x80, v5, vm0, $0xb8;
	[tilespmem:$0x18B80] =	vst v63  }
0x1b2: {  	_ = 	snop  }
0x1b3: {  	[tilespmem:s13], [sflag:$0x1] =	stream.indirect_vreg.gather [hbm4b:s23+s4], $0x80, v5, vm1, $0xb8;
	[tilespmem:$0x18B80] =	vst v63  }
0x1b4: {  	_ = 	snop  }
0x1b5: {  	[tilespmem:s15], [sflag:$0x1] =	stream.indirect_vreg.gather [hbm4b:s1+s4], $0x80, v4, vm0, $0xb8;
	[tilespmem:$0x18B80] =	vst v63  }
0x1b6: {  	_ = 	snop  }
0x1b7: {  	[tilespmem:s16], [sflag:$0x1] =	stream.indirect_vreg.gather [hbm4b:s23+s4], $0x80, v4, vm1, $0xb8;
	[tilespmem:$0x18B80] =	vst v63  }
0x1b8: {  	v4 =	vld [tilespmem:$0xB20];
	_ =	sdelay $0x4  }
0x1b9: {  	v5 =	vshrl.u32 v4, $0x3  }
0x1ba: {  	v5 =	vmul.u32 $0x18, v5  }
0x1bb: {  	v4 =	vand.u32 $0x7, v4  }
0x1bc: {  	v4 =	vor.u32 v4, v5  }
0x1bd: {  	v5 =	vperm.xlane v4, v1;
	_ =	sdelay $0x1  }
0x1be: {  	v5 =	vadd.s32 v2, v5;
	_ =	sdelay $0x1  }
0x1bf: {  	v4 =	vperm.xlane v4, v3;
	_ =	sdelay $0x1  }
0x1c0: {  	v4 =	vadd.s32 v2, v4  }
0x1c1: {  	[tilespmem:s17], [sflag:$0x1] =	stream.indirect_vreg.gather [hbm4b:s1+s4], $0x80, v5, vm0, $0xb8;
	[tilespmem:$0x18B80] =	vst v63  }
0x1c2: {  	_ = 	snop  }
0x1c3: {  	[tilespmem:s18], [sflag:$0x1] =	stream.indirect_vreg.gather [hbm4b:s23+s4], $0x80, v5, vm1, $0xb8;
	[tilespmem:$0x18B80] =	vst v63  }
0x1c4: {  	_ = 	snop  }
0x1c5: {  	[tilespmem:s19], [sflag:$0x1] =	stream.indirect_vreg.gather [hbm4b:s1+s4], $0x80, v4, vm0, $0xb8;
	[tilespmem:$0x18B80] =	vst v63  }
0x1c6: {  	_ = 	snop  }
0x1c7: {  	[tilespmem:s28], [sflag:$0x1] =	stream.indirect_vreg.gather [hbm4b:s23+s4], $0x80, v4, vm1, $0xb8;
	[tilespmem:$0x18B80] =	vst v63  }
0x1c8: {  	v4 =	vld [tilespmem:$0xB30];
	_ =	sdelay $0x4  }
0x1c9: {  	v5 =	vshrl.u32 v4, $0x3  }
0x1ca: {  	v5 =	vmul.u32 $0x18, v5  }
0x1cb: {  	v4 =	vand.u32 $0x7, v4  }
0x1cc: {  	v4 =	vor.u32 v4, v5  }
0x1cd: {  	v5 =	vperm.xlane v4, v1;
	_ =	sdelay $0x1  }
0x1ce: {  	v5 =	vadd.s32 v2, v5;
	_ =	sdelay $0x1  }
0x1cf: {  	v4 =	vperm.xlane v4, v3;
	_ =	sdelay $0x1  }
0x1d0: {  	v4 =	vadd.s32 v2, v4  }
0x1d1: {  	[tilespmem:s20], [sflag:$0x1] =	stream.indirect_vreg.gather [hbm4b:s1+s4], $0x80, v5, vm0, $0xb8;
	[tilespmem:$0x18B80] =	vst v63  }
0x1d2: {  	_ = 	snop  }
0x1d3: {  	[tilespmem:s29], [sflag:$0x1] =	stream.indirect_vreg.gather [hbm4b:s23+s4], $0x80, v5, vm1, $0xb8;
	[tilespmem:$0x18B80] =	vst v63  }
0x1d4: {  	_ = 	snop  }
0x1d5: {  	[tilespmem:s21], [sflag:$0x1] =	stream.indirect_vreg.gather [hbm4b:s1+s4], $0x80, v4, vm0, $0xb8;
	[tilespmem:$0x18B80] =	vst v63  }
0x1d6: {  	_ = 	snop  }
0x1d7: {  	[tilespmem:s30], [sflag:$0x1] =	stream.indirect_vreg.gather [hbm4b:s23+s4], $0x80, v4, vm1, $0xb8;
	[tilespmem:$0x18B80] =	vst v63  }
0x1d8: {  	_ =	swait.ge [sflag:s8], $0x6000  }
0x1d9: {  	[sflag:s8] =	ssyncset.done $0x0  }
0x1da: {  	s13 =	rddreg [dreg:$0x13];
	[sflag:s8] =	ssyncadd.s32 $0xFFFFA000  }
0x1db: {  	[hbm4b:s13+s4] =	stream.linear.scatter [tilespmem:s9], [sflag:$0x2], $0x6000, $0x38;
	[tilespmem:$0x18B80] =	vst v63  }
0x1dc: {  	_ =	swait.ge [sflag:s31], $0xC000  }
0x1dd: {  	[sflag:s31] =	ssyncset.done $0x0  }
0x1de: {  	[sflag:s31] =	ssyncadd.s32 $0xFFFF4000  }
0x1df: {  	_ =	swait.ge [sflag:s31], $0x6000  }
0x1e0: {  	s24 =	sadd.s32 $0x1, s24;
	s14 =	rddreg [dreg:$0x14]  }
0x1e1: {  	p1 =	sne.s32 s24, s14  }
.Ltmp2:
0x1e2: {  	_ = 	snop;
	(pc) =	sbr.rel @p1 .LBB2_1-.Ltmp2, $3  }
0x1e3: {  	_ =	sdelay $0x1  }
0x1e4: {  	[sflag:s31] =	ssyncset.done $0x0  }
0x1e5: {  	[sflag:s31] =	ssyncadd.s32 $0xFFFFA000  }
0x1e6: {  	_ =	sfence.sel $0x180000  }
0x1e7: {  	[bflag:$0x0] =	sbarrier.arrive $0xFFFF  }
0x1e8: {  	_ =	strace $0x90000047  }
0x1e9: {  	s0 =	stileid.u32;
	[bflag:$0x2] =	sbarrier.arrive $0xFFFF  }
0x1ea: {  	p0 =	sne.s32 s0, $0x0;
	s0 =	rddreg [dreg:$0x4]  }
0x1eb: {  	s0 =	sadd.s32 @!p0 $0x100000, s0  }
0x1ec: {  	[sflag:s0] =	ssyncadd.tile.s32 @!p0 $0x1;
	_ =	shalt  }
.Lfunc_end2:
_tile_overlayer_lowered:
.L_overlay_start_2:
0x1ed: {  	(tag) =	ssettag $0x2  }
0x1ee: {  	s0 =	rddreg [dreg:$0x0];
	s2 =	stileid.u32  }
0x1ef: {  	s1 =	rddreg [dreg:$0x1];
	p0 =	sne.s32 s2, $0x0  }
0x1f0: {  	s3 =	rddreg [dreg:$0x2];
	[bflag:$0x3] =	sbarrier.arrive $0xFFFF;
	s2 =	simm.s32 @!p0 $0x1C03  }
0x1f1: {  	[timem:s3], [sflag:s2] =	dma.local @!p0 [hbm:s0], s1  }
0x1f2: {  	s0 =	simm.s32 @!p0 $0x3  }
0x1f3: {  	_ =	swait.ge @!p0 [sflag:s0], s1  }
0x1f4: {  	s1 =	ssub.s32 @!p0 $0x0, s1;
	[sflag:s0] =	ssyncset.done @!p0 $0x0  }
0x1f5: {  	[sflag:s0] =	ssyncadd.s32 @!p0 s1  }
0x1f6: {  	[bflag:$0x3] =	sbarrier.arrive $0xFFFF  }
0x1f7: {  	_ =	shalt  }

</sc_bundles>
